<compile_context>
chip_gen: v7x
topology: tpu7x:2x2x1
jax: 0.10.2.dev20260603
libtpu: 0.0.44.dev20260713+nightly
codegen_flags: <defaults>
</compile_context>

<pallas_src>
import functools

import jax
import jax.numpy as jnp
from jax import lax
from jax.experimental import pallas as pl
from jax.experimental.pallas import tpu as pltpu
from jax.experimental.pallas import tpu_sc as plsc

_N = 10000
_E = 320000
_D = 128

_NW = 32
_CH = 128
_NCH = 80
_EPT = _CH * _NCH
_NP = 10240
_RPT = _NP // 16
_R = 512

_mesh = plsc.VectorSubcoreMesh(core_axis_name="c", subcore_axis_name="s")



def _deg_body(dst_hbm, const_hbm, out_hbm, dst_v, ones_v, zer_v, accum, sem):
    cid = lax.axis_index("c")
    sid = lax.axis_index("s")
    wid = cid * 16 + sid
    pltpu.sync_copy(dst_hbm.at[wid], dst_v)
    pltpu.sync_copy(const_hbm.at[0], zer_v)
    pltpu.sync_copy(const_hbm.at[1], ones_v)
    base = sid * _RPT
    for i in range(_RPT // _CH):
        pltpu.sync_copy(zer_v, accum.at[pl.ds(base + i * _CH, _CH)])
    plsc.subcore_barrier()

    def chunk(j, carry):
        pltpu.sync_copy(ones_v, accum.at[dst_v.at[j]], add=True)
        return carry

    lax.fori_loop(0, _NCH, chunk, 0)
    plsc.subcore_barrier()
    pltpu.sync_copy(accum.at[pl.ds(base, _RPT)], out_hbm.at[cid, pl.ds(base, _RPT)])


_deg_call = functools.partial(
    pl.kernel,
    out_type=jax.ShapeDtypeStruct((2, _NP, 16), jnp.float32),
    mesh=_mesh,
    scratch_types=[
        pltpu.VMEM((_NCH, _CH), jnp.int32),
        pltpu.VMEM((_CH, 16), jnp.float32),
        pltpu.VMEM((_CH, 16), jnp.float32),
        pltpu.VMEM_SHARED((_NP, 16), jnp.float32),
        pltpu.SemaphoreType.DMA,
    ],
)(_deg_body)


_DH = _D // 2


def _gs_body(y_hbm, srcA_hbm, srcB_hbm, dst_hbm, zer_hbm, out_hbm,
             srcA_v, srcB_v, dst_v, zer_v, buf0, buf1, accum, sem0, sem1):
    cid = lax.axis_index("c")
    sid = lax.axis_index("s")
    wid = cid * 16 + sid
    pltpu.sync_copy(srcA_hbm.at[wid], srcA_v)
    pltpu.sync_copy(srcB_hbm.at[wid], srcB_v)
    pltpu.sync_copy(dst_hbm.at[wid], dst_v)
    pltpu.sync_copy(zer_hbm, zer_v)
    base = sid * _RPT
    for half, idx_v in ((0, srcA_v), (1, srcB_v)):
        for i in range(_RPT // _CH):
            pltpu.sync_copy(zer_v, accum.at[pl.ds(base + i * _CH, _CH)])
        plsc.subcore_barrier()

        def pair(p, carry, idx_v=idx_v):
            j0 = p * 2
            j1 = j0 + 1
            c0 = pltpu.async_copy(y_hbm.at[idx_v.at[j0]], buf0, sem0)
            c1 = pltpu.async_copy(y_hbm.at[idx_v.at[j1]], buf1, sem1)
            c0.wait()
            pltpu.sync_copy(buf0, accum.at[dst_v.at[j0]], add=True)
            c1.wait()
            pltpu.sync_copy(buf1, accum.at[dst_v.at[j1]], add=True)
            return carry

        lax.fori_loop(0, _NCH // 2, pair, 0)
        plsc.subcore_barrier()
        pltpu.sync_copy(accum.at[pl.ds(base, _RPT)],
                        out_hbm.at[cid, half, pl.ds(base, _RPT)])


_gs_call = functools.partial(
    pl.kernel,
    out_type=jax.ShapeDtypeStruct((2, 2, _NP, _DH), jnp.float32),
    mesh=_mesh,
    compiler_params=pltpu.CompilerParams(use_tc_tiling_on_sc=False),
    scratch_types=[
        pltpu.VMEM((_NCH, _CH), jnp.int32),
        pltpu.VMEM((_NCH, _CH), jnp.int32),
        pltpu.VMEM((_NCH, _CH), jnp.int32),
        pltpu.VMEM((_CH, _DH), jnp.float32),
        pltpu.VMEM((_CH, _DH), jnp.float32),
        pltpu.VMEM((_CH, _DH), jnp.float32),
        pltpu.VMEM_SHARED((_NP, _DH), jnp.float32),
        pltpu.SemaphoreType.DMA,
        pltpu.SemaphoreType.DMA,
    ],
)(_gs_body)



_SQRT2 = 1.4142135623730951


def _pre_body(deg_ref, x_ref, w_ref, y_ref, dis_ref):
    deg = deg_ref[0] + deg_ref[1] + 1.0
    dis16 = lax.rsqrt(deg)
    dis = dis16[:, :1]
    xw = jnp.dot(x_ref[...], w_ref[...], preferred_element_type=jnp.float32)
    y_ref[...] = dis * xw
    dis_ref[...] = dis16


def _norm_gelu(s_ref, y_ref, dis_ref, b_ref, g_ref, bb_ref):
    dis = dis_ref[:, :1]
    s = jnp.concatenate([s_ref[0, 0] + s_ref[1, 0],
                         s_ref[0, 1] + s_ref[1, 1]], axis=-1)
    h = dis * (s + y_ref[...]) + b_ref[...]
    mu = jnp.mean(h, axis=-1, keepdims=True)
    hc = h - mu
    var = jnp.mean(hc * hc, axis=-1, keepdims=True)
    hn = hc * lax.rsqrt(var + 1e-5) * g_ref[...] + bb_ref[...]
    return 0.5 * hn * (1.0 + lax.erf(hn / _SQRT2)), dis


def _mid_body(s_ref, y_ref, dis_ref, b_ref, g_ref, bb_ref, w_ref, out_ref):
    ge, dis = _norm_gelu(s_ref, y_ref, dis_ref, b_ref, g_ref, bb_ref)
    out_ref[...] = dis * jnp.dot(ge, w_ref[...], preferred_element_type=jnp.float32)


def _fin_body(s_ref, y_ref, dis_ref, b_ref, g_ref, bb_ref, out_ref):
    ge, _ = _norm_gelu(s_ref, y_ref, dis_ref, b_ref, g_ref, bb_ref)
    out_ref[...] = ge


def _tc_pre(deg2, x_p, w):
    return pl.pallas_call(
        _pre_body,
        grid=(_NP // _R,),
        in_specs=[
            pl.BlockSpec((2, _R, 16), lambda i: (0, i, 0)),
            pl.BlockSpec((_R, _D), lambda i: (i, 0)),
            pl.BlockSpec((_D, _D), lambda i: (0, 0)),
        ],
        out_specs=[
            pl.BlockSpec((_R, _D), lambda i: (i, 0)),
            pl.BlockSpec((_R, 16), lambda i: (i, 0)),
        ],
        out_shape=[
            jax.ShapeDtypeStruct((_NP, _D), jnp.float32),
            jax.ShapeDtypeStruct((_NP, 16), jnp.float32),
        ],
    )(deg2, x_p, w)


def _row_specs():
    return [
        pl.BlockSpec((2, 2, _R, _DH), lambda i: (0, 0, i, 0)),
        pl.BlockSpec((_R, _D), lambda i: (i, 0)),
        pl.BlockSpec((_R, 16), lambda i: (i, 0)),
        pl.BlockSpec((1, _D), lambda i: (0, 0)),
        pl.BlockSpec((1, _D), lambda i: (0, 0)),
        pl.BlockSpec((1, _D), lambda i: (0, 0)),
    ]


def _tc_mid(s2, y, dis, b, g, bb, w):
    return pl.pallas_call(
        _mid_body,
        grid=(_NP // _R,),
        in_specs=_row_specs() + [pl.BlockSpec((_D, _D), lambda i: (0, 0))],
        out_specs=pl.BlockSpec((_R, _D), lambda i: (i, 0)),
        out_shape=jax.ShapeDtypeStruct((_NP, _D), jnp.float32),
    )(s2, y, dis, b, g, bb, w)


def _tc_fin(s2, y, dis, b, g, bb):
    return pl.pallas_call(
        _fin_body,
        grid=(_NP // _R,),
        in_specs=_row_specs(),
        out_specs=pl.BlockSpec((_R, _D), lambda i: (i, 0)),
        out_shape=jax.ShapeDtypeStruct((_NP, _D), jnp.float32),
    )(s2, y, dis, b, g, bb)



def kernel(x, edge_index, W1, b1, W2, b2, W3, b3, ln_g, ln_b, gn_g, gn_b):
    pad = _NW * _EPT - _E
    src = jnp.concatenate([edge_index[0], jnp.zeros((pad,), jnp.int32)])
    dst = jnp.concatenate([edge_index[1], jnp.full((pad,), _NP - 1, jnp.int32)])
    srcA = (src * 2).reshape(_NW, _NCH, _CH)
    srcB = (src * 2 + 1).reshape(_NW, _NCH, _CH)
    dst = dst.reshape(_NW, _NCH, _CH)

    const16 = jnp.stack([jnp.zeros((_CH, 16), jnp.float32),
                         jnp.ones((_CH, 16), jnp.float32)])
    zer_d = jnp.zeros((_CH, _DH), jnp.float32)
    x_p = jnp.concatenate([x, jnp.zeros((_NP - _N, _D), jnp.float32)])

    b1r = b1.reshape(1, _D)
    b2r = b2.reshape(1, _D)
    b3r = b3.reshape(1, _D)
    ln_gr = ln_g.reshape(1, _D)
    ln_br = ln_b.reshape(1, _D)
    gn_gr = gn_g.reshape(1, _D)
    gn_br = gn_b.reshape(1, _D)

    deg2 = _deg_call(dst, const16)
    y1, dis = _tc_pre(deg2, x_p, W1)
    s1 = _gs_call(y1.reshape(2 * _NP, _DH), srcA, srcB, dst, zer_d)
    y2 = _tc_mid(s1, y1, dis, b1r, ln_gr, ln_br, W2)
    s2 = _gs_call(y2.reshape(2 * _NP, _DH), srcA, srcB, dst, zer_d)
    y3 = _tc_mid(s2, y2, dis, b2r, gn_gr, gn_br, W3)
    s3 = _gs_call(y3.reshape(2 * _NP, _DH), srcA, srcB, dst, zer_d)
    h = _tc_fin(s3, y3, dis, b3r, ln_gr, ln_br)
    return h[:_N]

# --- scband reference (transcript-rebuilt; emitter-appended) ---
"""Pipeline reference for scband-res-gcn-41532333752501 (READ-ONLY COPY).

The authoritative reference and input builder live on the scoring server;
editing this copy changes nothing except your own understanding.
"""

import jax, jax.numpy as jnp
import numpy as np

N = 10000
E = 320000
D = 128


def setup_inputs(seed: int = 0) -> dict:
    key = jax.random.key(seed)
    ks = jax.random.split(key, 12)
    x = jax.random.normal(ks[0], (N, D), dtype=jnp.float32)
    edge_index = jax.random.randint(ks[1], (2, E), 0, N, dtype=jnp.int32)
    s = 1.0 / np.sqrt(D)
    W1 = jax.random.normal(ks[2], (D, D), dtype=jnp.float32) * s
    b1 = jnp.zeros((D,), dtype=jnp.float32)
    W2 = jax.random.normal(ks[3], (D, D), dtype=jnp.float32) * s
    b2 = jnp.zeros((D,), dtype=jnp.float32)
    W3 = jax.random.normal(ks[4], (D, D), dtype=jnp.float32) * s
    b3 = jnp.zeros((D,), dtype=jnp.float32)
    ln_g = jnp.ones((D,), dtype=jnp.float32)
    ln_b = jnp.zeros((D,), dtype=jnp.float32)
    gn_g = jnp.ones((D,), dtype=jnp.float32)
    gn_b = jnp.zeros((D,), dtype=jnp.float32)
    return {"x": x, "edge_index": edge_index, "W1": W1, "b1": b1, "W2": W2, "b2": b2, "W3": W3, "b3": b3, "ln_g": ln_g, "ln_b": ln_b, "gn_g": gn_g, "gn_b": gn_b}


def _gcn_conv(x, edge_index, W, b):
    # PyG GCNConv: add self-loops, symmetric normalization D^-1/2 (A+I) D^-1/2 X W + b
    src = edge_index[0]
    dst = edge_index[1]
    loop = jnp.arange(N, dtype=src.dtype)
    src = jnp.concatenate([src, loop])
    dst = jnp.concatenate([dst, loop])
    deg = jnp.zeros((N,), dtype=x.dtype).at[dst].add(1.0)
    deg_inv_sqrt = jnp.where(deg > 0, jax.lax.rsqrt(jnp.maximum(deg, 1e-12)), 0.0)
    norm = deg_inv_sqrt[src] * deg_inv_sqrt[dst]
    xw = x @ W
    msg = xw[src] * norm[:, None]
    out = jnp.zeros((N, W.shape[1]), dtype=x.dtype).at[dst].add(msg)
    return out + b


def _layer_norm(x, g, b, eps=1e-5):
    mu = jnp.mean(x, axis=-1, keepdims=True)
    var = jnp.mean((x - mu) ** 2, axis=-1, keepdims=True)
    return (x - mu) / jnp.sqrt(var + eps) * g + b


def reference(x, edge_index, W1, b1, W2, b2, W3, b3, ln_g, ln_b, gn_g, gn_b):
    # eval mode: dropout is identity
    h = _gcn_conv(x, edge_index, W1, b1)
    h = _layer_norm(h, ln_g, ln_b)
    h = jax.nn.gelu(h, approximate=False)
    h = _gcn_conv(h, edge_index, W2, b2)
    h = _layer_norm(h, gn_g, gn_b)
    h = jax.nn.gelu(h, approximate=False)
    h = _gcn_conv(h, edge_index, W3, b3)
    h = _layer_norm(h, ln_g, ln_b)
    h = jax.nn.gelu(h, approximate=False)
    return h

if __name__ == "__main__":
    import jax
    _d = setup_inputs()
    print(jax.jit(kernel)(*tuple(_d.values())))

</pallas_src>

<mosaic_0001>
#map = affine_map<(d0, d1) -> (0, 0)>
#map1 = affine_map<(d0, d1) -> (0, 0, 0)>
#map2 = affine_map<(d0, d1) -> (0, 0, 0, 0)>
module attributes {stable_mosaic.version = 14 : i64} {
  func.func @_gs_body(%arg0: i32, %arg1: i32, %arg2: memref<20480x64xf32, #tpu.memory_space<hbm>>, %arg3: memref<32x80x128xi32, #tpu.memory_space<hbm>>, %arg4: memref<32x80x128xi32, #tpu.memory_space<hbm>>, %arg5: memref<32x80x128xi32, #tpu.memory_space<hbm>>, %arg6: memref<128x64xf32, #tpu.memory_space<hbm>>, %arg7: memref<2x2x10240x64xf32, #tpu.memory_space<hbm>>, %arg8: memref<80x128xi32, #tpu.memory_space<vmem>>, %arg9: memref<80x128xi32, #tpu.memory_space<vmem>>, %arg10: memref<80x128xi32, #tpu.memory_space<vmem>>, %arg11: memref<128x64xf32, #tpu.memory_space<vmem>>, %arg12: memref<128x64xf32, #tpu.memory_space<vmem>>, %arg13: memref<128x64xf32, #tpu.memory_space<vmem>>, %arg14: memref<10240x64xf32, #tpu.memory_space<vmem_shared>>, %arg15: memref<!tpu.dma_semaphore, #tpu.memory_space<semaphore_mem>>, %arg16: memref<!tpu.dma_semaphore, #tpu.memory_space<semaphore_mem>>) attributes {dimension_semantics = [#tpu.dimension_semantics<core_parallel>, #tpu.dimension_semantics<subcore_parallel>], iteration_bounds = array<i64: 2, 16>, scalar_prefetch = 0 : i64, scratch_operands = 9 : i64, tpu.core_type = #tpu.core_type<sc_vector_subcore>, window_params = [{transform_indices = #map}, {transform_indices = #map1}, {transform_indices = #map1}, {transform_indices = #map1}, {transform_indices = #map}, {transform_indices = #map2}]} {
    %mul3A = arith.constant 16 : i32
    %mul3A_0 = arith.muli %arg0, %mul3A : i32
    %add3A = arith.addi %mul3A_0, %arg1 : i32
    "tpu.region"() ({
      %run_scoped3A_38 = tpu.sem_alloc : memref<!tpu.dma_semaphore, #tpu.memory_space<semaphore_mem>>
      %dma_start3A = arith.constant 0 : i32
      %dma_start3A_39 = arith.constant 0 : i32
      %dma_start3A_40 = tpu.memref_slice %arg3[%add3A, %dma_start3A, %dma_start3A_39] : memref<32x80x128xi32, #tpu.memory_space<hbm>> -> memref<1x80x128xi32, #tpu.memory_space<hbm>>
      %dma_start3A_41 = tpu.memref_squeeze %dma_start3A_40 : memref<1x80x128xi32, #tpu.memory_space<hbm>> -> memref<80x128xi32, #tpu.memory_space<hbm>>
      %dma_start3A_42 = arith.constant 0 : i32
      %dma_start3A_43 = arith.constant 0 : i32
      %dma_start3A_44 = tpu.memref_slice %arg3[%add3A, %dma_start3A_42, %dma_start3A_43] : memref<32x80x128xi32, #tpu.memory_space<hbm>> -> memref<1x80x128xi32, #tpu.memory_space<hbm>>
      %dma_start3A_45 = tpu.memref_squeeze %dma_start3A_44 : memref<1x80x128xi32, #tpu.memory_space<hbm>> -> memref<80x128xi32, #tpu.memory_space<hbm>>
      tpu.enqueue_dma source(%dma_start3A_45 : memref<80x128xi32, #tpu.memory_space<hbm>>) target(%arg8 : memref<80x128xi32, #tpu.memory_space<vmem>>) target_semaphore(%run_scoped3A_38 : memref<!tpu.dma_semaphore, #tpu.memory_space<semaphore_mem>>)
      %dma_wait3A = arith.constant 0 : i32
      %dma_wait3A_46 = arith.constant 0 : i32
      %dma_wait3A_47 = tpu.memref_slice %arg3[%add3A, %dma_wait3A, %dma_wait3A_46] : memref<32x80x128xi32, #tpu.memory_space<hbm>> -> memref<1x80x128xi32, #tpu.memory_space<hbm>>
      %dma_wait3A_48 = tpu.memref_squeeze %dma_wait3A_47 : memref<1x80x128xi32, #tpu.memory_space<hbm>> -> memref<80x128xi32, #tpu.memory_space<hbm>>
      %dma_wait3A_49 = arith.constant 0 : i32
      %dma_wait3A_50 = arith.constant 0 : i32
      %dma_wait3A_51 = tpu.memref_slice %arg3[%add3A, %dma_wait3A_49, %dma_wait3A_50] : memref<32x80x128xi32, #tpu.memory_space<hbm>> -> memref<1x80x128xi32, #tpu.memory_space<hbm>>
      %dma_wait3A_52 = tpu.memref_squeeze %dma_wait3A_51 : memref<1x80x128xi32, #tpu.memory_space<hbm>> -> memref<80x128xi32, #tpu.memory_space<hbm>>
      tpu.wait_dma2 semaphore(%run_scoped3A_38 : memref<!tpu.dma_semaphore, #tpu.memory_space<semaphore_mem>>) src(%dma_wait3A_52 : memref<80x128xi32, #tpu.memory_space<hbm>>) dst(%arg8 : memref<80x128xi32, #tpu.memory_space<vmem>>)
      tpu.yield
    }) : () -> ()
    "tpu.region"() ({
      %run_scoped3A_38 = tpu.sem_alloc : memref<!tpu.dma_semaphore, #tpu.memory_space<semaphore_mem>>
      %dma_start3A = arith.constant 0 : i32
      %dma_start3A_39 = arith.constant 0 : i32
      %dma_start3A_40 = tpu.memref_slice %arg4[%add3A, %dma_start3A, %dma_start3A_39] : memref<32x80x128xi32, #tpu.memory_space<hbm>> -> memref<1x80x128xi32, #tpu.memory_space<hbm>>
      %dma_start3A_41 = tpu.memref_squeeze %dma_start3A_40 : memref<1x80x128xi32, #tpu.memory_space<hbm>> -> memref<80x128xi32, #tpu.memory_space<hbm>>
      %dma_start3A_42 = arith.constant 0 : i32
      %dma_start3A_43 = arith.constant 0 : i32
      %dma_start3A_44 = tpu.memref_slice %arg4[%add3A, %dma_start3A_42, %dma_start3A_43] : memref<32x80x128xi32, #tpu.memory_space<hbm>> -> memref<1x80x128xi32, #tpu.memory_space<hbm>>
      %dma_start3A_45 = tpu.memref_squeeze %dma_start3A_44 : memref<1x80x128xi32, #tpu.memory_space<hbm>> -> memref<80x128xi32, #tpu.memory_space<hbm>>
      tpu.enqueue_dma source(%dma_start3A_45 : memref<80x128xi32, #tpu.memory_space<hbm>>) target(%arg9 : memref<80x128xi32, #tpu.memory_space<vmem>>) target_semaphore(%run_scoped3A_38 : memref<!tpu.dma_semaphore, #tpu.memory_space<semaphore_mem>>)
      %dma_wait3A = arith.constant 0 : i32
      %dma_wait3A_46 = arith.constant 0 : i32
      %dma_wait3A_47 = tpu.memref_slice %arg4[%add3A, %dma_wait3A, %dma_wait3A_46] : memref<32x80x128xi32, #tpu.memory_space<hbm>> -> memref<1x80x128xi32, #tpu.memory_space<hbm>>
      %dma_wait3A_48 = tpu.memref_squeeze %dma_wait3A_47 : memref<1x80x128xi32, #tpu.memory_space<hbm>> -> memref<80x128xi32, #tpu.memory_space<hbm>>
      %dma_wait3A_49 = arith.constant 0 : i32
      %dma_wait3A_50 = arith.constant 0 : i32
      %dma_wait3A_51 = tpu.memref_slice %arg4[%add3A, %dma_wait3A_49, %dma_wait3A_50] : memref<32x80x128xi32, #tpu.memory_space<hbm>> -> memref<1x80x128xi32, #tpu.memory_space<hbm>>
      %dma_wait3A_52 = tpu.memref_squeeze %dma_wait3A_51 : memref<1x80x128xi32, #tpu.memory_space<hbm>> -> memref<80x128xi32, #tpu.memory_space<hbm>>
      tpu.wait_dma2 semaphore(%run_scoped3A_38 : memref<!tpu.dma_semaphore, #tpu.memory_space<semaphore_mem>>) src(%dma_wait3A_52 : memref<80x128xi32, #tpu.memory_space<hbm>>) dst(%arg9 : memref<80x128xi32, #tpu.memory_space<vmem>>)
      tpu.yield
    }) : () -> ()
    "tpu.region"() ({
      %run_scoped3A_38 = tpu.sem_alloc : memref<!tpu.dma_semaphore, #tpu.memory_space<semaphore_mem>>
      %dma_start3A = arith.constant 0 : i32
      %dma_start3A_39 = arith.constant 0 : i32
      %dma_start3A_40 = tpu.memref_slice %arg5[%add3A, %dma_start3A, %dma_start3A_39] : memref<32x80x128xi32, #tpu.memory_space<hbm>> -> memref<1x80x128xi32, #tpu.memory_space<hbm>>
      %dma_start3A_41 = tpu.memref_squeeze %dma_start3A_40 : memref<1x80x128xi32, #tpu.memory_space<hbm>> -> memref<80x128xi32, #tpu.memory_space<hbm>>
      %dma_start3A_42 = arith.constant 0 : i32
      %dma_start3A_43 = arith.constant 0 : i32
      %dma_start3A_44 = tpu.memref_slice %arg5[%add3A, %dma_start3A_42, %dma_start3A_43] : memref<32x80x128xi32, #tpu.memory_space<hbm>> -> memref<1x80x128xi32, #tpu.memory_space<hbm>>
      %dma_start3A_45 = tpu.memref_squeeze %dma_start3A_44 : memref<1x80x128xi32, #tpu.memory_space<hbm>> -> memref<80x128xi32, #tpu.memory_space<hbm>>
      tpu.enqueue_dma source(%dma_start3A_45 : memref<80x128xi32, #tpu.memory_space<hbm>>) target(%arg10 : memref<80x128xi32, #tpu.memory_space<vmem>>) target_semaphore(%run_scoped3A_38 : memref<!tpu.dma_semaphore, #tpu.memory_space<semaphore_mem>>)
      %dma_wait3A = arith.constant 0 : i32
      %dma_wait3A_46 = arith.constant 0 : i32
      %dma_wait3A_47 = tpu.memref_slice %arg5[%add3A, %dma_wait3A, %dma_wait3A_46] : memref<32x80x128xi32, #tpu.memory_space<hbm>> -> memref<1x80x128xi32, #tpu.memory_space<hbm>>
      %dma_wait3A_48 = tpu.memref_squeeze %dma_wait3A_47 : memref<1x80x128xi32, #tpu.memory_space<hbm>> -> memref<80x128xi32, #tpu.memory_space<hbm>>
      %dma_wait3A_49 = arith.constant 0 : i32
      %dma_wait3A_50 = arith.constant 0 : i32
      %dma_wait3A_51 = tpu.memref_slice %arg5[%add3A, %dma_wait3A_49, %dma_wait3A_50] : memref<32x80x128xi32, #tpu.memory_space<hbm>> -> memref<1x80x128xi32, #tpu.memory_space<hbm>>
      %dma_wait3A_52 = tpu.memref_squeeze %dma_wait3A_51 : memref<1x80x128xi32, #tpu.memory_space<hbm>> -> memref<80x128xi32, #tpu.memory_space<hbm>>
      tpu.wait_dma2 semaphore(%run_scoped3A_38 : memref<!tpu.dma_semaphore, #tpu.memory_space<semaphore_mem>>) src(%dma_wait3A_52 : memref<80x128xi32, #tpu.memory_space<hbm>>) dst(%arg10 : memref<80x128xi32, #tpu.memory_space<vmem>>)
      tpu.yield
    }) : () -> ()
    "tpu.region"() ({
      %run_scoped3A_38 = tpu.sem_alloc : memref<!tpu.dma_semaphore, #tpu.memory_space<semaphore_mem>>
      tpu.enqueue_dma source(%arg6 : memref<128x64xf32, #tpu.memory_space<hbm>>) target(%arg11 : memref<128x64xf32, #tpu.memory_space<vmem>>) target_semaphore(%run_scoped3A_38 : memref<!tpu.dma_semaphore, #tpu.memory_space<semaphore_mem>>)
      tpu.wait_dma2 semaphore(%run_scoped3A_38 : memref<!tpu.dma_semaphore, #tpu.memory_space<semaphore_mem>>) src(%arg6 : memref<128x64xf32, #tpu.memory_space<hbm>>) dst(%arg11 : memref<128x64xf32, #tpu.memory_space<vmem>>)
      tpu.yield
    }) : () -> ()
    %mul3A_1 = arith.constant 640 : i32
    %mul3A_2 = arith.muli %arg1, %mul3A_1 : i32
    %add3A_3 = arith.constant 0 : i32
    %add3A_4 = arith.addi %mul3A_2, %add3A_3 : i32
    "tpu.region"() ({
      %run_scoped3A_38 = tpu.sem_alloc : memref<!tpu.dma_semaphore, #tpu.memory_space<semaphore_mem>>
      %dma_start3A = arith.constant 0 : i32
      %dma_start3A_39 = tpu.memref_slice %arg14[%add3A_4, %dma_start3A] : memref<10240x64xf32, #tpu.memory_space<vmem_shared>> -> memref<128x64xf32, #tpu.memory_space<vmem_shared>>
      %dma_start3A_40 = arith.constant 0 : i32
      %dma_start3A_41 = tpu.memref_slice %arg14[%add3A_4, %dma_start3A_40] : memref<10240x64xf32, #tpu.memory_space<vmem_shared>> -> memref<128x64xf32, #tpu.memory_space<vmem_shared>>
      tpu.enqueue_dma source(%arg11 : memref<128x64xf32, #tpu.memory_space<vmem>>) target(%dma_start3A_41 : memref<128x64xf32, #tpu.memory_space<vmem_shared>>) target_semaphore(%run_scoped3A_38 : memref<!tpu.dma_semaphore, #tpu.memory_space<semaphore_mem>>)
      %dma_wait3A = arith.constant 0 : i32
      %dma_wait3A_42 = tpu.memref_slice %arg14[%add3A_4, %dma_wait3A] : memref<10240x64xf32, #tpu.memory_space<vmem_shared>> -> memref<128x64xf32, #tpu.memory_space<vmem_shared>>
      %dma_wait3A_43 = arith.constant 0 : i32
      %dma_wait3A_44 = tpu.memref_slice %arg14[%add3A_4, %dma_wait3A_43] : memref<10240x64xf32, #tpu.memory_space<vmem_shared>> -> memref<128x64xf32, #tpu.memory_space<vmem_shared>>
      tpu.wait_dma2 semaphore(%run_scoped3A_38 : memref<!tpu.dma_semaphore, #tpu.memory_space<semaphore_mem>>) src(%arg11 : memref<128x64xf32, #tpu.memory_space<vmem>>) dst(%dma_wait3A_44 : memref<128x64xf32, #tpu.memory_space<vmem_shared>>)
      tpu.yield
    }) : () -> ()
    %add3A_5 = arith.constant 128 : i32
    %add3A_6 = arith.addi %mul3A_2, %add3A_5 : i32
    "tpu.region"() ({
      %run_scoped3A_38 = tpu.sem_alloc : memref<!tpu.dma_semaphore, #tpu.memory_space<semaphore_mem>>
      %dma_start3A = arith.constant 0 : i32
      %dma_start3A_39 = tpu.memref_slice %arg14[%add3A_6, %dma_start3A] : memref<10240x64xf32, #tpu.memory_space<vmem_shared>> -> memref<128x64xf32, #tpu.memory_space<vmem_shared>>
      %dma_start3A_40 = arith.constant 0 : i32
      %dma_start3A_41 = tpu.memref_slice %arg14[%add3A_6, %dma_start3A_40] : memref<10240x64xf32, #tpu.memory_space<vmem_shared>> -> memref<128x64xf32, #tpu.memory_space<vmem_shared>>
      tpu.enqueue_dma source(%arg11 : memref<128x64xf32, #tpu.memory_space<vmem>>) target(%dma_start3A_41 : memref<128x64xf32, #tpu.memory_space<vmem_shared>>) target_semaphore(%run_scoped3A_38 : memref<!tpu.dma_semaphore, #tpu.memory_space<semaphore_mem>>)
      %dma_wait3A = arith.constant 0 : i32
      %dma_wait3A_42 = tpu.memref_slice %arg14[%add3A_6, %dma_wait3A] : memref<10240x64xf32, #tpu.memory_space<vmem_shared>> -> memref<128x64xf32, #tpu.memory_space<vmem_shared>>
      %dma_wait3A_43 = arith.constant 0 : i32
      %dma_wait3A_44 = tpu.memref_slice %arg14[%add3A_6, %dma_wait3A_43] : memref<10240x64xf32, #tpu.memory_space<vmem_shared>> -> memref<128x64xf32, #tpu.memory_space<vmem_shared>>
      tpu.wait_dma2 semaphore(%run_scoped3A_38 : memref<!tpu.dma_semaphore, #tpu.memory_space<semaphore_mem>>) src(%arg11 : memref<128x64xf32, #tpu.memory_space<vmem>>) dst(%dma_wait3A_44 : memref<128x64xf32, #tpu.memory_space<vmem_shared>>)
      tpu.yield
    }) : () -> ()
    %add3A_7 = arith.constant 256 : i32
    %add3A_8 = arith.addi %mul3A_2, %add3A_7 : i32
    "tpu.region"() ({
      %run_scoped3A_38 = tpu.sem_alloc : memref<!tpu.dma_semaphore, #tpu.memory_space<semaphore_mem>>
      %dma_start3A = arith.constant 0 : i32
      %dma_start3A_39 = tpu.memref_slice %arg14[%add3A_8, %dma_start3A] : memref<10240x64xf32, #tpu.memory_space<vmem_shared>> -> memref<128x64xf32, #tpu.memory_space<vmem_shared>>
      %dma_start3A_40 = arith.constant 0 : i32
      %dma_start3A_41 = tpu.memref_slice %arg14[%add3A_8, %dma_start3A_40] : memref<10240x64xf32, #tpu.memory_space<vmem_shared>> -> memref<128x64xf32, #tpu.memory_space<vmem_shared>>
      tpu.enqueue_dma source(%arg11 : memref<128x64xf32, #tpu.memory_space<vmem>>) target(%dma_start3A_41 : memref<128x64xf32, #tpu.memory_space<vmem_shared>>) target_semaphore(%run_scoped3A_38 : memref<!tpu.dma_semaphore, #tpu.memory_space<semaphore_mem>>)
      %dma_wait3A = arith.constant 0 : i32
      %dma_wait3A_42 = tpu.memref_slice %arg14[%add3A_8, %dma_wait3A] : memref<10240x64xf32, #tpu.memory_space<vmem_shared>> -> memref<128x64xf32, #tpu.memory_space<vmem_shared>>
      %dma_wait3A_43 = arith.constant 0 : i32
      %dma_wait3A_44 = tpu.memref_slice %arg14[%add3A_8, %dma_wait3A_43] : memref<10240x64xf32, #tpu.memory_space<vmem_shared>> -> memref<128x64xf32, #tpu.memory_space<vmem_shared>>
      tpu.wait_dma2 semaphore(%run_scoped3A_38 : memref<!tpu.dma_semaphore, #tpu.memory_space<semaphore_mem>>) src(%arg11 : memref<128x64xf32, #tpu.memory_space<vmem>>) dst(%dma_wait3A_44 : memref<128x64xf32, #tpu.memory_space<vmem_shared>>)
      tpu.yield
    }) : () -> ()
    %add3A_9 = arith.constant 384 : i32
    %add3A_10 = arith.addi %mul3A_2, %add3A_9 : i32
    "tpu.region"() ({
      %run_scoped3A_38 = tpu.sem_alloc : memref<!tpu.dma_semaphore, #tpu.memory_space<semaphore_mem>>
      %dma_start3A = arith.constant 0 : i32
      %dma_start3A_39 = tpu.memref_slice %arg14[%add3A_10, %dma_start3A] : memref<10240x64xf32, #tpu.memory_space<vmem_shared>> -> memref<128x64xf32, #tpu.memory_space<vmem_shared>>
      %dma_start3A_40 = arith.constant 0 : i32
      %dma_start3A_41 = tpu.memref_slice %arg14[%add3A_10, %dma_start3A_40] : memref<10240x64xf32, #tpu.memory_space<vmem_shared>> -> memref<128x64xf32, #tpu.memory_space<vmem_shared>>
      tpu.enqueue_dma source(%arg11 : memref<128x64xf32, #tpu.memory_space<vmem>>) target(%dma_start3A_41 : memref<128x64xf32, #tpu.memory_space<vmem_shared>>) target_semaphore(%run_scoped3A_38 : memref<!tpu.dma_semaphore, #tpu.memory_space<semaphore_mem>>)
      %dma_wait3A = arith.constant 0 : i32
      %dma_wait3A_42 = tpu.memref_slice %arg14[%add3A_10, %dma_wait3A] : memref<10240x64xf32, #tpu.memory_space<vmem_shared>> -> memref<128x64xf32, #tpu.memory_space<vmem_shared>>
      %dma_wait3A_43 = arith.constant 0 : i32
      %dma_wait3A_44 = tpu.memref_slice %arg14[%add3A_10, %dma_wait3A_43] : memref<10240x64xf32, #tpu.memory_space<vmem_shared>> -> memref<128x64xf32, #tpu.memory_space<vmem_shared>>
      tpu.wait_dma2 semaphore(%run_scoped3A_38 : memref<!tpu.dma_semaphore, #tpu.memory_space<semaphore_mem>>) src(%arg11 : memref<128x64xf32, #tpu.memory_space<vmem>>) dst(%dma_wait3A_44 : memref<128x64xf32, #tpu.memory_space<vmem_shared>>)
      tpu.yield
    }) : () -> ()
    %add3A_11 = arith.constant 512 : i32
    %add3A_12 = arith.addi %mul3A_2, %add3A_11 : i32
    "tpu.region"() ({
      %run_scoped3A_38 = tpu.sem_alloc : memref<!tpu.dma_semaphore, #tpu.memory_space<semaphore_mem>>
      %dma_start3A = arith.constant 0 : i32
      %dma_start3A_39 = tpu.memref_slice %arg14[%add3A_12, %dma_start3A] : memref<10240x64xf32, #tpu.memory_space<vmem_shared>> -> memref<128x64xf32, #tpu.memory_space<vmem_shared>>
      %dma_start3A_40 = arith.constant 0 : i32
      %dma_start3A_41 = tpu.memref_slice %arg14[%add3A_12, %dma_start3A_40] : memref<10240x64xf32, #tpu.memory_space<vmem_shared>> -> memref<128x64xf32, #tpu.memory_space<vmem_shared>>
      tpu.enqueue_dma source(%arg11 : memref<128x64xf32, #tpu.memory_space<vmem>>) target(%dma_start3A_41 : memref<128x64xf32, #tpu.memory_space<vmem_shared>>) target_semaphore(%run_scoped3A_38 : memref<!tpu.dma_semaphore, #tpu.memory_space<semaphore_mem>>)
      %dma_wait3A = arith.constant 0 : i32
      %dma_wait3A_42 = tpu.memref_slice %arg14[%add3A_12, %dma_wait3A] : memref<10240x64xf32, #tpu.memory_space<vmem_shared>> -> memref<128x64xf32, #tpu.memory_space<vmem_shared>>
      %dma_wait3A_43 = arith.constant 0 : i32
      %dma_wait3A_44 = tpu.memref_slice %arg14[%add3A_12, %dma_wait3A_43] : memref<10240x64xf32, #tpu.memory_space<vmem_shared>> -> memref<128x64xf32, #tpu.memory_space<vmem_shared>>
      tpu.wait_dma2 semaphore(%run_scoped3A_38 : memref<!tpu.dma_semaphore, #tpu.memory_space<semaphore_mem>>) src(%arg11 : memref<128x64xf32, #tpu.memory_space<vmem>>) dst(%dma_wait3A_44 : memref<128x64xf32, #tpu.memory_space<vmem_shared>>)
      tpu.yield
    }) : () -> ()
    %barrier3A = arith.constant 0 : index
    tpu.barrier barrier_id(%barrier3A)
    %scan3A = arith.constant 0 : i32
    %scan3A_13 = arith.constant 0 : i32
    %scan3A_14 = arith.constant 40 : i32
    %scan3A_15 = arith.addi %scan3A_13, %scan3A_14 : i32
    %scan3A_16 = arith.constant 1 : i32
    scf.for %scan3A_38 = %scan3A_13 to %scan3A_15 step %scan3A_16  : i32 {
      %mul3A_39 = arith.constant 2 : i32
      %mul3A_40 = arith.muli %scan3A_38, %mul3A_39 : i32
      %add3A_41 = arith.constant 1 : i32
      %add3A_42 = arith.addi %mul3A_40, %add3A_41 : i32
      %dma_start3A = arith.constant 0 : i32
      %dma_start3A_43 = tpu.memref_slice %arg8[%mul3A_40, %dma_start3A] : memref<80x128xi32, #tpu.memory_space<vmem>> -> memref<1x128xi32, #tpu.memory_space<vmem>>
      %dma_start3A_44 = tpu.memref_squeeze %dma_start3A_43 : memref<1x128xi32, #tpu.memory_space<vmem>> -> memref<128xi32, #tpu.memory_space<vmem>>
      %dma_start3A_45 = arith.constant 0 : i32
      %dma_start3A_46 = arith.constant 0 : i32
      %dma_start3A_47 = tpu.memref_slice %arg2[%dma_start3A_45, %dma_start3A_46] : memref<20480x64xf32, #tpu.memory_space<hbm>> -> memref<20480x64xf32, #tpu.memory_space<hbm>>
      tpu.enqueue_indirect_dma source(%dma_start3A_47 : memref<20480x64xf32, #tpu.memory_space<hbm>>) target(%arg12 : memref<128x64xf32, #tpu.memory_space<vmem>>) offsets(%dma_start3A_44 : memref<128xi32, #tpu.memory_space<vmem>>) semaphore(%arg15 : memref<!tpu.dma_semaphore, #tpu.memory_space<semaphore_mem>>)
      %dma_start3A_48 = arith.constant 0 : i32
      %dma_start3A_49 = tpu.memref_slice %arg8[%add3A_42, %dma_start3A_48] : memref<80x128xi32, #tpu.memory_space<vmem>> -> memref<1x128xi32, #tpu.memory_space<vmem>>
      %dma_start3A_50 = tpu.memref_squeeze %dma_start3A_49 : memref<1x128xi32, #tpu.memory_space<vmem>> -> memref<128xi32, #tpu.memory_space<vmem>>
      %dma_start3A_51 = arith.constant 0 : i32
      %dma_start3A_52 = arith.constant 0 : i32
      %dma_start3A_53 = tpu.memref_slice %arg2[%dma_start3A_51, %dma_start3A_52] : memref<20480x64xf32, #tpu.memory_space<hbm>> -> memref<20480x64xf32, #tpu.memory_space<hbm>>
      tpu.enqueue_indirect_dma source(%dma_start3A_53 : memref<20480x64xf32, #tpu.memory_space<hbm>>) target(%arg13 : memref<128x64xf32, #tpu.memory_space<vmem>>) offsets(%dma_start3A_50 : memref<128xi32, #tpu.memory_space<vmem>>) semaphore(%arg16 : memref<!tpu.dma_semaphore, #tpu.memory_space<semaphore_mem>>)
      %dma_wait3A = arith.constant 0 : i32
      %dma_wait3A_54 = tpu.memref_slice %arg8[%mul3A_40, %dma_wait3A] : memref<80x128xi32, #tpu.memory_space<vmem>> -> memref<1x128xi32, #tpu.memory_space<vmem>>
      %dma_wait3A_55 = tpu.memref_squeeze %dma_wait3A_54 : memref<1x128xi32, #tpu.memory_space<vmem>> -> memref<128xi32, #tpu.memory_space<vmem>>
      %dma_wait3A_56 = arith.constant 0 : i32
      %dma_wait3A_57 = arith.constant 0 : i32
      %dma_wait3A_58 = tpu.memref_slice %arg2[%dma_wait3A_56, %dma_wait3A_57] : memref<20480x64xf32, #tpu.memory_space<hbm>> -> memref<20480x64xf32, #tpu.memory_space<hbm>>
      tpu.wait_indirect_dma semaphore(%arg15 : memref<!tpu.dma_semaphore, #tpu.memory_space<semaphore_mem>>) src(%dma_wait3A_58 : memref<20480x64xf32, #tpu.memory_space<hbm>>) dst(%arg12 : memref<128x64xf32, #tpu.memory_space<vmem>>)
      "tpu.region"() ({
        %run_scoped3A_65 = tpu.sem_alloc : memref<!tpu.dma_semaphore, #tpu.memory_space<semaphore_mem>>
        %dma_start3A_66 = arith.constant 0 : i32
        %dma_start3A_67 = tpu.memref_slice %arg10[%mul3A_40, %dma_start3A_66] : memref<80x128xi32, #tpu.memory_space<vmem>> -> memref<1x128xi32, #tpu.memory_space<vmem>>
        %dma_start3A_68 = tpu.memref_squeeze %dma_start3A_67 : memref<1x128xi32, #tpu.memory_space<vmem>> -> memref<128xi32, #tpu.memory_space<vmem>>
        %dma_start3A_69 = arith.constant 0 : i32
        %dma_start3A_70 = arith.constant 0 : i32
        %dma_start3A_71 = tpu.memref_slice %arg14[%dma_start3A_69, %dma_start3A_70] : memref<10240x64xf32, #tpu.memory_space<vmem_shared>> -> memref<10240x64xf32, #tpu.memory_space<vmem_shared>>
        tpu.enqueue_indirect_dma source(%arg12 : memref<128x64xf32, #tpu.memory_space<vmem>>) target(%dma_start3A_71 : memref<10240x64xf32, #tpu.memory_space<vmem_shared>>) offsets(%dma_start3A_68 : memref<128xi32, #tpu.memory_space<vmem>>) semaphore(%run_scoped3A_65 : memref<!tpu.dma_semaphore, #tpu.memory_space<semaphore_mem>>) {add = true}
        %dma_wait3A_72 = arith.constant 0 : i32
        %dma_wait3A_73 = tpu.memref_slice %arg10[%mul3A_40, %dma_wait3A_72] : memref<80x128xi32, #tpu.memory_space<vmem>> -> memref<1x128xi32, #tpu.memory_space<vmem>>
        %dma_wait3A_74 = tpu.memref_squeeze %dma_wait3A_73 : memref<1x128xi32, #tpu.memory_space<vmem>> -> memref<128xi32, #tpu.memory_space<vmem>>
        %dma_wait3A_75 = arith.constant 0 : i32
        %dma_wait3A_76 = arith.constant 0 : i32
        %dma_wait3A_77 = tpu.memref_slice %arg14[%dma_wait3A_75, %dma_wait3A_76] : memref<10240x64xf32, #tpu.memory_space<vmem_shared>> -> memref<10240x64xf32, #tpu.memory_space<vmem_shared>>
        tpu.wait_indirect_dma semaphore(%run_scoped3A_65 : memref<!tpu.dma_semaphore, #tpu.memory_space<semaphore_mem>>) src(%arg12 : memref<128x64xf32, #tpu.memory_space<vmem>>) dst(%dma_wait3A_77 : memref<10240x64xf32, #tpu.memory_space<vmem_shared>>)
        tpu.yield
      }) : () -> ()
      %dma_wait3A_59 = arith.constant 0 : i32
      %dma_wait3A_60 = tpu.memref_slice %arg8[%add3A_42, %dma_wait3A_59] : memref<80x128xi32, #tpu.memory_space<vmem>> -> memref<1x128xi32, #tpu.memory_space<vmem>>
      %dma_wait3A_61 = tpu.memref_squeeze %dma_wait3A_60 : memref<1x128xi32, #tpu.memory_space<vmem>> -> memref<128xi32, #tpu.memory_space<vmem>>
      %dma_wait3A_62 = arith.constant 0 : i32
      %dma_wait3A_63 = arith.constant 0 : i32
      %dma_wait3A_64 = tpu.memref_slice %arg2[%dma_wait3A_62, %dma_wait3A_63] : memref<20480x64xf32, #tpu.memory_space<hbm>> -> memref<20480x64xf32, #tpu.memory_space<hbm>>
      tpu.wait_indirect_dma semaphore(%arg16 : memref<!tpu.dma_semaphore, #tpu.memory_space<semaphore_mem>>) src(%dma_wait3A_64 : memref<20480x64xf32, #tpu.memory_space<hbm>>) dst(%arg13 : memref<128x64xf32, #tpu.memory_space<vmem>>)
      "tpu.region"() ({
        %run_scoped3A_65 = tpu.sem_alloc : memref<!tpu.dma_semaphore, #tpu.memory_space<semaphore_mem>>
        %dma_start3A_66 = arith.constant 0 : i32
        %dma_start3A_67 = tpu.memref_slice %arg10[%add3A_42, %dma_start3A_66] : memref<80x128xi32, #tpu.memory_space<vmem>> -> memref<1x128xi32, #tpu.memory_space<vmem>>
        %dma_start3A_68 = tpu.memref_squeeze %dma_start3A_67 : memref<1x128xi32, #tpu.memory_space<vmem>> -> memref<128xi32, #tpu.memory_space<vmem>>
        %dma_start3A_69 = arith.constant 0 : i32
        %dma_start3A_70 = arith.constant 0 : i32
        %dma_start3A_71 = tpu.memref_slice %arg14[%dma_start3A_69, %dma_start3A_70] : memref<10240x64xf32, #tpu.memory_space<vmem_shared>> -> memref<10240x64xf32, #tpu.memory_space<vmem_shared>>
        tpu.enqueue_indirect_dma source(%arg13 : memref<128x64xf32, #tpu.memory_space<vmem>>) target(%dma_start3A_71 : memref<10240x64xf32, #tpu.memory_space<vmem_shared>>) offsets(%dma_start3A_68 : memref<128xi32, #tpu.memory_space<vmem>>) semaphore(%run_scoped3A_65 : memref<!tpu.dma_semaphore, #tpu.memory_space<semaphore_mem>>) {add = true}
        %dma_wait3A_72 = arith.constant 0 : i32
        %dma_wait3A_73 = tpu.memref_slice %arg10[%add3A_42, %dma_wait3A_72] : memref<80x128xi32, #tpu.memory_space<vmem>> -> memref<1x128xi32, #tpu.memory_space<vmem>>
        %dma_wait3A_74 = tpu.memref_squeeze %dma_wait3A_73 : memref<1x128xi32, #tpu.memory_space<vmem>> -> memref<128xi32, #tpu.memory_space<vmem>>
        %dma_wait3A_75 = arith.constant 0 : i32
        %dma_wait3A_76 = arith.constant 0 : i32
        %dma_wait3A_77 = tpu.memref_slice %arg14[%dma_wait3A_75, %dma_wait3A_76] : memref<10240x64xf32, #tpu.memory_space<vmem_shared>> -> memref<10240x64xf32, #tpu.memory_space<vmem_shared>>
        tpu.wait_indirect_dma semaphore(%run_scoped3A_65 : memref<!tpu.dma_semaphore, #tpu.memory_space<semaphore_mem>>) src(%arg13 : memref<128x64xf32, #tpu.memory_space<vmem>>) dst(%dma_wait3A_77 : memref<10240x64xf32, #tpu.memory_space<vmem_shared>>)
        tpu.yield
      }) : () -> ()
    }
    %scan3A_17 = arith.constant 40 : i32
    %barrier3A_18 = arith.constant 0 : index
    tpu.barrier barrier_id(%barrier3A_18)
    %run_scoped3A = arith.constant 0 : i32
    "tpu.region"() ({
      %run_scoped3A_38 = tpu.sem_alloc : memref<!tpu.dma_semaphore, #tpu.memory_space<semaphore_mem>>
      %dma_start3A = arith.constant 0 : i32
      %dma_start3A_39 = tpu.memref_slice %arg7[%arg0, %run_scoped3A, %mul3A_2, %dma_start3A] : memref<2x2x10240x64xf32, #tpu.memory_space<hbm>> -> memref<1x1x640x64xf32, #tpu.memory_space<hbm>>
      %dma_start3A_40 = tpu.memref_squeeze %dma_start3A_39 : memref<1x1x640x64xf32, #tpu.memory_space<hbm>> -> memref<640x64xf32, #tpu.memory_space<hbm>>
      %dma_start3A_41 = arith.constant 0 : i32
      %dma_start3A_42 = tpu.memref_slice %arg14[%mul3A_2, %dma_start3A_41] : memref<10240x64xf32, #tpu.memory_space<vmem_shared>> -> memref<640x64xf32, #tpu.memory_space<vmem_shared>>
      tpu.enqueue_dma source(%dma_start3A_42 : memref<640x64xf32, #tpu.memory_space<vmem_shared>>) target(%dma_start3A_40 : memref<640x64xf32, #tpu.memory_space<hbm>>) target_semaphore(%run_scoped3A_38 : memref<!tpu.dma_semaphore, #tpu.memory_space<semaphore_mem>>)
      %dma_wait3A = arith.constant 0 : i32
      %dma_wait3A_43 = tpu.memref_slice %arg7[%arg0, %run_scoped3A, %mul3A_2, %dma_wait3A] : memref<2x2x10240x64xf32, #tpu.memory_space<hbm>> -> memref<1x1x640x64xf32, #tpu.memory_space<hbm>>
      %dma_wait3A_44 = tpu.memref_squeeze %dma_wait3A_43 : memref<1x1x640x64xf32, #tpu.memory_space<hbm>> -> memref<640x64xf32, #tpu.memory_space<hbm>>
      %dma_wait3A_45 = arith.constant 0 : i32
      %dma_wait3A_46 = tpu.memref_slice %arg14[%mul3A_2, %dma_wait3A_45] : memref<10240x64xf32, #tpu.memory_space<vmem_shared>> -> memref<640x64xf32, #tpu.memory_space<vmem_shared>>
      tpu.wait_dma2 semaphore(%run_scoped3A_38 : memref<!tpu.dma_semaphore, #tpu.memory_space<semaphore_mem>>) src(%dma_wait3A_46 : memref<640x64xf32, #tpu.memory_space<vmem_shared>>) dst(%dma_wait3A_44 : memref<640x64xf32, #tpu.memory_space<hbm>>)
      tpu.yield
    }) : () -> ()
    %add3A_19 = arith.constant 0 : i32
    %add3A_20 = arith.addi %mul3A_2, %add3A_19 : i32
    "tpu.region"() ({
      %run_scoped3A_38 = tpu.sem_alloc : memref<!tpu.dma_semaphore, #tpu.memory_space<semaphore_mem>>
      %dma_start3A = arith.constant 0 : i32
      %dma_start3A_39 = tpu.memref_slice %arg14[%add3A_20, %dma_start3A] : memref<10240x64xf32, #tpu.memory_space<vmem_shared>> -> memref<128x64xf32, #tpu.memory_space<vmem_shared>>
      %dma_start3A_40 = arith.constant 0 : i32
      %dma_start3A_41 = tpu.memref_slice %arg14[%add3A_20, %dma_start3A_40] : memref<10240x64xf32, #tpu.memory_space<vmem_shared>> -> memref<128x64xf32, #tpu.memory_space<vmem_shared>>
      tpu.enqueue_dma source(%arg11 : memref<128x64xf32, #tpu.memory_space<vmem>>) target(%dma_start3A_41 : memref<128x64xf32, #tpu.memory_space<vmem_shared>>) target_semaphore(%run_scoped3A_38 : memref<!tpu.dma_semaphore, #tpu.memory_space<semaphore_mem>>)
      %dma_wait3A = arith.constant 0 : i32
      %dma_wait3A_42 = tpu.memref_slice %arg14[%add3A_20, %dma_wait3A] : memref<10240x64xf32, #tpu.memory_space<vmem_shared>> -> memref<128x64xf32, #tpu.memory_space<vmem_shared>>
      %dma_wait3A_43 = arith.constant 0 : i32
      %dma_wait3A_44 = tpu.memref_slice %arg14[%add3A_20, %dma_wait3A_43] : memref<10240x64xf32, #tpu.memory_space<vmem_shared>> -> memref<128x64xf32, #tpu.memory_space<vmem_shared>>
      tpu.wait_dma2 semaphore(%run_scoped3A_38 : memref<!tpu.dma_semaphore, #tpu.memory_space<semaphore_mem>>) src(%arg11 : memref<128x64xf32, #tpu.memory_space<vmem>>) dst(%dma_wait3A_44 : memref<128x64xf32, #tpu.memory_space<vmem_shared>>)
      tpu.yield
    }) : () -> ()
    %add3A_21 = arith.constant 128 : i32
    %add3A_22 = arith.addi %mul3A_2, %add3A_21 : i32
    "tpu.region"() ({
      %run_scoped3A_38 = tpu.sem_alloc : memref<!tpu.dma_semaphore, #tpu.memory_space<semaphore_mem>>
      %dma_start3A = arith.constant 0 : i32
      %dma_start3A_39 = tpu.memref_slice %arg14[%add3A_22, %dma_start3A] : memref<10240x64xf32, #tpu.memory_space<vmem_shared>> -> memref<128x64xf32, #tpu.memory_space<vmem_shared>>
      %dma_start3A_40 = arith.constant 0 : i32
      %dma_start3A_41 = tpu.memref_slice %arg14[%add3A_22, %dma_start3A_40] : memref<10240x64xf32, #tpu.memory_space<vmem_shared>> -> memref<128x64xf32, #tpu.memory_space<vmem_shared>>
      tpu.enqueue_dma source(%arg11 : memref<128x64xf32, #tpu.memory_space<vmem>>) target(%dma_start3A_41 : memref<128x64xf32, #tpu.memory_space<vmem_shared>>) target_semaphore(%run_scoped3A_38 : memref<!tpu.dma_semaphore, #tpu.memory_space<semaphore_mem>>)
      %dma_wait3A = arith.constant 0 : i32
      %dma_wait3A_42 = tpu.memref_slice %arg14[%add3A_22, %dma_wait3A] : memref<10240x64xf32, #tpu.memory_space<vmem_shared>> -> memref<128x64xf32, #tpu.memory_space<vmem_shared>>
      %dma_wait3A_43 = arith.constant 0 : i32
      %dma_wait3A_44 = tpu.memref_slice %arg14[%add3A_22, %dma_wait3A_43] : memref<10240x64xf32, #tpu.memory_space<vmem_shared>> -> memref<128x64xf32, #tpu.memory_space<vmem_shared>>
      tpu.wait_dma2 semaphore(%run_scoped3A_38 : memref<!tpu.dma_semaphore, #tpu.memory_space<semaphore_mem>>) src(%arg11 : memref<128x64xf32, #tpu.memory_space<vmem>>) dst(%dma_wait3A_44 : memref<128x64xf32, #tpu.memory_space<vmem_shared>>)
      tpu.yield
    }) : () -> ()
    %add3A_23 = arith.constant 256 : i32
    %add3A_24 = arith.addi %mul3A_2, %add3A_23 : i32
    "tpu.region"() ({
      %run_scoped3A_38 = tpu.sem_alloc : memref<!tpu.dma_semaphore, #tpu.memory_space<semaphore_mem>>
      %dma_start3A = arith.constant 0 : i32
      %dma_start3A_39 = tpu.memref_slice %arg14[%add3A_24, %dma_start3A] : memref<10240x64xf32, #tpu.memory_space<vmem_shared>> -> memref<128x64xf32, #tpu.memory_space<vmem_shared>>
      %dma_start3A_40 = arith.constant 0 : i32
      %dma_start3A_41 = tpu.memref_slice %arg14[%add3A_24, %dma_start3A_40] : memref<10240x64xf32, #tpu.memory_space<vmem_shared>> -> memref<128x64xf32, #tpu.memory_space<vmem_shared>>
      tpu.enqueue_dma source(%arg11 : memref<128x64xf32, #tpu.memory_space<vmem>>) target(%dma_start3A_41 : memref<128x64xf32, #tpu.memory_space<vmem_shared>>) target_semaphore(%run_scoped3A_38 : memref<!tpu.dma_semaphore, #tpu.memory_space<semaphore_mem>>)
      %dma_wait3A = arith.constant 0 : i32
      %dma_wait3A_42 = tpu.memref_slice %arg14[%add3A_24, %dma_wait3A] : memref<10240x64xf32, #tpu.memory_space<vmem_shared>> -> memref<128x64xf32, #tpu.memory_space<vmem_shared>>
      %dma_wait3A_43 = arith.constant 0 : i32
      %dma_wait3A_44 = tpu.memref_slice %arg14[%add3A_24, %dma_wait3A_43] : memref<10240x64xf32, #tpu.memory_space<vmem_shared>> -> memref<128x64xf32, #tpu.memory_space<vmem_shared>>
      tpu.wait_dma2 semaphore(%run_scoped3A_38 : memref<!tpu.dma_semaphore, #tpu.memory_space<semaphore_mem>>) src(%arg11 : memref<128x64xf32, #tpu.memory_space<vmem>>) dst(%dma_wait3A_44 : memref<128x64xf32, #tpu.memory_space<vmem_shared>>)
      tpu.yield
    }) : () -> ()
    %add3A_25 = arith.constant 384 : i32
    %add3A_26 = arith.addi %mul3A_2, %add3A_25 : i32
    "tpu.region"() ({
      %run_scoped3A_38 = tpu.sem_alloc : memref<!tpu.dma_semaphore, #tpu.memory_space<semaphore_mem>>
      %dma_start3A = arith.constant 0 : i32
      %dma_start3A_39 = tpu.memref_slice %arg14[%add3A_26, %dma_start3A] : memref<10240x64xf32, #tpu.memory_space<vmem_shared>> -> memref<128x64xf32, #tpu.memory_space<vmem_shared>>
      %dma_start3A_40 = arith.constant 0 : i32
      %dma_start3A_41 = tpu.memref_slice %arg14[%add3A_26, %dma_start3A_40] : memref<10240x64xf32, #tpu.memory_space<vmem_shared>> -> memref<128x64xf32, #tpu.memory_space<vmem_shared>>
      tpu.enqueue_dma source(%arg11 : memref<128x64xf32, #tpu.memory_space<vmem>>) target(%dma_start3A_41 : memref<128x64xf32, #tpu.memory_space<vmem_shared>>) target_semaphore(%run_scoped3A_38 : memref<!tpu.dma_semaphore, #tpu.memory_space<semaphore_mem>>)
      %dma_wait3A = arith.constant 0 : i32
      %dma_wait3A_42 = tpu.memref_slice %arg14[%add3A_26, %dma_wait3A] : memref<10240x64xf32, #tpu.memory_space<vmem_shared>> -> memref<128x64xf32, #tpu.memory_space<vmem_shared>>
      %dma_wait3A_43 = arith.constant 0 : i32
      %dma_wait3A_44 = tpu.memref_slice %arg14[%add3A_26, %dma_wait3A_43] : memref<10240x64xf32, #tpu.memory_space<vmem_shared>> -> memref<128x64xf32, #tpu.memory_space<vmem_shared>>
      tpu.wait_dma2 semaphore(%run_scoped3A_38 : memref<!tpu.dma_semaphore, #tpu.memory_space<semaphore_mem>>) src(%arg11 : memref<128x64xf32, #tpu.memory_space<vmem>>) dst(%dma_wait3A_44 : memref<128x64xf32, #tpu.memory_space<vmem_shared>>)
      tpu.yield
    }) : () -> ()
    %add3A_27 = arith.constant 512 : i32
    %add3A_28 = arith.addi %mul3A_2, %add3A_27 : i32
    "tpu.region"() ({
      %run_scoped3A_38 = tpu.sem_alloc : memref<!tpu.dma_semaphore, #tpu.memory_space<semaphore_mem>>
      %dma_start3A = arith.constant 0 : i32
      %dma_start3A_39 = tpu.memref_slice %arg14[%add3A_28, %dma_start3A] : memref<10240x64xf32, #tpu.memory_space<vmem_shared>> -> memref<128x64xf32, #tpu.memory_space<vmem_shared>>
      %dma_start3A_40 = arith.constant 0 : i32
      %dma_start3A_41 = tpu.memref_slice %arg14[%add3A_28, %dma_start3A_40] : memref<10240x64xf32, #tpu.memory_space<vmem_shared>> -> memref<128x64xf32, #tpu.memory_space<vmem_shared>>
      tpu.enqueue_dma source(%arg11 : memref<128x64xf32, #tpu.memory_space<vmem>>) target(%dma_start3A_41 : memref<128x64xf32, #tpu.memory_space<vmem_shared>>) target_semaphore(%run_scoped3A_38 : memref<!tpu.dma_semaphore, #tpu.memory_space<semaphore_mem>>)
      %dma_wait3A = arith.constant 0 : i32
      %dma_wait3A_42 = tpu.memref_slice %arg14[%add3A_28, %dma_wait3A] : memref<10240x64xf32, #tpu.memory_space<vmem_shared>> -> memref<128x64xf32, #tpu.memory_space<vmem_shared>>
      %dma_wait3A_43 = arith.constant 0 : i32
      %dma_wait3A_44 = tpu.memref_slice %arg14[%add3A_28, %dma_wait3A_43] : memref<10240x64xf32, #tpu.memory_space<vmem_shared>> -> memref<128x64xf32, #tpu.memory_space<vmem_shared>>
      tpu.wait_dma2 semaphore(%run_scoped3A_38 : memref<!tpu.dma_semaphore, #tpu.memory_space<semaphore_mem>>) src(%arg11 : memref<128x64xf32, #tpu.memory_space<vmem>>) dst(%dma_wait3A_44 : memref<128x64xf32, #tpu.memory_space<vmem_shared>>)
      tpu.yield
    }) : () -> ()
    %barrier3A_29 = arith.constant 0 : index
    tpu.barrier barrier_id(%barrier3A_29)
    %scan3A_30 = arith.constant 0 : i32
    %scan3A_31 = arith.constant 0 : i32
    %scan3A_32 = arith.constant 40 : i32
    %scan3A_33 = arith.addi %scan3A_31, %scan3A_32 : i32
    %scan3A_34 = arith.constant 1 : i32
    scf.for %scan3A_38 = %scan3A_31 to %scan3A_33 step %scan3A_34  : i32 {
      %mul3A_39 = arith.constant 2 : i32
      %mul3A_40 = arith.muli %scan3A_38, %mul3A_39 : i32
      %add3A_41 = arith.constant 1 : i32
      %add3A_42 = arith.addi %mul3A_40, %add3A_41 : i32
      %dma_start3A = arith.constant 0 : i32
      %dma_start3A_43 = tpu.memref_slice %arg9[%mul3A_40, %dma_start3A] : memref<80x128xi32, #tpu.memory_space<vmem>> -> memref<1x128xi32, #tpu.memory_space<vmem>>
      %dma_start3A_44 = tpu.memref_squeeze %dma_start3A_43 : memref<1x128xi32, #tpu.memory_space<vmem>> -> memref<128xi32, #tpu.memory_space<vmem>>
      %dma_start3A_45 = arith.constant 0 : i32
      %dma_start3A_46 = arith.constant 0 : i32
      %dma_start3A_47 = tpu.memref_slice %arg2[%dma_start3A_45, %dma_start3A_46] : memref<20480x64xf32, #tpu.memory_space<hbm>> -> memref<20480x64xf32, #tpu.memory_space<hbm>>
      tpu.enqueue_indirect_dma source(%dma_start3A_47 : memref<20480x64xf32, #tpu.memory_space<hbm>>) target(%arg12 : memref<128x64xf32, #tpu.memory_space<vmem>>) offsets(%dma_start3A_44 : memref<128xi32, #tpu.memory_space<vmem>>) semaphore(%arg15 : memref<!tpu.dma_semaphore, #tpu.memory_space<semaphore_mem>>)
      %dma_start3A_48 = arith.constant 0 : i32
      %dma_start3A_49 = tpu.memref_slice %arg9[%add3A_42, %dma_start3A_48] : memref<80x128xi32, #tpu.memory_space<vmem>> -> memref<1x128xi32, #tpu.memory_space<vmem>>
      %dma_start3A_50 = tpu.memref_squeeze %dma_start3A_49 : memref<1x128xi32, #tpu.memory_space<vmem>> -> memref<128xi32, #tpu.memory_space<vmem>>
      %dma_start3A_51 = arith.constant 0 : i32
      %dma_start3A_52 = arith.constant 0 : i32
      %dma_start3A_53 = tpu.memref_slice %arg2[%dma_start3A_51, %dma_start3A_52] : memref<20480x64xf32, #tpu.memory_space<hbm>> -> memref<20480x64xf32, #tpu.memory_space<hbm>>
      tpu.enqueue_indirect_dma source(%dma_start3A_53 : memref<20480x64xf32, #tpu.memory_space<hbm>>) target(%arg13 : memref<128x64xf32, #tpu.memory_space<vmem>>) offsets(%dma_start3A_50 : memref<128xi32, #tpu.memory_space<vmem>>) semaphore(%arg16 : memref<!tpu.dma_semaphore, #tpu.memory_space<semaphore_mem>>)
      %dma_wait3A = arith.constant 0 : i32
      %dma_wait3A_54 = tpu.memref_slice %arg9[%mul3A_40, %dma_wait3A] : memref<80x128xi32, #tpu.memory_space<vmem>> -> memref<1x128xi32, #tpu.memory_space<vmem>>
      %dma_wait3A_55 = tpu.memref_squeeze %dma_wait3A_54 : memref<1x128xi32, #tpu.memory_space<vmem>> -> memref<128xi32, #tpu.memory_space<vmem>>
      %dma_wait3A_56 = arith.constant 0 : i32
      %dma_wait3A_57 = arith.constant 0 : i32
      %dma_wait3A_58 = tpu.memref_slice %arg2[%dma_wait3A_56, %dma_wait3A_57] : memref<20480x64xf32, #tpu.memory_space<hbm>> -> memref<20480x64xf32, #tpu.memory_space<hbm>>
      tpu.wait_indirect_dma semaphore(%arg15 : memref<!tpu.dma_semaphore, #tpu.memory_space<semaphore_mem>>) src(%dma_wait3A_58 : memref<20480x64xf32, #tpu.memory_space<hbm>>) dst(%arg12 : memref<128x64xf32, #tpu.memory_space<vmem>>)
      "tpu.region"() ({
        %run_scoped3A_65 = tpu.sem_alloc : memref<!tpu.dma_semaphore, #tpu.memory_space<semaphore_mem>>
        %dma_start3A_66 = arith.constant 0 : i32
        %dma_start3A_67 = tpu.memref_slice %arg10[%mul3A_40, %dma_start3A_66] : memref<80x128xi32, #tpu.memory_space<vmem>> -> memref<1x128xi32, #tpu.memory_space<vmem>>
        %dma_start3A_68 = tpu.memref_squeeze %dma_start3A_67 : memref<1x128xi32, #tpu.memory_space<vmem>> -> memref<128xi32, #tpu.memory_space<vmem>>
        %dma_start3A_69 = arith.constant 0 : i32
        %dma_start3A_70 = arith.constant 0 : i32
        %dma_start3A_71 = tpu.memref_slice %arg14[%dma_start3A_69, %dma_start3A_70] : memref<10240x64xf32, #tpu.memory_space<vmem_shared>> -> memref<10240x64xf32, #tpu.memory_space<vmem_shared>>
        tpu.enqueue_indirect_dma source(%arg12 : memref<128x64xf32, #tpu.memory_space<vmem>>) target(%dma_start3A_71 : memref<10240x64xf32, #tpu.memory_space<vmem_shared>>) offsets(%dma_start3A_68 : memref<128xi32, #tpu.memory_space<vmem>>) semaphore(%run_scoped3A_65 : memref<!tpu.dma_semaphore, #tpu.memory_space<semaphore_mem>>) {add = true}
        %dma_wait3A_72 = arith.constant 0 : i32
        %dma_wait3A_73 = tpu.memref_slice %arg10[%mul3A_40, %dma_wait3A_72] : memref<80x128xi32, #tpu.memory_space<vmem>> -> memref<1x128xi32, #tpu.memory_space<vmem>>
        %dma_wait3A_74 = tpu.memref_squeeze %dma_wait3A_73 : memref<1x128xi32, #tpu.memory_space<vmem>> -> memref<128xi32, #tpu.memory_space<vmem>>
        %dma_wait3A_75 = arith.constant 0 : i32
        %dma_wait3A_76 = arith.constant 0 : i32
        %dma_wait3A_77 = tpu.memref_slice %arg14[%dma_wait3A_75, %dma_wait3A_76] : memref<10240x64xf32, #tpu.memory_space<vmem_shared>> -> memref<10240x64xf32, #tpu.memory_space<vmem_shared>>
        tpu.wait_indirect_dma semaphore(%run_scoped3A_65 : memref<!tpu.dma_semaphore, #tpu.memory_space<semaphore_mem>>) src(%arg12 : memref<128x64xf32, #tpu.memory_space<vmem>>) dst(%dma_wait3A_77 : memref<10240x64xf32, #tpu.memory_space<vmem_shared>>)
        tpu.yield
      }) : () -> ()
      %dma_wait3A_59 = arith.constant 0 : i32
      %dma_wait3A_60 = tpu.memref_slice %arg9[%add3A_42, %dma_wait3A_59] : memref<80x128xi32, #tpu.memory_space<vmem>> -> memref<1x128xi32, #tpu.memory_space<vmem>>
      %dma_wait3A_61 = tpu.memref_squeeze %dma_wait3A_60 : memref<1x128xi32, #tpu.memory_space<vmem>> -> memref<128xi32, #tpu.memory_space<vmem>>
      %dma_wait3A_62 = arith.constant 0 : i32
      %dma_wait3A_63 = arith.constant 0 : i32
      %dma_wait3A_64 = tpu.memref_slice %arg2[%dma_wait3A_62, %dma_wait3A_63] : memref<20480x64xf32, #tpu.memory_space<hbm>> -> memref<20480x64xf32, #tpu.memory_space<hbm>>
      tpu.wait_indirect_dma semaphore(%arg16 : memref<!tpu.dma_semaphore, #tpu.memory_space<semaphore_mem>>) src(%dma_wait3A_64 : memref<20480x64xf32, #tpu.memory_space<hbm>>) dst(%arg13 : memref<128x64xf32, #tpu.memory_space<vmem>>)
      "tpu.region"() ({
        %run_scoped3A_65 = tpu.sem_alloc : memref<!tpu.dma_semaphore, #tpu.memory_space<semaphore_mem>>
        %dma_start3A_66 = arith.constant 0 : i32
        %dma_start3A_67 = tpu.memref_slice %arg10[%add3A_42, %dma_start3A_66] : memref<80x128xi32, #tpu.memory_space<vmem>> -> memref<1x128xi32, #tpu.memory_space<vmem>>
        %dma_start3A_68 = tpu.memref_squeeze %dma_start3A_67 : memref<1x128xi32, #tpu.memory_space<vmem>> -> memref<128xi32, #tpu.memory_space<vmem>>
        %dma_start3A_69 = arith.constant 0 : i32
        %dma_start3A_70 = arith.constant 0 : i32
        %dma_start3A_71 = tpu.memref_slice %arg14[%dma_start3A_69, %dma_start3A_70] : memref<10240x64xf32, #tpu.memory_space<vmem_shared>> -> memref<10240x64xf32, #tpu.memory_space<vmem_shared>>
        tpu.enqueue_indirect_dma source(%arg13 : memref<128x64xf32, #tpu.memory_space<vmem>>) target(%dma_start3A_71 : memref<10240x64xf32, #tpu.memory_space<vmem_shared>>) offsets(%dma_start3A_68 : memref<128xi32, #tpu.memory_space<vmem>>) semaphore(%run_scoped3A_65 : memref<!tpu.dma_semaphore, #tpu.memory_space<semaphore_mem>>) {add = true}
        %dma_wait3A_72 = arith.constant 0 : i32
        %dma_wait3A_73 = tpu.memref_slice %arg10[%add3A_42, %dma_wait3A_72] : memref<80x128xi32, #tpu.memory_space<vmem>> -> memref<1x128xi32, #tpu.memory_space<vmem>>
        %dma_wait3A_74 = tpu.memref_squeeze %dma_wait3A_73 : memref<1x128xi32, #tpu.memory_space<vmem>> -> memref<128xi32, #tpu.memory_space<vmem>>
        %dma_wait3A_75 = arith.constant 0 : i32
        %dma_wait3A_76 = arith.constant 0 : i32
        %dma_wait3A_77 = tpu.memref_slice %arg14[%dma_wait3A_75, %dma_wait3A_76] : memref<10240x64xf32, #tpu.memory_space<vmem_shared>> -> memref<10240x64xf32, #tpu.memory_space<vmem_shared>>
        tpu.wait_indirect_dma semaphore(%run_scoped3A_65 : memref<!tpu.dma_semaphore, #tpu.memory_space<semaphore_mem>>) src(%arg13 : memref<128x64xf32, #tpu.memory_space<vmem>>) dst(%dma_wait3A_77 : memref<10240x64xf32, #tpu.memory_space<vmem_shared>>)
        tpu.yield
      }) : () -> ()
    }
    %scan3A_35 = arith.constant 40 : i32
    %barrier3A_36 = arith.constant 0 : index
    tpu.barrier barrier_id(%barrier3A_36)
    %run_scoped3A_37 = arith.constant 1 : i32
    "tpu.region"() ({
      %run_scoped3A_38 = tpu.sem_alloc : memref<!tpu.dma_semaphore, #tpu.memory_space<semaphore_mem>>
      %dma_start3A = arith.constant 0 : i32
      %dma_start3A_39 = tpu.memref_slice %arg7[%arg0, %run_scoped3A_37, %mul3A_2, %dma_start3A] : memref<2x2x10240x64xf32, #tpu.memory_space<hbm>> -> memref<1x1x640x64xf32, #tpu.memory_space<hbm>>
      %dma_start3A_40 = tpu.memref_squeeze %dma_start3A_39 : memref<1x1x640x64xf32, #tpu.memory_space<hbm>> -> memref<640x64xf32, #tpu.memory_space<hbm>>
      %dma_start3A_41 = arith.constant 0 : i32
      %dma_start3A_42 = tpu.memref_slice %arg14[%mul3A_2, %dma_start3A_41] : memref<10240x64xf32, #tpu.memory_space<vmem_shared>> -> memref<640x64xf32, #tpu.memory_space<vmem_shared>>
      tpu.enqueue_dma source(%dma_start3A_42 : memref<640x64xf32, #tpu.memory_space<vmem_shared>>) target(%dma_start3A_40 : memref<640x64xf32, #tpu.memory_space<hbm>>) target_semaphore(%run_scoped3A_38 : memref<!tpu.dma_semaphore, #tpu.memory_space<semaphore_mem>>)
      %dma_wait3A = arith.constant 0 : i32
      %dma_wait3A_43 = tpu.memref_slice %arg7[%arg0, %run_scoped3A_37, %mul3A_2, %dma_wait3A] : memref<2x2x10240x64xf32, #tpu.memory_space<hbm>> -> memref<1x1x640x64xf32, #tpu.memory_space<hbm>>
      %dma_wait3A_44 = tpu.memref_squeeze %dma_wait3A_43 : memref<1x1x640x64xf32, #tpu.memory_space<hbm>> -> memref<640x64xf32, #tpu.memory_space<hbm>>
      %dma_wait3A_45 = arith.constant 0 : i32
      %dma_wait3A_46 = tpu.memref_slice %arg14[%mul3A_2, %dma_wait3A_45] : memref<10240x64xf32, #tpu.memory_space<vmem_shared>> -> memref<640x64xf32, #tpu.memory_space<vmem_shared>>
      tpu.wait_dma2 semaphore(%run_scoped3A_38 : memref<!tpu.dma_semaphore, #tpu.memory_space<semaphore_mem>>) src(%dma_wait3A_46 : memref<640x64xf32, #tpu.memory_space<vmem_shared>>) dst(%dma_wait3A_44 : memref<640x64xf32, #tpu.memory_space<hbm>>)
      tpu.yield
    }) : () -> ()
    return
  }
}

#map = affine_map<(d0, d1) -> (0, 0)>
#map1 = affine_map<(d0, d1) -> (0, 0, 0)>
#map2 = affine_map<(d0, d1) -> (0, 0, 0, 0)>
module attributes {stable_mosaic.version = 14 : i64} {
  func.func @_gs_body(%arg0: i32, %arg1: i32, %arg2: memref<20480x64xf32, #tpu.memory_space<hbm>>, %arg3: memref<32x80x128xi32, #tpu.memory_space<hbm>>, %arg4: memref<32x80x128xi32, #tpu.memory_space<hbm>>, %arg5: memref<32x80x128xi32, #tpu.memory_space<hbm>>, %arg6: memref<128x64xf32, #tpu.memory_space<hbm>>, %arg7: memref<2x2x10240x64xf32, #tpu.memory_space<hbm>>, %arg8: memref<80x128xi32, #tpu.memory_space<vmem>>, %arg9: memref<80x128xi32, #tpu.memory_space<vmem>>, %arg10: memref<80x128xi32, #tpu.memory_space<vmem>>, %arg11: memref<128x64xf32, #tpu.memory_space<vmem>>, %arg12: memref<128x64xf32, #tpu.memory_space<vmem>>, %arg13: memref<128x64xf32, #tpu.memory_space<vmem>>, %arg14: memref<10240x64xf32, #tpu.memory_space<vmem_shared>>, %arg15: memref<!tpu.dma_semaphore, #tpu.memory_space<semaphore_mem>>, %arg16: memref<!tpu.dma_semaphore, #tpu.memory_space<semaphore_mem>>) attributes {dimension_semantics = [#tpu.dimension_semantics<core_parallel>, #tpu.dimension_semantics<subcore_parallel>], iteration_bounds = array<i64: 2, 16>, scalar_prefetch = 0 : i64, scratch_operands = 9 : i64, tpu.core_type = #tpu.core_type<sc_vector_subcore>, window_params = [{transform_indices = #map}, {transform_indices = #map1}, {transform_indices = #map1}, {transform_indices = #map1}, {transform_indices = #map}, {transform_indices = #map2}]} {
    %mul3A = arith.constant 16 : i32
    %mul3A_0 = arith.muli %arg0, %mul3A : i32
    %add3A = arith.addi %mul3A_0, %arg1 : i32
    "tpu.region"() ({
      %run_scoped3A_38 = tpu.sem_alloc : memref<!tpu.dma_semaphore, #tpu.memory_space<semaphore_mem>>
      %dma_start3A = arith.constant 0 : i32
      %dma_start3A_39 = arith.constant 0 : i32
      %dma_start3A_40 = tpu.memref_slice %arg3[%add3A, %dma_start3A, %dma_start3A_39] : memref<32x80x128xi32, #tpu.memory_space<hbm>> -> memref<1x80x128xi32, #tpu.memory_space<hbm>>
      %dma_start3A_41 = tpu.memref_squeeze %dma_start3A_40 : memref<1x80x128xi32, #tpu.memory_space<hbm>> -> memref<80x128xi32, #tpu.memory_space<hbm>>
      %dma_start3A_42 = arith.constant 0 : i32
      %dma_start3A_43 = arith.constant 0 : i32
      %dma_start3A_44 = tpu.memref_slice %arg3[%add3A, %dma_start3A_42, %dma_start3A_43] : memref<32x80x128xi32, #tpu.memory_space<hbm>> -> memref<1x80x128xi32, #tpu.memory_space<hbm>>
      %dma_start3A_45 = tpu.memref_squeeze %dma_start3A_44 : memref<1x80x128xi32, #tpu.memory_space<hbm>> -> memref<80x128xi32, #tpu.memory_space<hbm>>
      tpu.enqueue_dma source(%dma_start3A_45 : memref<80x128xi32, #tpu.memory_space<hbm>>) target(%arg8 : memref<80x128xi32, #tpu.memory_space<vmem>>) target_semaphore(%run_scoped3A_38 : memref<!tpu.dma_semaphore, #tpu.memory_space<semaphore_mem>>)
      %dma_wait3A = arith.constant 0 : i32
      %dma_wait3A_46 = arith.constant 0 : i32
      %dma_wait3A_47 = tpu.memref_slice %arg3[%add3A, %dma_wait3A, %dma_wait3A_46] : memref<32x80x128xi32, #tpu.memory_space<hbm>> -> memref<1x80x128xi32, #tpu.memory_space<hbm>>
      %dma_wait3A_48 = tpu.memref_squeeze %dma_wait3A_47 : memref<1x80x128xi32, #tpu.memory_space<hbm>> -> memref<80x128xi32, #tpu.memory_space<hbm>>
      %dma_wait3A_49 = arith.constant 0 : i32
      %dma_wait3A_50 = arith.constant 0 : i32
      %dma_wait3A_51 = tpu.memref_slice %arg3[%add3A, %dma_wait3A_49, %dma_wait3A_50] : memref<32x80x128xi32, #tpu.memory_space<hbm>> -> memref<1x80x128xi32, #tpu.memory_space<hbm>>
      %dma_wait3A_52 = tpu.memref_squeeze %dma_wait3A_51 : memref<1x80x128xi32, #tpu.memory_space<hbm>> -> memref<80x128xi32, #tpu.memory_space<hbm>>
      tpu.wait_dma2 semaphore(%run_scoped3A_38 : memref<!tpu.dma_semaphore, #tpu.memory_space<semaphore_mem>>) src(%dma_wait3A_52 : memref<80x128xi32, #tpu.memory_space<hbm>>) dst(%arg8 : memref<80x128xi32, #tpu.memory_space<vmem>>)
      tpu.yield
    }) : () -> ()
    "tpu.region"() ({
      %run_scoped3A_38 = tpu.sem_alloc : memref<!tpu.dma_semaphore, #tpu.memory_space<semaphore_mem>>
      %dma_start3A = arith.constant 0 : i32
      %dma_start3A_39 = arith.constant 0 : i32
      %dma_start3A_40 = tpu.memref_slice %arg4[%add3A, %dma_start3A, %dma_start3A_39] : memref<32x80x128xi32, #tpu.memory_space<hbm>> -> memref<1x80x128xi32, #tpu.memory_space<hbm>>
      %dma_start3A_41 = tpu.memref_squeeze %dma_start3A_40 : memref<1x80x128xi32, #tpu.memory_space<hbm>> -> memref<80x128xi32, #tpu.memory_space<hbm>>
      %dma_start3A_42 = arith.constant 0 : i32
      %dma_start3A_43 = arith.constant 0 : i32
      %dma_start3A_44 = tpu.memref_slice %arg4[%add3A, %dma_start3A_42, %dma_start3A_43] : memref<32x80x128xi32, #tpu.memory_space<hbm>> -> memref<1x80x128xi32, #tpu.memory_space<hbm>>
      %dma_start3A_45 = tpu.memref_squeeze %dma_start3A_44 : memref<1x80x128xi32, #tpu.memory_space<hbm>> -> memref<80x128xi32, #tpu.memory_space<hbm>>
      tpu.enqueue_dma source(%dma_start3A_45 : memref<80x128xi32, #tpu.memory_space<hbm>>) target(%arg9 : memref<80x128xi32, #tpu.memory_space<vmem>>) target_semaphore(%run_scoped3A_38 : memref<!tpu.dma_semaphore, #tpu.memory_space<semaphore_mem>>)
      %dma_wait3A = arith.constant 0 : i32
      %dma_wait3A_46 = arith.constant 0 : i32
      %dma_wait3A_47 = tpu.memref_slice %arg4[%add3A, %dma_wait3A, %dma_wait3A_46] : memref<32x80x128xi32, #tpu.memory_space<hbm>> -> memref<1x80x128xi32, #tpu.memory_space<hbm>>
      %dma_wait3A_48 = tpu.memref_squeeze %dma_wait3A_47 : memref<1x80x128xi32, #tpu.memory_space<hbm>> -> memref<80x128xi32, #tpu.memory_space<hbm>>
      %dma_wait3A_49 = arith.constant 0 : i32
      %dma_wait3A_50 = arith.constant 0 : i32
      %dma_wait3A_51 = tpu.memref_slice %arg4[%add3A, %dma_wait3A_49, %dma_wait3A_50] : memref<32x80x128xi32, #tpu.memory_space<hbm>> -> memref<1x80x128xi32, #tpu.memory_space<hbm>>
      %dma_wait3A_52 = tpu.memref_squeeze %dma_wait3A_51 : memref<1x80x128xi32, #tpu.memory_space<hbm>> -> memref<80x128xi32, #tpu.memory_space<hbm>>
      tpu.wait_dma2 semaphore(%run_scoped3A_38 : memref<!tpu.dma_semaphore, #tpu.memory_space<semaphore_mem>>) src(%dma_wait3A_52 : memref<80x128xi32, #tpu.memory_space<hbm>>) dst(%arg9 : memref<80x128xi32, #tpu.memory_space<vmem>>)
      tpu.yield
    }) : () -> ()
    "tpu.region"() ({
      %run_scoped3A_38 = tpu.sem_alloc : memref<!tpu.dma_semaphore, #tpu.memory_space<semaphore_mem>>
      %dma_start3A = arith.constant 0 : i32
      %dma_start3A_39 = arith.constant 0 : i32
      %dma_start3A_40 = tpu.memref_slice %arg5[%add3A, %dma_start3A, %dma_start3A_39] : memref<32x80x128xi32, #tpu.memory_space<hbm>> -> memref<1x80x128xi32, #tpu.memory_space<hbm>>
      %dma_start3A_41 = tpu.memref_squeeze %dma_start3A_40 : memref<1x80x128xi32, #tpu.memory_space<hbm>> -> memref<80x128xi32, #tpu.memory_space<hbm>>
      %dma_start3A_42 = arith.constant 0 : i32
      %dma_start3A_43 = arith.constant 0 : i32
      %dma_start3A_44 = tpu.memref_slice %arg5[%add3A, %dma_start3A_42, %dma_start3A_43] : memref<32x80x128xi32, #tpu.memory_space<hbm>> -> memref<1x80x128xi32, #tpu.memory_space<hbm>>
      %dma_start3A_45 = tpu.memref_squeeze %dma_start3A_44 : memref<1x80x128xi32, #tpu.memory_space<hbm>> -> memref<80x128xi32, #tpu.memory_space<hbm>>
      tpu.enqueue_dma source(%dma_start3A_45 : memref<80x128xi32, #tpu.memory_space<hbm>>) target(%arg10 : memref<80x128xi32, #tpu.memory_space<vmem>>) target_semaphore(%run_scoped3A_38 : memref<!tpu.dma_semaphore, #tpu.memory_space<semaphore_mem>>)
      %dma_wait3A = arith.constant 0 : i32
      %dma_wait3A_46 = arith.constant 0 : i32
      %dma_wait3A_47 = tpu.memref_slice %arg5[%add3A, %dma_wait3A, %dma_wait3A_46] : memref<32x80x128xi32, #tpu.memory_space<hbm>> -> memref<1x80x128xi32, #tpu.memory_space<hbm>>
      %dma_wait3A_48 = tpu.memref_squeeze %dma_wait3A_47 : memref<1x80x128xi32, #tpu.memory_space<hbm>> -> memref<80x128xi32, #tpu.memory_space<hbm>>
      %dma_wait3A_49 = arith.constant 0 : i32
      %dma_wait3A_50 = arith.constant 0 : i32
      %dma_wait3A_51 = tpu.memref_slice %arg5[%add3A, %dma_wait3A_49, %dma_wait3A_50] : memref<32x80x128xi32, #tpu.memory_space<hbm>> -> memref<1x80x128xi32, #tpu.memory_space<hbm>>
      %dma_wait3A_52 = tpu.memref_squeeze %dma_wait3A_51 : memref<1x80x128xi32, #tpu.memory_space<hbm>> -> memref<80x128xi32, #tpu.memory_space<hbm>>
      tpu.wait_dma2 semaphore(%run_scoped3A_38 : memref<!tpu.dma_semaphore, #tpu.memory_space<semaphore_mem>>) src(%dma_wait3A_52 : memref<80x128xi32, #tpu.memory_space<hbm>>) dst(%arg10 : memref<80x128xi32, #tpu.memory_space<vmem>>)
      tpu.yield
    }) : () -> ()
    "tpu.region"() ({
      %run_scoped3A_38 = tpu.sem_alloc : memref<!tpu.dma_semaphore, #tpu.memory_space<semaphore_mem>>
      tpu.enqueue_dma source(%arg6 : memref<128x64xf32, #tpu.memory_space<hbm>>) target(%arg11 : memref<128x64xf32, #tpu.memory_space<vmem>>) target_semaphore(%run_scoped3A_38 : memref<!tpu.dma_semaphore, #tpu.memory_space<semaphore_mem>>)
      tpu.wait_dma2 semaphore(%run_scoped3A_38 : memref<!tpu.dma_semaphore, #tpu.memory_space<semaphore_mem>>) src(%arg6 : memref<128x64xf32, #tpu.memory_space<hbm>>) dst(%arg11 : memref<128x64xf32, #tpu.memory_space<vmem>>)
      tpu.yield
    }) : () -> ()
    %mul3A_1 = arith.constant 640 : i32
    %mul3A_2 = arith.muli %arg1, %mul3A_1 : i32
    %add3A_3 = arith.constant 0 : i32
    %add3A_4 = arith.addi %mul3A_2, %add3A_3 : i32
    "tpu.region"() ({
      %run_scoped3A_38 = tpu.sem_alloc : memref<!tpu.dma_semaphore, #tpu.memory_space<semaphore_mem>>
      %dma_start3A = arith.constant 0 : i32
      %dma_start3A_39 = tpu.memref_slice %arg14[%add3A_4, %dma_start3A] : memref<10240x64xf32, #tpu.memory_space<vmem_shared>> -> memref<128x64xf32, #tpu.memory_space<vmem_shared>>
      %dma_start3A_40 = arith.constant 0 : i32
      %dma_start3A_41 = tpu.memref_slice %arg14[%add3A_4, %dma_start3A_40] : memref<10240x64xf32, #tpu.memory_space<vmem_shared>> -> memref<128x64xf32, #tpu.memory_space<vmem_shared>>
      tpu.enqueue_dma source(%arg11 : memref<128x64xf32, #tpu.memory_space<vmem>>) target(%dma_start3A_41 : memref<128x64xf32, #tpu.memory_space<vmem_shared>>) target_semaphore(%run_scoped3A_38 : memref<!tpu.dma_semaphore, #tpu.memory_space<semaphore_mem>>)
      %dma_wait3A = arith.constant 0 : i32
      %dma_wait3A_42 = tpu.memref_slice %arg14[%add3A_4, %dma_wait3A] : memref<10240x64xf32, #tpu.memory_space<vmem_shared>> -> memref<128x64xf32, #tpu.memory_space<vmem_shared>>
      %dma_wait3A_43 = arith.constant 0 : i32
      %dma_wait3A_44 = tpu.memref_slice %arg14[%add3A_4, %dma_wait3A_43] : memref<10240x64xf32, #tpu.memory_space<vmem_shared>> -> memref<128x64xf32, #tpu.memory_space<vmem_shared>>
      tpu.wait_dma2 semaphore(%run_scoped3A_38 : memref<!tpu.dma_semaphore, #tpu.memory_space<semaphore_mem>>) src(%arg11 : memref<128x64xf32, #tpu.memory_space<vmem>>) dst(%dma_wait3A_44 : memref<128x64xf32, #tpu.memory_space<vmem_shared>>)
      tpu.yield
    }) : () -> ()
    %add3A_5 = arith.constant 128 : i32
    %add3A_6 = arith.addi %mul3A_2, %add3A_5 : i32
    "tpu.region"() ({
      %run_scoped3A_38 = tpu.sem_alloc : memref<!tpu.dma_semaphore, #tpu.memory_space<semaphore_mem>>
      %dma_start3A = arith.constant 0 : i32
      %dma_start3A_39 = tpu.memref_slice %arg14[%add3A_6, %dma_start3A] : memref<10240x64xf32, #tpu.memory_space<vmem_shared>> -> memref<128x64xf32, #tpu.memory_space<vmem_shared>>
      %dma_start3A_40 = arith.constant 0 : i32
      %dma_start3A_41 = tpu.memref_slice %arg14[%add3A_6, %dma_start3A_40] : memref<10240x64xf32, #tpu.memory_space<vmem_shared>> -> memref<128x64xf32, #tpu.memory_space<vmem_shared>>
      tpu.enqueue_dma source(%arg11 : memref<128x64xf32, #tpu.memory_space<vmem>>) target(%dma_start3A_41 : memref<128x64xf32, #tpu.memory_space<vmem_shared>>) target_semaphore(%run_scoped3A_38 : memref<!tpu.dma_semaphore, #tpu.memory_space<semaphore_mem>>)
      %dma_wait3A = arith.constant 0 : i32
      %dma_wait3A_42 = tpu.memref_slice %arg14[%add3A_6, %dma_wait3A] : memref<10240x64xf32, #tpu.memory_space<vmem_shared>> -> memref<128x64xf32, #tpu.memory_space<vmem_shared>>
      %dma_wait3A_43 = arith.constant 0 : i32
      %dma_wait3A_44 = tpu.memref_slice %arg14[%add3A_6, %dma_wait3A_43] : memref<10240x64xf32, #tpu.memory_space<vmem_shared>> -> memref<128x64xf32, #tpu.memory_space<vmem_shared>>
      tpu.wait_dma2 semaphore(%run_scoped3A_38 : memref<!tpu.dma_semaphore, #tpu.memory_space<semaphore_mem>>) src(%arg11 : memref<128x64xf32, #tpu.memory_space<vmem>>) dst(%dma_wait3A_44 : memref<128x64xf32, #tpu.memory_space<vmem_shared>>)
      tpu.yield
    }) : () -> ()
    %add3A_7 = arith.constant 256 : i32
    %add3A_8 = arith.addi %mul3A_2, %add3A_7 : i32
    "tpu.region"() ({
      %run_scoped3A_38 = tpu.sem_alloc : memref<!tpu.dma_semaphore, #tpu.memory_space<semaphore_mem>>
      %dma_start3A = arith.constant 0 : i32
      %dma_start3A_39 = tpu.memref_slice %arg14[%add3A_8, %dma_start3A] : memref<10240x64xf32, #tpu.memory_space<vmem_shared>> -> memref<128x64xf32, #tpu.memory_space<vmem_shared>>
      %dma_start3A_40 = arith.constant 0 : i32
      %dma_start3A_41 = tpu.memref_slice %arg14[%add3A_8, %dma_start3A_40] : memref<10240x64xf32, #tpu.memory_space<vmem_shared>> -> memref<128x64xf32, #tpu.memory_space<vmem_shared>>
      tpu.enqueue_dma source(%arg11 : memref<128x64xf32, #tpu.memory_space<vmem>>) target(%dma_start3A_41 : memref<128x64xf32, #tpu.memory_space<vmem_shared>>) target_semaphore(%run_scoped3A_38 : memref<!tpu.dma_semaphore, #tpu.memory_space<semaphore_mem>>)
      %dma_wait3A = arith.constant 0 : i32
      %dma_wait3A_42 = tpu.memref_slice %arg14[%add3A_8, %dma_wait3A] : memref<10240x64xf32, #tpu.memory_space<vmem_shared>> -> memref<128x64xf32, #tpu.memory_space<vmem_shared>>
      %dma_wait3A_43 = arith.constant 0 : i32
      %dma_wait3A_44 = tpu.memref_slice %arg14[%add3A_8, %dma_wait3A_43] : memref<10240x64xf32, #tpu.memory_space<vmem_shared>> -> memref<128x64xf32, #tpu.memory_space<vmem_shared>>
      tpu.wait_dma2 semaphore(%run_scoped3A_38 : memref<!tpu.dma_semaphore, #tpu.memory_space<semaphore_mem>>) src(%arg11 : memref<128x64xf32, #tpu.memory_space<vmem>>) dst(%dma_wait3A_44 : memref<128x64xf32, #tpu.memory_space<vmem_shared>>)
      tpu.yield
    }) : () -> ()
    %add3A_9 = arith.constant 384 : i32
    %add3A_10 = arith.addi %mul3A_2, %add3A_9 : i32
    "tpu.region"() ({
      %run_scoped3A_38 = tpu.sem_alloc : memref<!tpu.dma_semaphore, #tpu.memory_space<semaphore_mem>>
      %dma_start3A = arith.constant 0 : i32
      %dma_start3A_39 = tpu.memref_slice %arg14[%add3A_10, %dma_start3A] : memref<10240x64xf32, #tpu.memory_space<vmem_shared>> -> memref<128x64xf32, #tpu.memory_space<vmem_shared>>
      %dma_start3A_40 = arith.constant 0 : i32
      %dma_start3A_41 = tpu.memref_slice %arg14[%add3A_10, %dma_start3A_40] : memref<10240x64xf32, #tpu.memory_space<vmem_shared>> -> memref<128x64xf32, #tpu.memory_space<vmem_shared>>
      tpu.enqueue_dma source(%arg11 : memref<128x64xf32, #tpu.memory_space<vmem>>) target(%dma_start3A_41 : memref<128x64xf32, #tpu.memory_space<vmem_shared>>) target_semaphore(%run_scoped3A_38 : memref<!tpu.dma_semaphore, #tpu.memory_space<semaphore_mem>>)
      %dma_wait3A = arith.constant 0 : i32
      %dma_wait3A_42 = tpu.memref_slice %arg14[%add3A_10, %dma_wait3A] : memref<10240x64xf32, #tpu.memory_space<vmem_shared>> -> memref<128x64xf32, #tpu.memory_space<vmem_shared>>
      %dma_wait3A_43 = arith.constant 0 : i32
      %dma_wait3A_44 = tpu.memref_slice %arg14[%add3A_10, %dma_wait3A_43] : memref<10240x64xf32, #tpu.memory_space<vmem_shared>> -> memref<128x64xf32, #tpu.memory_space<vmem_shared>>
      tpu.wait_dma2 semaphore(%run_scoped3A_38 : memref<!tpu.dma_semaphore, #tpu.memory_space<semaphore_mem>>) src(%arg11 : memref<128x64xf32, #tpu.memory_space<vmem>>) dst(%dma_wait3A_44 : memref<128x64xf32, #tpu.memory_space<vmem_shared>>)
      tpu.yield
    }) : () -> ()
    %add3A_11 = arith.constant 512 : i32
    %add3A_12 = arith.addi %mul3A_2, %add3A_11 : i32
    "tpu.region"() ({
      %run_scoped3A_38 = tpu.sem_alloc : memref<!tpu.dma_semaphore, #tpu.memory_space<semaphore_mem>>
      %dma_start3A = arith.constant 0 : i32
      %dma_start3A_39 = tpu.memref_slice %arg14[%add3A_12, %dma_start3A] : memref<10240x64xf32, #tpu.memory_space<vmem_shared>> -> memref<128x64xf32, #tpu.memory_space<vmem_shared>>
      %dma_start3A_40 = arith.constant 0 : i32
      %dma_start3A_41 = tpu.memref_slice %arg14[%add3A_12, %dma_start3A_40] : memref<10240x64xf32, #tpu.memory_space<vmem_shared>> -> memref<128x64xf32, #tpu.memory_space<vmem_shared>>
      tpu.enqueue_dma source(%arg11 : memref<128x64xf32, #tpu.memory_space<vmem>>) target(%dma_start3A_41 : memref<128x64xf32, #tpu.memory_space<vmem_shared>>) target_semaphore(%run_scoped3A_38 : memref<!tpu.dma_semaphore, #tpu.memory_space<semaphore_mem>>)
      %dma_wait3A = arith.constant 0 : i32
      %dma_wait3A_42 = tpu.memref_slice %arg14[%add3A_12, %dma_wait3A] : memref<10240x64xf32, #tpu.memory_space<vmem_shared>> -> memref<128x64xf32, #tpu.memory_space<vmem_shared>>
      %dma_wait3A_43 = arith.constant 0 : i32
      %dma_wait3A_44 = tpu.memref_slice %arg14[%add3A_12, %dma_wait3A_43] : memref<10240x64xf32, #tpu.memory_space<vmem_shared>> -> memref<128x64xf32, #tpu.memory_space<vmem_shared>>
      tpu.wait_dma2 semaphore(%run_scoped3A_38 : memref<!tpu.dma_semaphore, #tpu.memory_space<semaphore_mem>>) src(%arg11 : memref<128x64xf32, #tpu.memory_space<vmem>>) dst(%dma_wait3A_44 : memref<128x64xf32, #tpu.memory_space<vmem_shared>>)
      tpu.yield
    }) : () -> ()
    %barrier3A = arith.constant 0 : index
    tpu.barrier barrier_id(%barrier3A)
    %scan3A = arith.constant 0 : i32
    %scan3A_13 = arith.constant 0 : i32
    %scan3A_14 = arith.constant 40 : i32
    %scan3A_15 = arith.addi %scan3A_13, %scan3A_14 : i32
    %scan3A_16 = arith.constant 1 : i32
    scf.for %scan3A_38 = %scan3A_13 to %scan3A_15 step %scan3A_16  : i32 {
      %mul3A_39 = arith.constant 2 : i32
      %mul3A_40 = arith.muli %scan3A_38, %mul3A_39 : i32
      %add3A_41 = arith.constant 1 : i32
      %add3A_42 = arith.addi %mul3A_40, %add3A_41 : i32
      %dma_start3A = arith.constant 0 : i32
      %dma_start3A_43 = tpu.memref_slice %arg8[%mul3A_40, %dma_start3A] : memref<80x128xi32, #tpu.memory_space<vmem>> -> memref<1x128xi32, #tpu.memory_space<vmem>>
      %dma_start3A_44 = tpu.memref_squeeze %dma_start3A_43 : memref<1x128xi32, #tpu.memory_space<vmem>> -> memref<128xi32, #tpu.memory_space<vmem>>
      %dma_start3A_45 = arith.constant 0 : i32
      %dma_start3A_46 = arith.constant 0 : i32
      %dma_start3A_47 = tpu.memref_slice %arg2[%dma_start3A_45, %dma_start3A_46] : memref<20480x64xf32, #tpu.memory_space<hbm>> -> memref<20480x64xf32, #tpu.memory_space<hbm>>
      tpu.enqueue_indirect_dma source(%dma_start3A_47 : memref<20480x64xf32, #tpu.memory_space<hbm>>) target(%arg12 : memref<128x64xf32, #tpu.memory_space<vmem>>) offsets(%dma_start3A_44 : memref<128xi32, #tpu.memory_space<vmem>>) semaphore(%arg15 : memref<!tpu.dma_semaphore, #tpu.memory_space<semaphore_mem>>)
      %dma_start3A_48 = arith.constant 0 : i32
      %dma_start3A_49 = tpu.memref_slice %arg8[%add3A_42, %dma_start3A_48] : memref<80x128xi32, #tpu.memory_space<vmem>> -> memref<1x128xi32, #tpu.memory_space<vmem>>
      %dma_start3A_50 = tpu.memref_squeeze %dma_start3A_49 : memref<1x128xi32, #tpu.memory_space<vmem>> -> memref<128xi32, #tpu.memory_space<vmem>>
      %dma_start3A_51 = arith.constant 0 : i32
      %dma_start3A_52 = arith.constant 0 : i32
      %dma_start3A_53 = tpu.memref_slice %arg2[%dma_start3A_51, %dma_start3A_52] : memref<20480x64xf32, #tpu.memory_space<hbm>> -> memref<20480x64xf32, #tpu.memory_space<hbm>>
      tpu.enqueue_indirect_dma source(%dma_start3A_53 : memref<20480x64xf32, #tpu.memory_space<hbm>>) target(%arg13 : memref<128x64xf32, #tpu.memory_space<vmem>>) offsets(%dma_start3A_50 : memref<128xi32, #tpu.memory_space<vmem>>) semaphore(%arg16 : memref<!tpu.dma_semaphore, #tpu.memory_space<semaphore_mem>>)
      %dma_wait3A = arith.constant 0 : i32
      %dma_wait3A_54 = tpu.memref_slice %arg8[%mul3A_40, %dma_wait3A] : memref<80x128xi32, #tpu.memory_space<vmem>> -> memref<1x128xi32, #tpu.memory_space<vmem>>
      %dma_wait3A_55 = tpu.memref_squeeze %dma_wait3A_54 : memref<1x128xi32, #tpu.memory_space<vmem>> -> memref<128xi32, #tpu.memory_space<vmem>>
      %dma_wait3A_56 = arith.constant 0 : i32
      %dma_wait3A_57 = arith.constant 0 : i32
      %dma_wait3A_58 = tpu.memref_slice %arg2[%dma_wait3A_56, %dma_wait3A_57] : memref<20480x64xf32, #tpu.memory_space<hbm>> -> memref<20480x64xf32, #tpu.memory_space<hbm>>
      tpu.wait_indirect_dma semaphore(%arg15 : memref<!tpu.dma_semaphore, #tpu.memory_space<semaphore_mem>>) src(%dma_wait3A_58 : memref<20480x64xf32, #tpu.memory_space<hbm>>) dst(%arg12 : memref<128x64xf32, #tpu.memory_space<vmem>>)
      "tpu.region"() ({
        %run_scoped3A_65 = tpu.sem_alloc : memref<!tpu.dma_semaphore, #tpu.memory_space<semaphore_mem>>
        %dma_start3A_66 = arith.constant 0 : i32
        %dma_start3A_67 = tpu.memref_slice %arg10[%mul3A_40, %dma_start3A_66] : memref<80x128xi32, #tpu.memory_space<vmem>> -> memref<1x128xi32, #tpu.memory_space<vmem>>
        %dma_start3A_68 = tpu.memref_squeeze %dma_start3A_67 : memref<1x128xi32, #tpu.memory_space<vmem>> -> memref<128xi32, #tpu.memory_space<vmem>>
        %dma_start3A_69 = arith.constant 0 : i32
        %dma_start3A_70 = arith.constant 0 : i32
        %dma_start3A_71 = tpu.memref_slice %arg14[%dma_start3A_69, %dma_start3A_70] : memref<10240x64xf32, #tpu.memory_space<vmem_shared>> -> memref<10240x64xf32, #tpu.memory_space<vmem_shared>>
        tpu.enqueue_indirect_dma source(%arg12 : memref<128x64xf32, #tpu.memory_space<vmem>>) target(%dma_start3A_71 : memref<10240x64xf32, #tpu.memory_space<vmem_shared>>) offsets(%dma_start3A_68 : memref<128xi32, #tpu.memory_space<vmem>>) semaphore(%run_scoped3A_65 : memref<!tpu.dma_semaphore, #tpu.memory_space<semaphore_mem>>) {add = true}
        %dma_wait3A_72 = arith.constant 0 : i32
        %dma_wait3A_73 = tpu.memref_slice %arg10[%mul3A_40, %dma_wait3A_72] : memref<80x128xi32, #tpu.memory_space<vmem>> -> memref<1x128xi32, #tpu.memory_space<vmem>>
        %dma_wait3A_74 = tpu.memref_squeeze %dma_wait3A_73 : memref<1x128xi32, #tpu.memory_space<vmem>> -> memref<128xi32, #tpu.memory_space<vmem>>
        %dma_wait3A_75 = arith.constant 0 : i32
        %dma_wait3A_76 = arith.constant 0 : i32
        %dma_wait3A_77 = tpu.memref_slice %arg14[%dma_wait3A_75, %dma_wait3A_76] : memref<10240x64xf32, #tpu.memory_space<vmem_shared>> -> memref<10240x64xf32, #tpu.memory_space<vmem_shared>>
        tpu.wait_indirect_dma semaphore(%run_scoped3A_65 : memref<!tpu.dma_semaphore, #tpu.memory_space<semaphore_mem>>) src(%arg12 : memref<128x64xf32, #tpu.memory_space<vmem>>) dst(%dma_wait3A_77 : memref<10240x64xf32, #tpu.memory_space<vmem_shared>>)
        tpu.yield
      }) : () -> ()
      %dma_wait3A_59 = arith.constant 0 : i32
      %dma_wait3A_60 = tpu.memref_slice %arg8[%add3A_42, %dma_wait3A_59] : memref<80x128xi32, #tpu.memory_space<vmem>> -> memref<1x128xi32, #tpu.memory_space<vmem>>
      %dma_wait3A_61 = tpu.memref_squeeze %dma_wait3A_60 : memref<1x128xi32, #tpu.memory_space<vmem>> -> memref<128xi32, #tpu.memory_space<vmem>>
      %dma_wait3A_62 = arith.constant 0 : i32
      %dma_wait3A_63 = arith.constant 0 : i32
      %dma_wait3A_64 = tpu.memref_slice %arg2[%dma_wait3A_62, %dma_wait3A_63] : memref<20480x64xf32, #tpu.memory_space<hbm>> -> memref<20480x64xf32, #tpu.memory_space<hbm>>
      tpu.wait_indirect_dma semaphore(%arg16 : memref<!tpu.dma_semaphore, #tpu.memory_space<semaphore_mem>>) src(%dma_wait3A_64 : memref<20480x64xf32, #tpu.memory_space<hbm>>) dst(%arg13 : memref<128x64xf32, #tpu.memory_space<vmem>>)
      "tpu.region"() ({
        %run_scoped3A_65 = tpu.sem_alloc : memref<!tpu.dma_semaphore, #tpu.memory_space<semaphore_mem>>
        %dma_start3A_66 = arith.constant 0 : i32
        %dma_start3A_67 = tpu.memref_slice %arg10[%add3A_42, %dma_start3A_66] : memref<80x128xi32, #tpu.memory_space<vmem>> -> memref<1x128xi32, #tpu.memory_space<vmem>>
        %dma_start3A_68 = tpu.memref_squeeze %dma_start3A_67 : memref<1x128xi32, #tpu.memory_space<vmem>> -> memref<128xi32, #tpu.memory_space<vmem>>
        %dma_start3A_69 = arith.constant 0 : i32
        %dma_start3A_70 = arith.constant 0 : i32
        %dma_start3A_71 = tpu.memref_slice %arg14[%dma_start3A_69, %dma_start3A_70] : memref<10240x64xf32, #tpu.memory_space<vmem_shared>> -> memref<10240x64xf32, #tpu.memory_space<vmem_shared>>
        tpu.enqueue_indirect_dma source(%arg13 : memref<128x64xf32, #tpu.memory_space<vmem>>) target(%dma_start3A_71 : memref<10240x64xf32, #tpu.memory_space<vmem_shared>>) offsets(%dma_start3A_68 : memref<128xi32, #tpu.memory_space<vmem>>) semaphore(%run_scoped3A_65 : memref<!tpu.dma_semaphore, #tpu.memory_space<semaphore_mem>>) {add = true}
        %dma_wait3A_72 = arith.constant 0 : i32
        %dma_wait3A_73 = tpu.memref_slice %arg10[%add3A_42, %dma_wait3A_72] : memref<80x128xi32, #tpu.memory_space<vmem>> -> memref<1x128xi32, #tpu.memory_space<vmem>>
        %dma_wait3A_74 = tpu.memref_squeeze %dma_wait3A_73 : memref<1x128xi32, #tpu.memory_space<vmem>> -> memref<128xi32, #tpu.memory_space<vmem>>
        %dma_wait3A_75 = arith.constant 0 : i32
        %dma_wait3A_76 = arith.constant 0 : i32
        %dma_wait3A_77 = tpu.memref_slice %arg14[%dma_wait3A_75, %dma_wait3A_76] : memref<10240x64xf32, #tpu.memory_space<vmem_shared>> -> memref<10240x64xf32, #tpu.memory_space<vmem_shared>>
        tpu.wait_indirect_dma semaphore(%run_scoped3A_65 : memref<!tpu.dma_semaphore, #tpu.memory_space<semaphore_mem>>) src(%arg13 : memref<128x64xf32, #tpu.memory_space<vmem>>) dst(%dma_wait3A_77 : memref<10240x64xf32, #tpu.memory_space<vmem_shared>>)
        tpu.yield
      }) : () -> ()
    }
    %scan3A_17 = arith.constant 40 : i32
    %barrier3A_18 = arith.constant 0 : index
    tpu.barrier barrier_id(%barrier3A_18)
    %run_scoped3A = arith.constant 0 : i32
    "tpu.region"() ({
      %run_scoped3A_38 = tpu.sem_alloc : memref<!tpu.dma_semaphore, #tpu.memory_space<semaphore_mem>>
      %dma_start3A = arith.constant 0 : i32
      %dma_start3A_39 = tpu.memref_slice %arg7[%arg0, %run_scoped3A, %mul3A_2, %dma_start3A] : memref<2x2x10240x64xf32, #tpu.memory_space<hbm>> -> memref<1x1x640x64xf32, #tpu.memory_space<hbm>>
      %dma_start3A_40 = tpu.memref_squeeze %dma_start3A_39 : memref<1x1x640x64xf32, #tpu.memory_space<hbm>> -> memref<640x64xf32, #tpu.memory_space<hbm>>
      %dma_start3A_41 = arith.constant 0 : i32
      %dma_start3A_42 = tpu.memref_slice %arg14[%mul3A_2, %dma_start3A_41] : memref<10240x64xf32, #tpu.memory_space<vmem_shared>> -> memref<640x64xf32, #tpu.memory_space<vmem_shared>>
      tpu.enqueue_dma source(%dma_start3A_42 : memref<640x64xf32, #tpu.memory_space<vmem_shared>>) target(%dma_start3A_40 : memref<640x64xf32, #tpu.memory_space<hbm>>) target_semaphore(%run_scoped3A_38 : memref<!tpu.dma_semaphore, #tpu.memory_space<semaphore_mem>>)
      %dma_wait3A = arith.constant 0 : i32
      %dma_wait3A_43 = tpu.memref_slice %arg7[%arg0, %run_scoped3A, %mul3A_2, %dma_wait3A] : memref<2x2x10240x64xf32, #tpu.memory_space<hbm>> -> memref<1x1x640x64xf32, #tpu.memory_space<hbm>>
      %dma_wait3A_44 = tpu.memref_squeeze %dma_wait3A_43 : memref<1x1x640x64xf32, #tpu.memory_space<hbm>> -> memref<640x64xf32, #tpu.memory_space<hbm>>
      %dma_wait3A_45 = arith.constant 0 : i32
      %dma_wait3A_46 = tpu.memref_slice %arg14[%mul3A_2, %dma_wait3A_45] : memref<10240x64xf32, #tpu.memory_space<vmem_shared>> -> memref<640x64xf32, #tpu.memory_space<vmem_shared>>
      tpu.wait_dma2 semaphore(%run_scoped3A_38 : memref<!tpu.dma_semaphore, #tpu.memory_space<semaphore_mem>>) src(%dma_wait3A_46 : memref<640x64xf32, #tpu.memory_space<vmem_shared>>) dst(%dma_wait3A_44 : memref<640x64xf32, #tpu.memory_space<hbm>>)
      tpu.yield
    }) : () -> ()
    %add3A_19 = arith.constant 0 : i32
    %add3A_20 = arith.addi %mul3A_2, %add3A_19 : i32
    "tpu.region"() ({
      %run_scoped3A_38 = tpu.sem_alloc : memref<!tpu.dma_semaphore, #tpu.memory_space<semaphore_mem>>
      %dma_start3A = arith.constant 0 : i32
      %dma_start3A_39 = tpu.memref_slice %arg14[%add3A_20, %dma_start3A] : memref<10240x64xf32, #tpu.memory_space<vmem_shared>> -> memref<128x64xf32, #tpu.memory_space<vmem_shared>>
      %dma_start3A_40 = arith.constant 0 : i32
      %dma_start3A_41 = tpu.memref_slice %arg14[%add3A_20, %dma_start3A_40] : memref<10240x64xf32, #tpu.memory_space<vmem_shared>> -> memref<128x64xf32, #tpu.memory_space<vmem_shared>>
      tpu.enqueue_dma source(%arg11 : memref<128x64xf32, #tpu.memory_space<vmem>>) target(%dma_start3A_41 : memref<128x64xf32, #tpu.memory_space<vmem_shared>>) target_semaphore(%run_scoped3A_38 : memref<!tpu.dma_semaphore, #tpu.memory_space<semaphore_mem>>)
      %dma_wait3A = arith.constant 0 : i32
      %dma_wait3A_42 = tpu.memref_slice %arg14[%add3A_20, %dma_wait3A] : memref<10240x64xf32, #tpu.memory_space<vmem_shared>> -> memref<128x64xf32, #tpu.memory_space<vmem_shared>>
      %dma_wait3A_43 = arith.constant 0 : i32
      %dma_wait3A_44 = tpu.memref_slice %arg14[%add3A_20, %dma_wait3A_43] : memref<10240x64xf32, #tpu.memory_space<vmem_shared>> -> memref<128x64xf32, #tpu.memory_space<vmem_shared>>
      tpu.wait_dma2 semaphore(%run_scoped3A_38 : memref<!tpu.dma_semaphore, #tpu.memory_space<semaphore_mem>>) src(%arg11 : memref<128x64xf32, #tpu.memory_space<vmem>>) dst(%dma_wait3A_44 : memref<128x64xf32, #tpu.memory_space<vmem_shared>>)
      tpu.yield
    }) : () -> ()
    %add3A_21 = arith.constant 128 : i32
    %add3A_22 = arith.addi %mul3A_2, %add3A_21 : i32
    "tpu.region"() ({
      %run_scoped3A_38 = tpu.sem_alloc : memref<!tpu.dma_semaphore, #tpu.memory_space<semaphore_mem>>
      %dma_start3A = arith.constant 0 : i32
      %dma_start3A_39 = tpu.memref_slice %arg14[%add3A_22, %dma_start3A] : memref<10240x64xf32, #tpu.memory_space<vmem_shared>> -> memref<128x64xf32, #tpu.memory_space<vmem_shared>>
      %dma_start3A_40 = arith.constant 0 : i32
      %dma_start3A_41 = tpu.memref_slice %arg14[%add3A_22, %dma_start3A_40] : memref<10240x64xf32, #tpu.memory_space<vmem_shared>> -> memref<128x64xf32, #tpu.memory_space<vmem_shared>>
      tpu.enqueue_dma source(%arg11 : memref<128x64xf32, #tpu.memory_space<vmem>>) target(%dma_start3A_41 : memref<128x64xf32, #tpu.memory_space<vmem_shared>>) target_semaphore(%run_scoped3A_38 : memref<!tpu.dma_semaphore, #tpu.memory_space<semaphore_mem>>)
      %dma_wait3A = arith.constant 0 : i32
      %dma_wait3A_42 = tpu.memref_slice %arg14[%add3A_22, %dma_wait3A] : memref<10240x64xf32, #tpu.memory_space<vmem_shared>> -> memref<128x64xf32, #tpu.memory_space<vmem_shared>>
      %dma_wait3A_43 = arith.constant 0 : i32
      %dma_wait3A_44 = tpu.memref_slice %arg14[%add3A_22, %dma_wait3A_43] : memref<10240x64xf32, #tpu.memory_space<vmem_shared>> -> memref<128x64xf32, #tpu.memory_space<vmem_shared>>
      tpu.wait_dma2 semaphore(%run_scoped3A_38 : memref<!tpu.dma_semaphore, #tpu.memory_space<semaphore_mem>>) src(%arg11 : memref<128x64xf32, #tpu.memory_space<vmem>>) dst(%dma_wait3A_44 : memref<128x64xf32, #tpu.memory_space<vmem_shared>>)
      tpu.yield
    }) : () -> ()
    %add3A_23 = arith.constant 256 : i32
    %add3A_24 = arith.addi %mul3A_2, %add3A_23 : i32
    "tpu.region"() ({
      %run_scoped3A_38 = tpu.sem_alloc : memref<!tpu.dma_semaphore, #tpu.memory_space<semaphore_mem>>
      %dma_start3A = arith.constant 0 : i32
      %dma_start3A_39 = tpu.memref_slice %arg14[%add3A_24, %dma_start3A] : memref<10240x64xf32, #tpu.memory_space<vmem_shared>> -> memref<128x64xf32, #tpu.memory_space<vmem_shared>>
      %dma_start3A_40 = arith.constant 0 : i32
      %dma_start3A_41 = tpu.memref_slice %arg14[%add3A_24, %dma_start3A_40] : memref<10240x64xf32, #tpu.memory_space<vmem_shared>> -> memref<128x64xf32, #tpu.memory_space<vmem_shared>>
      tpu.enqueue_dma source(%arg11 : memref<128x64xf32, #tpu.memory_space<vmem>>) target(%dma_start3A_41 : memref<128x64xf32, #tpu.memory_space<vmem_shared>>) target_semaphore(%run_scoped3A_38 : memref<!tpu.dma_semaphore, #tpu.memory_space<semaphore_mem>>)
      %dma_wait3A = arith.constant 0 : i32
      %dma_wait3A_42 = tpu.memref_slice %arg14[%add3A_24, %dma_wait3A] : memref<10240x64xf32, #tpu.memory_space<vmem_shared>> -> memref<128x64xf32, #tpu.memory_space<vmem_shared>>
      %dma_wait3A_43 = arith.constant 0 : i32
      %dma_wait3A_44 = tpu.memref_slice %arg14[%add3A_24, %dma_wait3A_43] : memref<10240x64xf32, #tpu.memory_space<vmem_shared>> -> memref<128x64xf32, #tpu.memory_space<vmem_shared>>
      tpu.wait_dma2 semaphore(%run_scoped3A_38 : memref<!tpu.dma_semaphore, #tpu.memory_space<semaphore_mem>>) src(%arg11 : memref<128x64xf32, #tpu.memory_space<vmem>>) dst(%dma_wait3A_44 : memref<128x64xf32, #tpu.memory_space<vmem_shared>>)
      tpu.yield
    }) : () -> ()
    %add3A_25 = arith.constant 384 : i32
    %add3A_26 = arith.addi %mul3A_2, %add3A_25 : i32
    "tpu.region"() ({
      %run_scoped3A_38 = tpu.sem_alloc : memref<!tpu.dma_semaphore, #tpu.memory_space<semaphore_mem>>
      %dma_start3A = arith.constant 0 : i32
      %dma_start3A_39 = tpu.memref_slice %arg14[%add3A_26, %dma_start3A] : memref<10240x64xf32, #tpu.memory_space<vmem_shared>> -> memref<128x64xf32, #tpu.memory_space<vmem_shared>>
      %dma_start3A_40 = arith.constant 0 : i32
      %dma_start3A_41 = tpu.memref_slice %arg14[%add3A_26, %dma_start3A_40] : memref<10240x64xf32, #tpu.memory_space<vmem_shared>> -> memref<128x64xf32, #tpu.memory_space<vmem_shared>>
      tpu.enqueue_dma source(%arg11 : memref<128x64xf32, #tpu.memory_space<vmem>>) target(%dma_start3A_41 : memref<128x64xf32, #tpu.memory_space<vmem_shared>>) target_semaphore(%run_scoped3A_38 : memref<!tpu.dma_semaphore, #tpu.memory_space<semaphore_mem>>)
      %dma_wait3A = arith.constant 0 : i32
      %dma_wait3A_42 = tpu.memref_slice %arg14[%add3A_26, %dma_wait3A] : memref<10240x64xf32, #tpu.memory_space<vmem_shared>> -> memref<128x64xf32, #tpu.memory_space<vmem_shared>>
      %dma_wait3A_43 = arith.constant 0 : i32
      %dma_wait3A_44 = tpu.memref_slice %arg14[%add3A_26, %dma_wait3A_43] : memref<10240x64xf32, #tpu.memory_space<vmem_shared>> -> memref<128x64xf32, #tpu.memory_space<vmem_shared>>
      tpu.wait_dma2 semaphore(%run_scoped3A_38 : memref<!tpu.dma_semaphore, #tpu.memory_space<semaphore_mem>>) src(%arg11 : memref<128x64xf32, #tpu.memory_space<vmem>>) dst(%dma_wait3A_44 : memref<128x64xf32, #tpu.memory_space<vmem_shared>>)
      tpu.yield
    }) : () -> ()
    %add3A_27 = arith.constant 512 : i32
    %add3A_28 = arith.addi %mul3A_2, %add3A_27 : i32
    "tpu.region"() ({
      %run_scoped3A_38 = tpu.sem_alloc : memref<!tpu.dma_semaphore, #tpu.memory_space<semaphore_mem>>
      %dma_start3A = arith.constant 0 : i32
      %dma_start3A_39 = tpu.memref_slice %arg14[%add3A_28, %dma_start3A] : memref<10240x64xf32, #tpu.memory_space<vmem_shared>> -> memref<128x64xf32, #tpu.memory_space<vmem_shared>>
      %dma_start3A_40 = arith.constant 0 : i32
      %dma_start3A_41 = tpu.memref_slice %arg14[%add3A_28, %dma_start3A_40] : memref<10240x64xf32, #tpu.memory_space<vmem_shared>> -> memref<128x64xf32, #tpu.memory_space<vmem_shared>>
      tpu.enqueue_dma source(%arg11 : memref<128x64xf32, #tpu.memory_space<vmem>>) target(%dma_start3A_41 : memref<128x64xf32, #tpu.memory_space<vmem_shared>>) target_semaphore(%run_scoped3A_38 : memref<!tpu.dma_semaphore, #tpu.memory_space<semaphore_mem>>)
      %dma_wait3A = arith.constant 0 : i32
      %dma_wait3A_42 = tpu.memref_slice %arg14[%add3A_28, %dma_wait3A] : memref<10240x64xf32, #tpu.memory_space<vmem_shared>> -> memref<128x64xf32, #tpu.memory_space<vmem_shared>>
      %dma_wait3A_43 = arith.constant 0 : i32
      %dma_wait3A_44 = tpu.memref_slice %arg14[%add3A_28, %dma_wait3A_43] : memref<10240x64xf32, #tpu.memory_space<vmem_shared>> -> memref<128x64xf32, #tpu.memory_space<vmem_shared>>
      tpu.wait_dma2 semaphore(%run_scoped3A_38 : memref<!tpu.dma_semaphore, #tpu.memory_space<semaphore_mem>>) src(%arg11 : memref<128x64xf32, #tpu.memory_space<vmem>>) dst(%dma_wait3A_44 : memref<128x64xf32, #tpu.memory_space<vmem_shared>>)
      tpu.yield
    }) : () -> ()
    %barrier3A_29 = arith.constant 0 : index
    tpu.barrier barrier_id(%barrier3A_29)
    %scan3A_30 = arith.constant 0 : i32
    %scan3A_31 = arith.constant 0 : i32
    %scan3A_32 = arith.constant 40 : i32
    %scan3A_33 = arith.addi %scan3A_31, %scan3A_32 : i32
    %scan3A_34 = arith.constant 1 : i32
    scf.for %scan3A_38 = %scan3A_31 to %scan3A_33 step %scan3A_34  : i32 {
      %mul3A_39 = arith.constant 2 : i32
      %mul3A_40 = arith.muli %scan3A_38, %mul3A_39 : i32
      %add3A_41 = arith.constant 1 : i32
      %add3A_42 = arith.addi %mul3A_40, %add3A_41 : i32
      %dma_start3A = arith.constant 0 : i32
      %dma_start3A_43 = tpu.memref_slice %arg9[%mul3A_40, %dma_start3A] : memref<80x128xi32, #tpu.memory_space<vmem>> -> memref<1x128xi32, #tpu.memory_space<vmem>>
      %dma_start3A_44 = tpu.memref_squeeze %dma_start3A_43 : memref<1x128xi32, #tpu.memory_space<vmem>> -> memref<128xi32, #tpu.memory_space<vmem>>
      %dma_start3A_45 = arith.constant 0 : i32
      %dma_start3A_46 = arith.constant 0 : i32
      %dma_start3A_47 = tpu.memref_slice %arg2[%dma_start3A_45, %dma_start3A_46] : memref<20480x64xf32, #tpu.memory_space<hbm>> -> memref<20480x64xf32, #tpu.memory_space<hbm>>
      tpu.enqueue_indirect_dma source(%dma_start3A_47 : memref<20480x64xf32, #tpu.memory_space<hbm>>) target(%arg12 : memref<128x64xf32, #tpu.memory_space<vmem>>) offsets(%dma_start3A_44 : memref<128xi32, #tpu.memory_space<vmem>>) semaphore(%arg15 : memref<!tpu.dma_semaphore, #tpu.memory_space<semaphore_mem>>)
      %dma_start3A_48 = arith.constant 0 : i32
      %dma_start3A_49 = tpu.memref_slice %arg9[%add3A_42, %dma_start3A_48] : memref<80x128xi32, #tpu.memory_space<vmem>> -> memref<1x128xi32, #tpu.memory_space<vmem>>
      %dma_start3A_50 = tpu.memref_squeeze %dma_start3A_49 : memref<1x128xi32, #tpu.memory_space<vmem>> -> memref<128xi32, #tpu.memory_space<vmem>>
      %dma_start3A_51 = arith.constant 0 : i32
      %dma_start3A_52 = arith.constant 0 : i32
      %dma_start3A_53 = tpu.memref_slice %arg2[%dma_start3A_51, %dma_start3A_52] : memref<20480x64xf32, #tpu.memory_space<hbm>> -> memref<20480x64xf32, #tpu.memory_space<hbm>>
      tpu.enqueue_indirect_dma source(%dma_start3A_53 : memref<20480x64xf32, #tpu.memory_space<hbm>>) target(%arg13 : memref<128x64xf32, #tpu.memory_space<vmem>>) offsets(%dma_start3A_50 : memref<128xi32, #tpu.memory_space<vmem>>) semaphore(%arg16 : memref<!tpu.dma_semaphore, #tpu.memory_space<semaphore_mem>>)
      %dma_wait3A = arith.constant 0 : i32
      %dma_wait3A_54 = tpu.memref_slice %arg9[%mul3A_40, %dma_wait3A] : memref<80x128xi32, #tpu.memory_space<vmem>> -> memref<1x128xi32, #tpu.memory_space<vmem>>
      %dma_wait3A_55 = tpu.memref_squeeze %dma_wait3A_54 : memref<1x128xi32, #tpu.memory_space<vmem>> -> memref<128xi32, #tpu.memory_space<vmem>>
      %dma_wait3A_56 = arith.constant 0 : i32
      %dma_wait3A_57 = arith.constant 0 : i32
      %dma_wait3A_58 = tpu.memref_slice %arg2[%dma_wait3A_56, %dma_wait3A_57] : memref<20480x64xf32, #tpu.memory_space<hbm>> -> memref<20480x64xf32, #tpu.memory_space<hbm>>
      tpu.wait_indirect_dma semaphore(%arg15 : memref<!tpu.dma_semaphore, #tpu.memory_space<semaphore_mem>>) src(%dma_wait3A_58 : memref<20480x64xf32, #tpu.memory_space<hbm>>) dst(%arg12 : memref<128x64xf32, #tpu.memory_space<vmem>>)
      "tpu.region"() ({
        %run_scoped3A_65 = tpu.sem_alloc : memref<!tpu.dma_semaphore, #tpu.memory_space<semaphore_mem>>
        %dma_start3A_66 = arith.constant 0 : i32
        %dma_start3A_67 = tpu.memref_slice %arg10[%mul3A_40, %dma_start3A_66] : memref<80x128xi32, #tpu.memory_space<vmem>> -> memref<1x128xi32, #tpu.memory_space<vmem>>
        %dma_start3A_68 = tpu.memref_squeeze %dma_start3A_67 : memref<1x128xi32, #tpu.memory_space<vmem>> -> memref<128xi32, #tpu.memory_space<vmem>>
        %dma_start3A_69 = arith.constant 0 : i32
        %dma_start3A_70 = arith.constant 0 : i32
        %dma_start3A_71 = tpu.memref_slice %arg14[%dma_start3A_69, %dma_start3A_70] : memref<10240x64xf32, #tpu.memory_space<vmem_shared>> -> memref<10240x64xf32, #tpu.memory_space<vmem_shared>>
        tpu.enqueue_indirect_dma source(%arg12 : memref<128x64xf32, #tpu.memory_space<vmem>>) target(%dma_start3A_71 : memref<10240x64xf32, #tpu.memory_space<vmem_shared>>) offsets(%dma_start3A_68 : memref<128xi32, #tpu.memory_space<vmem>>) semaphore(%run_scoped3A_65 : memref<!tpu.dma_semaphore, #tpu.memory_space<semaphore_mem>>) {add = true}
        %dma_wait3A_72 = arith.constant 0 : i32
        %dma_wait3A_73 = tpu.memref_slice %arg10[%mul3A_40, %dma_wait3A_72] : memref<80x128xi32, #tpu.memory_space<vmem>> -> memref<1x128xi32, #tpu.memory_space<vmem>>
        %dma_wait3A_74 = tpu.memref_squeeze %dma_wait3A_73 : memref<1x128xi32, #tpu.memory_space<vmem>> -> memref<128xi32, #tpu.memory_space<vmem>>
        %dma_wait3A_75 = arith.constant 0 : i32
        %dma_wait3A_76 = arith.constant 0 : i32
        %dma_wait3A_77 = tpu.memref_slice %arg14[%dma_wait3A_75, %dma_wait3A_76] : memref<10240x64xf32, #tpu.memory_space<vmem_shared>> -> memref<10240x64xf32, #tpu.memory_space<vmem_shared>>
        tpu.wait_indirect_dma semaphore(%run_scoped3A_65 : memref<!tpu.dma_semaphore, #tpu.memory_space<semaphore_mem>>) src(%arg12 : memref<128x64xf32, #tpu.memory_space<vmem>>) dst(%dma_wait3A_77 : memref<10240x64xf32, #tpu.memory_space<vmem_shared>>)
        tpu.yield
      }) : () -> ()
      %dma_wait3A_59 = arith.constant 0 : i32
      %dma_wait3A_60 = tpu.memref_slice %arg9[%add3A_42, %dma_wait3A_59] : memref<80x128xi32, #tpu.memory_space<vmem>> -> memref<1x128xi32, #tpu.memory_space<vmem>>
      %dma_wait3A_61 = tpu.memref_squeeze %dma_wait3A_60 : memref<1x128xi32, #tpu.memory_space<vmem>> -> memref<128xi32, #tpu.memory_space<vmem>>
      %dma_wait3A_62 = arith.constant 0 : i32
      %dma_wait3A_63 = arith.constant 0 : i32
      %dma_wait3A_64 = tpu.memref_slice %arg2[%dma_wait3A_62, %dma_wait3A_63] : memref<20480x64xf32, #tpu.memory_space<hbm>> -> memref<20480x64xf32, #tpu.memory_space<hbm>>
      tpu.wait_indirect_dma semaphore(%arg16 : memref<!tpu.dma_semaphore, #tpu.memory_space<semaphore_mem>>) src(%dma_wait3A_64 : memref<20480x64xf32, #tpu.memory_space<hbm>>) dst(%arg13 : memref<128x64xf32, #tpu.memory_space<vmem>>)
      "tpu.region"() ({
        %run_scoped3A_65 = tpu.sem_alloc : memref<!tpu.dma_semaphore, #tpu.memory_space<semaphore_mem>>
        %dma_start3A_66 = arith.constant 0 : i32
        %dma_start3A_67 = tpu.memref_slice %arg10[%add3A_42, %dma_start3A_66] : memref<80x128xi32, #tpu.memory_space<vmem>> -> memref<1x128xi32, #tpu.memory_space<vmem>>
        %dma_start3A_68 = tpu.memref_squeeze %dma_start3A_67 : memref<1x128xi32, #tpu.memory_space<vmem>> -> memref<128xi32, #tpu.memory_space<vmem>>
        %dma_start3A_69 = arith.constant 0 : i32
        %dma_start3A_70 = arith.constant 0 : i32
        %dma_start3A_71 = tpu.memref_slice %arg14[%dma_start3A_69, %dma_start3A_70] : memref<10240x64xf32, #tpu.memory_space<vmem_shared>> -> memref<10240x64xf32, #tpu.memory_space<vmem_shared>>
        tpu.enqueue_indirect_dma source(%arg13 : memref<128x64xf32, #tpu.memory_space<vmem>>) target(%dma_start3A_71 : memref<10240x64xf32, #tpu.memory_space<vmem_shared>>) offsets(%dma_start3A_68 : memref<128xi32, #tpu.memory_space<vmem>>) semaphore(%run_scoped3A_65 : memref<!tpu.dma_semaphore, #tpu.memory_space<semaphore_mem>>) {add = true}
        %dma_wait3A_72 = arith.constant 0 : i32
        %dma_wait3A_73 = tpu.memref_slice %arg10[%add3A_42, %dma_wait3A_72] : memref<80x128xi32, #tpu.memory_space<vmem>> -> memref<1x128xi32, #tpu.memory_space<vmem>>
        %dma_wait3A_74 = tpu.memref_squeeze %dma_wait3A_73 : memref<1x128xi32, #tpu.memory_space<vmem>> -> memref<128xi32, #tpu.memory_space<vmem>>
        %dma_wait3A_75 = arith.constant 0 : i32
        %dma_wait3A_76 = arith.constant 0 : i32
        %dma_wait3A_77 = tpu.memref_slice %arg14[%dma_wait3A_75, %dma_wait3A_76] : memref<10240x64xf32, #tpu.memory_space<vmem_shared>> -> memref<10240x64xf32, #tpu.memory_space<vmem_shared>>
        tpu.wait_indirect_dma semaphore(%run_scoped3A_65 : memref<!tpu.dma_semaphore, #tpu.memory_space<semaphore_mem>>) src(%arg13 : memref<128x64xf32, #tpu.memory_space<vmem>>) dst(%dma_wait3A_77 : memref<10240x64xf32, #tpu.memory_space<vmem_shared>>)
        tpu.yield
      }) : () -> ()
    }
    %scan3A_35 = arith.constant 40 : i32
    %barrier3A_36 = arith.constant 0 : index
    tpu.barrier barrier_id(%barrier3A_36)
    %run_scoped3A_37 = arith.constant 1 : i32
    "tpu.region"() ({
      %run_scoped3A_38 = tpu.sem_alloc : memref<!tpu.dma_semaphore, #tpu.memory_space<semaphore_mem>>
      %dma_start3A = arith.constant 0 : i32
      %dma_start3A_39 = tpu.memref_slice %arg7[%arg0, %run_scoped3A_37, %mul3A_2, %dma_start3A] : memref<2x2x10240x64xf32, #tpu.memory_space<hbm>> -> memref<1x1x640x64xf32, #tpu.memory_space<hbm>>
      %dma_start3A_40 = tpu.memref_squeeze %dma_start3A_39 : memref<1x1x640x64xf32, #tpu.memory_space<hbm>> -> memref<640x64xf32, #tpu.memory_space<hbm>>
      %dma_start3A_41 = arith.constant 0 : i32
      %dma_start3A_42 = tpu.memref_slice %arg14[%mul3A_2, %dma_start3A_41] : memref<10240x64xf32, #tpu.memory_space<vmem_shared>> -> memref<640x64xf32, #tpu.memory_space<vmem_shared>>
      tpu.enqueue_dma source(%dma_start3A_42 : memref<640x64xf32, #tpu.memory_space<vmem_shared>>) target(%dma_start3A_40 : memref<640x64xf32, #tpu.memory_space<hbm>>) target_semaphore(%run_scoped3A_38 : memref<!tpu.dma_semaphore, #tpu.memory_space<semaphore_mem>>)
      %dma_wait3A = arith.constant 0 : i32
      %dma_wait3A_43 = tpu.memref_slice %arg7[%arg0, %run_scoped3A_37, %mul3A_2, %dma_wait3A] : memref<2x2x10240x64xf32, #tpu.memory_space<hbm>> -> memref<1x1x640x64xf32, #tpu.memory_space<hbm>>
      %dma_wait3A_44 = tpu.memref_squeeze %dma_wait3A_43 : memref<1x1x640x64xf32, #tpu.memory_space<hbm>> -> memref<640x64xf32, #tpu.memory_space<hbm>>
      %dma_wait3A_45 = arith.constant 0 : i32
      %dma_wait3A_46 = tpu.memref_slice %arg14[%mul3A_2, %dma_wait3A_45] : memref<10240x64xf32, #tpu.memory_space<vmem_shared>> -> memref<640x64xf32, #tpu.memory_space<vmem_shared>>
      tpu.wait_dma2 semaphore(%run_scoped3A_38 : memref<!tpu.dma_semaphore, #tpu.memory_space<semaphore_mem>>) src(%dma_wait3A_46 : memref<640x64xf32, #tpu.memory_space<vmem_shared>>) dst(%dma_wait3A_44 : memref<640x64xf32, #tpu.memory_space<hbm>>)
      tpu.yield
    }) : () -> ()
    return
  }
}

#map = affine_map<(d0, d1) -> (0, 0, 0)>
module attributes {stable_mosaic.version = 14 : i64} {
  func.func @_deg_body(%arg0: i32, %arg1: i32, %arg2: memref<32x80x128xi32, #tpu.memory_space<hbm>>, %arg3: memref<2x128x16xf32, #tpu.memory_space<hbm>>, %arg4: memref<2x10240x16xf32, #tpu.memory_space<hbm>>, %arg5: memref<80x128xi32, #tpu.memory_space<vmem>>, %arg6: memref<128x16xf32, #tpu.memory_space<vmem>>, %arg7: memref<128x16xf32, #tpu.memory_space<vmem>>, %arg8: memref<10240x16xf32, #tpu.memory_space<vmem_shared>>, %arg9: memref<!tpu.dma_semaphore, #tpu.memory_space<semaphore_mem>>) attributes {dimension_semantics = [#tpu.dimension_semantics<core_parallel>, #tpu.dimension_semantics<subcore_parallel>], iteration_bounds = array<i64: 2, 16>, scalar_prefetch = 0 : i64, scratch_operands = 5 : i64, tpu.core_type = #tpu.core_type<sc_vector_subcore>, window_params = [{transform_indices = #map}, {transform_indices = #map}, {transform_indices = #map}]} {
    %mul3A = arith.constant 16 : i32
    %mul3A_0 = arith.muli %arg0, %mul3A : i32
    %add3A = arith.addi %mul3A_0, %arg1 : i32
    "tpu.region"() ({
      %run_scoped3A_20 = tpu.sem_alloc : memref<!tpu.dma_semaphore, #tpu.memory_space<semaphore_mem>>
      %dma_start3A = arith.constant 0 : i32
      %dma_start3A_21 = arith.constant 0 : i32
      %dma_start3A_22 = tpu.memref_slice %arg2[%add3A, %dma_start3A, %dma_start3A_21] : memref<32x80x128xi32, #tpu.memory_space<hbm>> -> memref<1x80x128xi32, #tpu.memory_space<hbm>>
      %dma_start3A_23 = tpu.memref_squeeze %dma_start3A_22 : memref<1x80x128xi32, #tpu.memory_space<hbm>> -> memref<80x128xi32, #tpu.memory_space<hbm>>
      %dma_start3A_24 = arith.constant 0 : i32
      %dma_start3A_25 = arith.constant 0 : i32
      %dma_start3A_26 = tpu.memref_slice %arg2[%add3A, %dma_start3A_24, %dma_start3A_25] : memref<32x80x128xi32, #tpu.memory_space<hbm>> -> memref<1x80x128xi32, #tpu.memory_space<hbm>>
      %dma_start3A_27 = tpu.memref_squeeze %dma_start3A_26 : memref<1x80x128xi32, #tpu.memory_space<hbm>> -> memref<80x128xi32, #tpu.memory_space<hbm>>
      tpu.enqueue_dma source(%dma_start3A_27 : memref<80x128xi32, #tpu.memory_space<hbm>>) target(%arg5 : memref<80x128xi32, #tpu.memory_space<vmem>>) target_semaphore(%run_scoped3A_20 : memref<!tpu.dma_semaphore, #tpu.memory_space<semaphore_mem>>)
      %dma_wait3A = arith.constant 0 : i32
      %dma_wait3A_28 = arith.constant 0 : i32
      %dma_wait3A_29 = tpu.memref_slice %arg2[%add3A, %dma_wait3A, %dma_wait3A_28] : memref<32x80x128xi32, #tpu.memory_space<hbm>> -> memref<1x80x128xi32, #tpu.memory_space<hbm>>
      %dma_wait3A_30 = tpu.memref_squeeze %dma_wait3A_29 : memref<1x80x128xi32, #tpu.memory_space<hbm>> -> memref<80x128xi32, #tpu.memory_space<hbm>>
      %dma_wait3A_31 = arith.constant 0 : i32
      %dma_wait3A_32 = arith.constant 0 : i32
      %dma_wait3A_33 = tpu.memref_slice %arg2[%add3A, %dma_wait3A_31, %dma_wait3A_32] : memref<32x80x128xi32, #tpu.memory_space<hbm>> -> memref<1x80x128xi32, #tpu.memory_space<hbm>>
      %dma_wait3A_34 = tpu.memref_squeeze %dma_wait3A_33 : memref<1x80x128xi32, #tpu.memory_space<hbm>> -> memref<80x128xi32, #tpu.memory_space<hbm>>
      tpu.wait_dma2 semaphore(%run_scoped3A_20 : memref<!tpu.dma_semaphore, #tpu.memory_space<semaphore_mem>>) src(%dma_wait3A_34 : memref<80x128xi32, #tpu.memory_space<hbm>>) dst(%arg5 : memref<80x128xi32, #tpu.memory_space<vmem>>)
      tpu.yield
    }) : () -> ()
    %run_scoped3A = arith.constant 0 : i32
    "tpu.region"() ({
      %run_scoped3A_20 = tpu.sem_alloc : memref<!tpu.dma_semaphore, #tpu.memory_space<semaphore_mem>>
      %dma_start3A = arith.constant 0 : i32
      %dma_start3A_21 = arith.constant 0 : i32
      %dma_start3A_22 = tpu.memref_slice %arg3[%run_scoped3A, %dma_start3A, %dma_start3A_21] : memref<2x128x16xf32, #tpu.memory_space<hbm>> -> memref<1x128x16xf32, #tpu.memory_space<hbm>>
      %dma_start3A_23 = tpu.memref_squeeze %dma_start3A_22 : memref<1x128x16xf32, #tpu.memory_space<hbm>> -> memref<128x16xf32, #tpu.memory_space<hbm>>
      %dma_start3A_24 = arith.constant 0 : i32
      %dma_start3A_25 = arith.constant 0 : i32
      %dma_start3A_26 = tpu.memref_slice %arg3[%run_scoped3A, %dma_start3A_24, %dma_start3A_25] : memref<2x128x16xf32, #tpu.memory_space<hbm>> -> memref<1x128x16xf32, #tpu.memory_space<hbm>>
      %dma_start3A_27 = tpu.memref_squeeze %dma_start3A_26 : memref<1x128x16xf32, #tpu.memory_space<hbm>> -> memref<128x16xf32, #tpu.memory_space<hbm>>
      tpu.enqueue_dma source(%dma_start3A_27 : memref<128x16xf32, #tpu.memory_space<hbm>>) target(%arg7 : memref<128x16xf32, #tpu.memory_space<vmem>>) target_semaphore(%run_scoped3A_20 : memref<!tpu.dma_semaphore, #tpu.memory_space<semaphore_mem>>)
      %dma_wait3A = arith.constant 0 : i32
      %dma_wait3A_28 = arith.constant 0 : i32
      %dma_wait3A_29 = tpu.memref_slice %arg3[%run_scoped3A, %dma_wait3A, %dma_wait3A_28] : memref<2x128x16xf32, #tpu.memory_space<hbm>> -> memref<1x128x16xf32, #tpu.memory_space<hbm>>
      %dma_wait3A_30 = tpu.memref_squeeze %dma_wait3A_29 : memref<1x128x16xf32, #tpu.memory_space<hbm>> -> memref<128x16xf32, #tpu.memory_space<hbm>>
      %dma_wait3A_31 = arith.constant 0 : i32
      %dma_wait3A_32 = arith.constant 0 : i32
      %dma_wait3A_33 = tpu.memref_slice %arg3[%run_scoped3A, %dma_wait3A_31, %dma_wait3A_32] : memref<2x128x16xf32, #tpu.memory_space<hbm>> -> memref<1x128x16xf32, #tpu.memory_space<hbm>>
      %dma_wait3A_34 = tpu.memref_squeeze %dma_wait3A_33 : memref<1x128x16xf32, #tpu.memory_space<hbm>> -> memref<128x16xf32, #tpu.memory_space<hbm>>
      tpu.wait_dma2 semaphore(%run_scoped3A_20 : memref<!tpu.dma_semaphore, #tpu.memory_space<semaphore_mem>>) src(%dma_wait3A_34 : memref<128x16xf32, #tpu.memory_space<hbm>>) dst(%arg7 : memref<128x16xf32, #tpu.memory_space<vmem>>)
      tpu.yield
    }) : () -> ()
    %run_scoped3A_1 = arith.constant 1 : i32
    "tpu.region"() ({
      %run_scoped3A_20 = tpu.sem_alloc : memref<!tpu.dma_semaphore, #tpu.memory_space<semaphore_mem>>
      %dma_start3A = arith.constant 0 : i32
      %dma_start3A_21 = arith.constant 0 : i32
      %dma_start3A_22 = tpu.memref_slice %arg3[%run_scoped3A_1, %dma_start3A, %dma_start3A_21] : memref<2x128x16xf32, #tpu.memory_space<hbm>> -> memref<1x128x16xf32, #tpu.memory_space<hbm>>
      %dma_start3A_23 = tpu.memref_squeeze %dma_start3A_22 : memref<1x128x16xf32, #tpu.memory_space<hbm>> -> memref<128x16xf32, #tpu.memory_space<hbm>>
      %dma_start3A_24 = arith.constant 0 : i32
      %dma_start3A_25 = arith.constant 0 : i32
      %dma_start3A_26 = tpu.memref_slice %arg3[%run_scoped3A_1, %dma_start3A_24, %dma_start3A_25] : memref<2x128x16xf32, #tpu.memory_space<hbm>> -> memref<1x128x16xf32, #tpu.memory_space<hbm>>
      %dma_start3A_27 = tpu.memref_squeeze %dma_start3A_26 : memref<1x128x16xf32, #tpu.memory_space<hbm>> -> memref<128x16xf32, #tpu.memory_space<hbm>>
      tpu.enqueue_dma source(%dma_start3A_27 : memref<128x16xf32, #tpu.memory_space<hbm>>) target(%arg6 : memref<128x16xf32, #tpu.memory_space<vmem>>) target_semaphore(%run_scoped3A_20 : memref<!tpu.dma_semaphore, #tpu.memory_space<semaphore_mem>>)
      %dma_wait3A = arith.constant 0 : i32
      %dma_wait3A_28 = arith.constant 0 : i32
      %dma_wait3A_29 = tpu.memref_slice %arg3[%run_scoped3A_1, %dma_wait3A, %dma_wait3A_28] : memref<2x128x16xf32, #tpu.memory_space<hbm>> -> memref<1x128x16xf32, #tpu.memory_space<hbm>>
      %dma_wait3A_30 = tpu.memref_squeeze %dma_wait3A_29 : memref<1x128x16xf32, #tpu.memory_space<hbm>> -> memref<128x16xf32, #tpu.memory_space<hbm>>
      %dma_wait3A_31 = arith.constant 0 : i32
      %dma_wait3A_32 = arith.constant 0 : i32
      %dma_wait3A_33 = tpu.memref_slice %arg3[%run_scoped3A_1, %dma_wait3A_31, %dma_wait3A_32] : memref<2x128x16xf32, #tpu.memory_space<hbm>> -> memref<1x128x16xf32, #tpu.memory_space<hbm>>
      %dma_wait3A_34 = tpu.memref_squeeze %dma_wait3A_33 : memref<1x128x16xf32, #tpu.memory_space<hbm>> -> memref<128x16xf32, #tpu.memory_space<hbm>>
      tpu.wait_dma2 semaphore(%run_scoped3A_20 : memref<!tpu.dma_semaphore, #tpu.memory_space<semaphore_mem>>) src(%dma_wait3A_34 : memref<128x16xf32, #tpu.memory_space<hbm>>) dst(%arg6 : memref<128x16xf32, #tpu.memory_space<vmem>>)
      tpu.yield
    }) : () -> ()
    %mul3A_2 = arith.constant 640 : i32
    %mul3A_3 = arith.muli %arg1, %mul3A_2 : i32
    %add3A_4 = arith.constant 0 : i32
    %add3A_5 = arith.addi %mul3A_3, %add3A_4 : i32
    "tpu.region"() ({
      %run_scoped3A_20 = tpu.sem_alloc : memref<!tpu.dma_semaphore, #tpu.memory_space<semaphore_mem>>
      %dma_start3A = arith.constant 0 : i32
      %dma_start3A_21 = tpu.memref_slice %arg8[%add3A_5, %dma_start3A] : memref<10240x16xf32, #tpu.memory_space<vmem_shared>> -> memref<128x16xf32, #tpu.memory_space<vmem_shared>>
      %dma_start3A_22 = arith.constant 0 : i32
      %dma_start3A_23 = tpu.memref_slice %arg8[%add3A_5, %dma_start3A_22] : memref<10240x16xf32, #tpu.memory_space<vmem_shared>> -> memref<128x16xf32, #tpu.memory_space<vmem_shared>>
      tpu.enqueue_dma source(%arg7 : memref<128x16xf32, #tpu.memory_space<vmem>>) target(%dma_start3A_23 : memref<128x16xf32, #tpu.memory_space<vmem_shared>>) target_semaphore(%run_scoped3A_20 : memref<!tpu.dma_semaphore, #tpu.memory_space<semaphore_mem>>)
      %dma_wait3A = arith.constant 0 : i32
      %dma_wait3A_24 = tpu.memref_slice %arg8[%add3A_5, %dma_wait3A] : memref<10240x16xf32, #tpu.memory_space<vmem_shared>> -> memref<128x16xf32, #tpu.memory_space<vmem_shared>>
      %dma_wait3A_25 = arith.constant 0 : i32
      %dma_wait3A_26 = tpu.memref_slice %arg8[%add3A_5, %dma_wait3A_25] : memref<10240x16xf32, #tpu.memory_space<vmem_shared>> -> memref<128x16xf32, #tpu.memory_space<vmem_shared>>
      tpu.wait_dma2 semaphore(%run_scoped3A_20 : memref<!tpu.dma_semaphore, #tpu.memory_space<semaphore_mem>>) src(%arg7 : memref<128x16xf32, #tpu.memory_space<vmem>>) dst(%dma_wait3A_26 : memref<128x16xf32, #tpu.memory_space<vmem_shared>>)
      tpu.yield
    }) : () -> ()
    %add3A_6 = arith.constant 128 : i32
    %add3A_7 = arith.addi %mul3A_3, %add3A_6 : i32
    "tpu.region"() ({
      %run_scoped3A_20 = tpu.sem_alloc : memref<!tpu.dma_semaphore, #tpu.memory_space<semaphore_mem>>
      %dma_start3A = arith.constant 0 : i32
      %dma_start3A_21 = tpu.memref_slice %arg8[%add3A_7, %dma_start3A] : memref<10240x16xf32, #tpu.memory_space<vmem_shared>> -> memref<128x16xf32, #tpu.memory_space<vmem_shared>>
      %dma_start3A_22 = arith.constant 0 : i32
      %dma_start3A_23 = tpu.memref_slice %arg8[%add3A_7, %dma_start3A_22] : memref<10240x16xf32, #tpu.memory_space<vmem_shared>> -> memref<128x16xf32, #tpu.memory_space<vmem_shared>>
      tpu.enqueue_dma source(%arg7 : memref<128x16xf32, #tpu.memory_space<vmem>>) target(%dma_start3A_23 : memref<128x16xf32, #tpu.memory_space<vmem_shared>>) target_semaphore(%run_scoped3A_20 : memref<!tpu.dma_semaphore, #tpu.memory_space<semaphore_mem>>)
      %dma_wait3A = arith.constant 0 : i32
      %dma_wait3A_24 = tpu.memref_slice %arg8[%add3A_7, %dma_wait3A] : memref<10240x16xf32, #tpu.memory_space<vmem_shared>> -> memref<128x16xf32, #tpu.memory_space<vmem_shared>>
      %dma_wait3A_25 = arith.constant 0 : i32
      %dma_wait3A_26 = tpu.memref_slice %arg8[%add3A_7, %dma_wait3A_25] : memref<10240x16xf32, #tpu.memory_space<vmem_shared>> -> memref<128x16xf32, #tpu.memory_space<vmem_shared>>
      tpu.wait_dma2 semaphore(%run_scoped3A_20 : memref<!tpu.dma_semaphore, #tpu.memory_space<semaphore_mem>>) src(%arg7 : memref<128x16xf32, #tpu.memory_space<vmem>>) dst(%dma_wait3A_26 : memref<128x16xf32, #tpu.memory_space<vmem_shared>>)
      tpu.yield
    }) : () -> ()
    %add3A_8 = arith.constant 256 : i32
    %add3A_9 = arith.addi %mul3A_3, %add3A_8 : i32
    "tpu.region"() ({
      %run_scoped3A_20 = tpu.sem_alloc : memref<!tpu.dma_semaphore, #tpu.memory_space<semaphore_mem>>
      %dma_start3A = arith.constant 0 : i32
      %dma_start3A_21 = tpu.memref_slice %arg8[%add3A_9, %dma_start3A] : memref<10240x16xf32, #tpu.memory_space<vmem_shared>> -> memref<128x16xf32, #tpu.memory_space<vmem_shared>>
      %dma_start3A_22 = arith.constant 0 : i32
      %dma_start3A_23 = tpu.memref_slice %arg8[%add3A_9, %dma_start3A_22] : memref<10240x16xf32, #tpu.memory_space<vmem_shared>> -> memref<128x16xf32, #tpu.memory_space<vmem_shared>>
      tpu.enqueue_dma source(%arg7 : memref<128x16xf32, #tpu.memory_space<vmem>>) target(%dma_start3A_23 : memref<128x16xf32, #tpu.memory_space<vmem_shared>>) target_semaphore(%run_scoped3A_20 : memref<!tpu.dma_semaphore, #tpu.memory_space<semaphore_mem>>)
      %dma_wait3A = arith.constant 0 : i32
      %dma_wait3A_24 = tpu.memref_slice %arg8[%add3A_9, %dma_wait3A] : memref<10240x16xf32, #tpu.memory_space<vmem_shared>> -> memref<128x16xf32, #tpu.memory_space<vmem_shared>>
      %dma_wait3A_25 = arith.constant 0 : i32
      %dma_wait3A_26 = tpu.memref_slice %arg8[%add3A_9, %dma_wait3A_25] : memref<10240x16xf32, #tpu.memory_space<vmem_shared>> -> memref<128x16xf32, #tpu.memory_space<vmem_shared>>
      tpu.wait_dma2 semaphore(%run_scoped3A_20 : memref<!tpu.dma_semaphore, #tpu.memory_space<semaphore_mem>>) src(%arg7 : memref<128x16xf32, #tpu.memory_space<vmem>>) dst(%dma_wait3A_26 : memref<128x16xf32, #tpu.memory_space<vmem_shared>>)
      tpu.yield
    }) : () -> ()
    %add3A_10 = arith.constant 384 : i32
    %add3A_11 = arith.addi %mul3A_3, %add3A_10 : i32
    "tpu.region"() ({
      %run_scoped3A_20 = tpu.sem_alloc : memref<!tpu.dma_semaphore, #tpu.memory_space<semaphore_mem>>
      %dma_start3A = arith.constant 0 : i32
      %dma_start3A_21 = tpu.memref_slice %arg8[%add3A_11, %dma_start3A] : memref<10240x16xf32, #tpu.memory_space<vmem_shared>> -> memref<128x16xf32, #tpu.memory_space<vmem_shared>>
      %dma_start3A_22 = arith.constant 0 : i32
      %dma_start3A_23 = tpu.memref_slice %arg8[%add3A_11, %dma_start3A_22] : memref<10240x16xf32, #tpu.memory_space<vmem_shared>> -> memref<128x16xf32, #tpu.memory_space<vmem_shared>>
      tpu.enqueue_dma source(%arg7 : memref<128x16xf32, #tpu.memory_space<vmem>>) target(%dma_start3A_23 : memref<128x16xf32, #tpu.memory_space<vmem_shared>>) target_semaphore(%run_scoped3A_20 : memref<!tpu.dma_semaphore, #tpu.memory_space<semaphore_mem>>)
      %dma_wait3A = arith.constant 0 : i32
      %dma_wait3A_24 = tpu.memref_slice %arg8[%add3A_11, %dma_wait3A] : memref<10240x16xf32, #tpu.memory_space<vmem_shared>> -> memref<128x16xf32, #tpu.memory_space<vmem_shared>>
      %dma_wait3A_25 = arith.constant 0 : i32
      %dma_wait3A_26 = tpu.memref_slice %arg8[%add3A_11, %dma_wait3A_25] : memref<10240x16xf32, #tpu.memory_space<vmem_shared>> -> memref<128x16xf32, #tpu.memory_space<vmem_shared>>
      tpu.wait_dma2 semaphore(%run_scoped3A_20 : memref<!tpu.dma_semaphore, #tpu.memory_space<semaphore_mem>>) src(%arg7 : memref<128x16xf32, #tpu.memory_space<vmem>>) dst(%dma_wait3A_26 : memref<128x16xf32, #tpu.memory_space<vmem_shared>>)
      tpu.yield
    }) : () -> ()
    %add3A_12 = arith.constant 512 : i32
    %add3A_13 = arith.addi %mul3A_3, %add3A_12 : i32
    "tpu.region"() ({
      %run_scoped3A_20 = tpu.sem_alloc : memref<!tpu.dma_semaphore, #tpu.memory_space<semaphore_mem>>
      %dma_start3A = arith.constant 0 : i32
      %dma_start3A_21 = tpu.memref_slice %arg8[%add3A_13, %dma_start3A] : memref<10240x16xf32, #tpu.memory_space<vmem_shared>> -> memref<128x16xf32, #tpu.memory_space<vmem_shared>>
      %dma_start3A_22 = arith.constant 0 : i32
      %dma_start3A_23 = tpu.memref_slice %arg8[%add3A_13, %dma_start3A_22] : memref<10240x16xf32, #tpu.memory_space<vmem_shared>> -> memref<128x16xf32, #tpu.memory_space<vmem_shared>>
      tpu.enqueue_dma source(%arg7 : memref<128x16xf32, #tpu.memory_space<vmem>>) target(%dma_start3A_23 : memref<128x16xf32, #tpu.memory_space<vmem_shared>>) target_semaphore(%run_scoped3A_20 : memref<!tpu.dma_semaphore, #tpu.memory_space<semaphore_mem>>)
      %dma_wait3A = arith.constant 0 : i32
      %dma_wait3A_24 = tpu.memref_slice %arg8[%add3A_13, %dma_wait3A] : memref<10240x16xf32, #tpu.memory_space<vmem_shared>> -> memref<128x16xf32, #tpu.memory_space<vmem_shared>>
      %dma_wait3A_25 = arith.constant 0 : i32
      %dma_wait3A_26 = tpu.memref_slice %arg8[%add3A_13, %dma_wait3A_25] : memref<10240x16xf32, #tpu.memory_space<vmem_shared>> -> memref<128x16xf32, #tpu.memory_space<vmem_shared>>
      tpu.wait_dma2 semaphore(%run_scoped3A_20 : memref<!tpu.dma_semaphore, #tpu.memory_space<semaphore_mem>>) src(%arg7 : memref<128x16xf32, #tpu.memory_space<vmem>>) dst(%dma_wait3A_26 : memref<128x16xf32, #tpu.memory_space<vmem_shared>>)
      tpu.yield
    }) : () -> ()
    %barrier3A = arith.constant 0 : index
    tpu.barrier barrier_id(%barrier3A)
    %scan3A = arith.constant 0 : i32
    %scan3A_14 = arith.constant 0 : i32
    %scan3A_15 = arith.constant 80 : i32
    %scan3A_16 = arith.addi %scan3A_14, %scan3A_15 : i32
    %scan3A_17 = arith.constant 1 : i32
    scf.for %scan3A_20 = %scan3A_14 to %scan3A_16 step %scan3A_17  : i32 {
      "tpu.region"() ({
        %run_scoped3A_21 = tpu.sem_alloc : memref<!tpu.dma_semaphore, #tpu.memory_space<semaphore_mem>>
        %dma_start3A = arith.constant 0 : i32
        %dma_start3A_22 = tpu.memref_slice %arg5[%scan3A_20, %dma_start3A] : memref<80x128xi32, #tpu.memory_space<vmem>> -> memref<1x128xi32, #tpu.memory_space<vmem>>
        %dma_start3A_23 = tpu.memref_squeeze %dma_start3A_22 : memref<1x128xi32, #tpu.memory_space<vmem>> -> memref<128xi32, #tpu.memory_space<vmem>>
        %dma_start3A_24 = arith.constant 0 : i32
        %dma_start3A_25 = arith.constant 0 : i32
        %dma_start3A_26 = tpu.memref_slice %arg8[%dma_start3A_24, %dma_start3A_25] : memref<10240x16xf32, #tpu.memory_space<vmem_shared>> -> memref<10240x16xf32, #tpu.memory_space<vmem_shared>>
        tpu.enqueue_indirect_dma source(%arg6 : memref<128x16xf32, #tpu.memory_space<vmem>>) target(%dma_start3A_26 : memref<10240x16xf32, #tpu.memory_space<vmem_shared>>) offsets(%dma_start3A_23 : memref<128xi32, #tpu.memory_space<vmem>>) semaphore(%run_scoped3A_21 : memref<!tpu.dma_semaphore, #tpu.memory_space<semaphore_mem>>) {add = true}
        %dma_wait3A = arith.constant 0 : i32
        %dma_wait3A_27 = tpu.memref_slice %arg5[%scan3A_20, %dma_wait3A] : memref<80x128xi32, #tpu.memory_space<vmem>> -> memref<1x128xi32, #tpu.memory_space<vmem>>
        %dma_wait3A_28 = tpu.memref_squeeze %dma_wait3A_27 : memref<1x128xi32, #tpu.memory_space<vmem>> -> memref<128xi32, #tpu.memory_space<vmem>>
        %dma_wait3A_29 = arith.constant 0 : i32
        %dma_wait3A_30 = arith.constant 0 : i32
        %dma_wait3A_31 = tpu.memref_slice %arg8[%dma_wait3A_29, %dma_wait3A_30] : memref<10240x16xf32, #tpu.memory_space<vmem_shared>> -> memref<10240x16xf32, #tpu.memory_space<vmem_shared>>
        tpu.wait_indirect_dma semaphore(%run_scoped3A_21 : memref<!tpu.dma_semaphore, #tpu.memory_space<semaphore_mem>>) src(%arg6 : memref<128x16xf32, #tpu.memory_space<vmem>>) dst(%dma_wait3A_31 : memref<10240x16xf32, #tpu.memory_space<vmem_shared>>)
        tpu.yield
      }) : () -> ()
    }
    %scan3A_18 = arith.constant 80 : i32
    %barrier3A_19 = arith.constant 0 : index
    tpu.barrier barrier_id(%barrier3A_19)
    "tpu.region"() ({
      %run_scoped3A_20 = tpu.sem_alloc : memref<!tpu.dma_semaphore, #tpu.memory_space<semaphore_mem>>
      %dma_start3A = arith.constant 0 : i32
      %dma_start3A_21 = tpu.memref_slice %arg4[%arg0, %mul3A_3, %dma_start3A] : memref<2x10240x16xf32, #tpu.memory_space<hbm>> -> memref<1x640x16xf32, #tpu.memory_space<hbm>>
      %dma_start3A_22 = tpu.memref_squeeze %dma_start3A_21 : memref<1x640x16xf32, #tpu.memory_space<hbm>> -> memref<640x16xf32, #tpu.memory_space<hbm>>
      %dma_start3A_23 = arith.constant 0 : i32
      %dma_start3A_24 = tpu.memref_slice %arg8[%mul3A_3, %dma_start3A_23] : memref<10240x16xf32, #tpu.memory_space<vmem_shared>> -> memref<640x16xf32, #tpu.memory_space<vmem_shared>>
      tpu.enqueue_dma source(%dma_start3A_24 : memref<640x16xf32, #tpu.memory_space<vmem_shared>>) target(%dma_start3A_22 : memref<640x16xf32, #tpu.memory_space<hbm>>) target_semaphore(%run_scoped3A_20 : memref<!tpu.dma_semaphore, #tpu.memory_space<semaphore_mem>>)
      %dma_wait3A = arith.constant 0 : i32
      %dma_wait3A_25 = tpu.memref_slice %arg4[%arg0, %mul3A_3, %dma_wait3A] : memref<2x10240x16xf32, #tpu.memory_space<hbm>> -> memref<1x640x16xf32, #tpu.memory_space<hbm>>
      %dma_wait3A_26 = tpu.memref_squeeze %dma_wait3A_25 : memref<1x640x16xf32, #tpu.memory_space<hbm>> -> memref<640x16xf32, #tpu.memory_space<hbm>>
      %dma_wait3A_27 = arith.constant 0 : i32
      %dma_wait3A_28 = tpu.memref_slice %arg8[%mul3A_3, %dma_wait3A_27] : memref<10240x16xf32, #tpu.memory_space<vmem_shared>> -> memref<640x16xf32, #tpu.memory_space<vmem_shared>>
      tpu.wait_dma2 semaphore(%run_scoped3A_20 : memref<!tpu.dma_semaphore, #tpu.memory_space<semaphore_mem>>) src(%dma_wait3A_28 : memref<640x16xf32, #tpu.memory_space<vmem_shared>>) dst(%dma_wait3A_26 : memref<640x16xf32, #tpu.memory_space<hbm>>)
      tpu.yield
    }) : () -> ()
    return
  }
}

#map = affine_map<(d0, d1) -> (0, 0)>
#map1 = affine_map<(d0, d1) -> (0, 0, 0)>
#map2 = affine_map<(d0, d1) -> (0, 0, 0, 0)>
module attributes {stable_mosaic.version = 14 : i64} {
  func.func @_gs_body(%arg0: i32, %arg1: i32, %arg2: memref<20480x64xf32, #tpu.memory_space<hbm>>, %arg3: memref<32x80x128xi32, #tpu.memory_space<hbm>>, %arg4: memref<32x80x128xi32, #tpu.memory_space<hbm>>, %arg5: memref<32x80x128xi32, #tpu.memory_space<hbm>>, %arg6: memref<128x64xf32, #tpu.memory_space<hbm>>, %arg7: memref<2x2x10240x64xf32, #tpu.memory_space<hbm>>, %arg8: memref<80x128xi32, #tpu.memory_space<vmem>>, %arg9: memref<80x128xi32, #tpu.memory_space<vmem>>, %arg10: memref<80x128xi32, #tpu.memory_space<vmem>>, %arg11: memref<128x64xf32, #tpu.memory_space<vmem>>, %arg12: memref<128x64xf32, #tpu.memory_space<vmem>>, %arg13: memref<128x64xf32, #tpu.memory_space<vmem>>, %arg14: memref<10240x64xf32, #tpu.memory_space<vmem_shared>>, %arg15: memref<!tpu.dma_semaphore, #tpu.memory_space<semaphore_mem>>, %arg16: memref<!tpu.dma_semaphore, #tpu.memory_space<semaphore_mem>>) attributes {dimension_semantics = [#tpu.dimension_semantics<core_parallel>, #tpu.dimension_semantics<subcore_parallel>], iteration_bounds = array<i64: 2, 16>, scalar_prefetch = 0 : i64, scratch_operands = 9 : i64, tpu.core_type = #tpu.core_type<sc_vector_subcore>, window_params = [{transform_indices = #map}, {transform_indices = #map1}, {transform_indices = #map1}, {transform_indices = #map1}, {transform_indices = #map}, {transform_indices = #map2}]} {
    %mul3A = arith.constant 16 : i32
    %mul3A_0 = arith.muli %arg0, %mul3A : i32
    %add3A = arith.addi %mul3A_0, %arg1 : i32
    "tpu.region"() ({
      %run_scoped3A_38 = tpu.sem_alloc : memref<!tpu.dma_semaphore, #tpu.memory_space<semaphore_mem>>
      %dma_start3A = arith.constant 0 : i32
      %dma_start3A_39 = arith.constant 0 : i32
      %dma_start3A_40 = tpu.memref_slice %arg3[%add3A, %dma_start3A, %dma_start3A_39] : memref<32x80x128xi32, #tpu.memory_space<hbm>> -> memref<1x80x128xi32, #tpu.memory_space<hbm>>
      %dma_start3A_41 = tpu.memref_squeeze %dma_start3A_40 : memref<1x80x128xi32, #tpu.memory_space<hbm>> -> memref<80x128xi32, #tpu.memory_space<hbm>>
      %dma_start3A_42 = arith.constant 0 : i32
      %dma_start3A_43 = arith.constant 0 : i32
      %dma_start3A_44 = tpu.memref_slice %arg3[%add3A, %dma_start3A_42, %dma_start3A_43] : memref<32x80x128xi32, #tpu.memory_space<hbm>> -> memref<1x80x128xi32, #tpu.memory_space<hbm>>
      %dma_start3A_45 = tpu.memref_squeeze %dma_start3A_44 : memref<1x80x128xi32, #tpu.memory_space<hbm>> -> memref<80x128xi32, #tpu.memory_space<hbm>>
      tpu.enqueue_dma source(%dma_start3A_45 : memref<80x128xi32, #tpu.memory_space<hbm>>) target(%arg8 : memref<80x128xi32, #tpu.memory_space<vmem>>) target_semaphore(%run_scoped3A_38 : memref<!tpu.dma_semaphore, #tpu.memory_space<semaphore_mem>>)
      %dma_wait3A = arith.constant 0 : i32
      %dma_wait3A_46 = arith.constant 0 : i32
      %dma_wait3A_47 = tpu.memref_slice %arg3[%add3A, %dma_wait3A, %dma_wait3A_46] : memref<32x80x128xi32, #tpu.memory_space<hbm>> -> memref<1x80x128xi32, #tpu.memory_space<hbm>>
      %dma_wait3A_48 = tpu.memref_squeeze %dma_wait3A_47 : memref<1x80x128xi32, #tpu.memory_space<hbm>> -> memref<80x128xi32, #tpu.memory_space<hbm>>
      %dma_wait3A_49 = arith.constant 0 : i32
      %dma_wait3A_50 = arith.constant 0 : i32
      %dma_wait3A_51 = tpu.memref_slice %arg3[%add3A, %dma_wait3A_49, %dma_wait3A_50] : memref<32x80x128xi32, #tpu.memory_space<hbm>> -> memref<1x80x128xi32, #tpu.memory_space<hbm>>
      %dma_wait3A_52 = tpu.memref_squeeze %dma_wait3A_51 : memref<1x80x128xi32, #tpu.memory_space<hbm>> -> memref<80x128xi32, #tpu.memory_space<hbm>>
      tpu.wait_dma2 semaphore(%run_scoped3A_38 : memref<!tpu.dma_semaphore, #tpu.memory_space<semaphore_mem>>) src(%dma_wait3A_52 : memref<80x128xi32, #tpu.memory_space<hbm>>) dst(%arg8 : memref<80x128xi32, #tpu.memory_space<vmem>>)
      tpu.yield
    }) : () -> ()
    "tpu.region"() ({
      %run_scoped3A_38 = tpu.sem_alloc : memref<!tpu.dma_semaphore, #tpu.memory_space<semaphore_mem>>
      %dma_start3A = arith.constant 0 : i32
      %dma_start3A_39 = arith.constant 0 : i32
      %dma_start3A_40 = tpu.memref_slice %arg4[%add3A, %dma_start3A, %dma_start3A_39] : memref<32x80x128xi32, #tpu.memory_space<hbm>> -> memref<1x80x128xi32, #tpu.memory_space<hbm>>
      %dma_start3A_41 = tpu.memref_squeeze %dma_start3A_40 : memref<1x80x128xi32, #tpu.memory_space<hbm>> -> memref<80x128xi32, #tpu.memory_space<hbm>>
      %dma_start3A_42 = arith.constant 0 : i32
      %dma_start3A_43 = arith.constant 0 : i32
      %dma_start3A_44 = tpu.memref_slice %arg4[%add3A, %dma_start3A_42, %dma_start3A_43] : memref<32x80x128xi32, #tpu.memory_space<hbm>> -> memref<1x80x128xi32, #tpu.memory_space<hbm>>
      %dma_start3A_45 = tpu.memref_squeeze %dma_start3A_44 : memref<1x80x128xi32, #tpu.memory_space<hbm>> -> memref<80x128xi32, #tpu.memory_space<hbm>>
      tpu.enqueue_dma source(%dma_start3A_45 : memref<80x128xi32, #tpu.memory_space<hbm>>) target(%arg9 : memref<80x128xi32, #tpu.memory_space<vmem>>) target_semaphore(%run_scoped3A_38 : memref<!tpu.dma_semaphore, #tpu.memory_space<semaphore_mem>>)
      %dma_wait3A = arith.constant 0 : i32
      %dma_wait3A_46 = arith.constant 0 : i32
      %dma_wait3A_47 = tpu.memref_slice %arg4[%add3A, %dma_wait3A, %dma_wait3A_46] : memref<32x80x128xi32, #tpu.memory_space<hbm>> -> memref<1x80x128xi32, #tpu.memory_space<hbm>>
      %dma_wait3A_48 = tpu.memref_squeeze %dma_wait3A_47 : memref<1x80x128xi32, #tpu.memory_space<hbm>> -> memref<80x128xi32, #tpu.memory_space<hbm>>
      %dma_wait3A_49 = arith.constant 0 : i32
      %dma_wait3A_50 = arith.constant 0 : i32
      %dma_wait3A_51 = tpu.memref_slice %arg4[%add3A, %dma_wait3A_49, %dma_wait3A_50] : memref<32x80x128xi32, #tpu.memory_space<hbm>> -> memref<1x80x128xi32, #tpu.memory_space<hbm>>
      %dma_wait3A_52 = tpu.memref_squeeze %dma_wait3A_51 : memref<1x80x128xi32, #tpu.memory_space<hbm>> -> memref<80x128xi32, #tpu.memory_space<hbm>>
      tpu.wait_dma2 semaphore(%run_scoped3A_38 : memref<!tpu.dma_semaphore, #tpu.memory_space<semaphore_mem>>) src(%dma_wait3A_52 : memref<80x128xi32, #tpu.memory_space<hbm>>) dst(%arg9 : memref<80x128xi32, #tpu.memory_space<vmem>>)
      tpu.yield
    }) : () -> ()
    "tpu.region"() ({
      %run_scoped3A_38 = tpu.sem_alloc : memref<!tpu.dma_semaphore, #tpu.memory_space<semaphore_mem>>
      %dma_start3A = arith.constant 0 : i32
      %dma_start3A_39 = arith.constant 0 : i32
      %dma_start3A_40 = tpu.memref_slice %arg5[%add3A, %dma_start3A, %dma_start3A_39] : memref<32x80x128xi32, #tpu.memory_space<hbm>> -> memref<1x80x128xi32, #tpu.memory_space<hbm>>
      %dma_start3A_41 = tpu.memref_squeeze %dma_start3A_40 : memref<1x80x128xi32, #tpu.memory_space<hbm>> -> memref<80x128xi32, #tpu.memory_space<hbm>>
      %dma_start3A_42 = arith.constant 0 : i32
      %dma_start3A_43 = arith.constant 0 : i32
      %dma_start3A_44 = tpu.memref_slice %arg5[%add3A, %dma_start3A_42, %dma_start3A_43] : memref<32x80x128xi32, #tpu.memory_space<hbm>> -> memref<1x80x128xi32, #tpu.memory_space<hbm>>
      %dma_start3A_45 = tpu.memref_squeeze %dma_start3A_44 : memref<1x80x128xi32, #tpu.memory_space<hbm>> -> memref<80x128xi32, #tpu.memory_space<hbm>>
      tpu.enqueue_dma source(%dma_start3A_45 : memref<80x128xi32, #tpu.memory_space<hbm>>) target(%arg10 : memref<80x128xi32, #tpu.memory_space<vmem>>) target_semaphore(%run_scoped3A_38 : memref<!tpu.dma_semaphore, #tpu.memory_space<semaphore_mem>>)
      %dma_wait3A = arith.constant 0 : i32
      %dma_wait3A_46 = arith.constant 0 : i32
      %dma_wait3A_47 = tpu.memref_slice %arg5[%add3A, %dma_wait3A, %dma_wait3A_46] : memref<32x80x128xi32, #tpu.memory_space<hbm>> -> memref<1x80x128xi32, #tpu.memory_space<hbm>>
      %dma_wait3A_48 = tpu.memref_squeeze %dma_wait3A_47 : memref<1x80x128xi32, #tpu.memory_space<hbm>> -> memref<80x128xi32, #tpu.memory_space<hbm>>
      %dma_wait3A_49 = arith.constant 0 : i32
      %dma_wait3A_50 = arith.constant 0 : i32
      %dma_wait3A_51 = tpu.memref_slice %arg5[%add3A, %dma_wait3A_49, %dma_wait3A_50] : memref<32x80x128xi32, #tpu.memory_space<hbm>> -> memref<1x80x128xi32, #tpu.memory_space<hbm>>
      %dma_wait3A_52 = tpu.memref_squeeze %dma_wait3A_51 : memref<1x80x128xi32, #tpu.memory_space<hbm>> -> memref<80x128xi32, #tpu.memory_space<hbm>>
      tpu.wait_dma2 semaphore(%run_scoped3A_38 : memref<!tpu.dma_semaphore, #tpu.memory_space<semaphore_mem>>) src(%dma_wait3A_52 : memref<80x128xi32, #tpu.memory_space<hbm>>) dst(%arg10 : memref<80x128xi32, #tpu.memory_space<vmem>>)
      tpu.yield
    }) : () -> ()
    "tpu.region"() ({
      %run_scoped3A_38 = tpu.sem_alloc : memref<!tpu.dma_semaphore, #tpu.memory_space<semaphore_mem>>
      tpu.enqueue_dma source(%arg6 : memref<128x64xf32, #tpu.memory_space<hbm>>) target(%arg11 : memref<128x64xf32, #tpu.memory_space<vmem>>) target_semaphore(%run_scoped3A_38 : memref<!tpu.dma_semaphore, #tpu.memory_space<semaphore_mem>>)
      tpu.wait_dma2 semaphore(%run_scoped3A_38 : memref<!tpu.dma_semaphore, #tpu.memory_space<semaphore_mem>>) src(%arg6 : memref<128x64xf32, #tpu.memory_space<hbm>>) dst(%arg11 : memref<128x64xf32, #tpu.memory_space<vmem>>)
      tpu.yield
    }) : () -> ()
    %mul3A_1 = arith.constant 640 : i32
    %mul3A_2 = arith.muli %arg1, %mul3A_1 : i32
    %add3A_3 = arith.constant 0 : i32
    %add3A_4 = arith.addi %mul3A_2, %add3A_3 : i32
    "tpu.region"() ({
      %run_scoped3A_38 = tpu.sem_alloc : memref<!tpu.dma_semaphore, #tpu.memory_space<semaphore_mem>>
      %dma_start3A = arith.constant 0 : i32
      %dma_start3A_39 = tpu.memref_slice %arg14[%add3A_4, %dma_start3A] : memref<10240x64xf32, #tpu.memory_space<vmem_shared>> -> memref<128x64xf32, #tpu.memory_space<vmem_shared>>
      %dma_start3A_40 = arith.constant 0 : i32
      %dma_start3A_41 = tpu.memref_slice %arg14[%add3A_4, %dma_start3A_40] : memref<10240x64xf32, #tpu.memory_space<vmem_shared>> -> memref<128x64xf32, #tpu.memory_space<vmem_shared>>
      tpu.enqueue_dma source(%arg11 : memref<128x64xf32, #tpu.memory_space<vmem>>) target(%dma_start3A_41 : memref<128x64xf32, #tpu.memory_space<vmem_shared>>) target_semaphore(%run_scoped3A_38 : memref<!tpu.dma_semaphore, #tpu.memory_space<semaphore_mem>>)
      %dma_wait3A = arith.constant 0 : i32
      %dma_wait3A_42 = tpu.memref_slice %arg14[%add3A_4, %dma_wait3A] : memref<10240x64xf32, #tpu.memory_space<vmem_shared>> -> memref<128x64xf32, #tpu.memory_space<vmem_shared>>
      %dma_wait3A_43 = arith.constant 0 : i32
      %dma_wait3A_44 = tpu.memref_slice %arg14[%add3A_4, %dma_wait3A_43] : memref<10240x64xf32, #tpu.memory_space<vmem_shared>> -> memref<128x64xf32, #tpu.memory_space<vmem_shared>>
      tpu.wait_dma2 semaphore(%run_scoped3A_38 : memref<!tpu.dma_semaphore, #tpu.memory_space<semaphore_mem>>) src(%arg11 : memref<128x64xf32, #tpu.memory_space<vmem>>) dst(%dma_wait3A_44 : memref<128x64xf32, #tpu.memory_space<vmem_shared>>)
      tpu.yield
    }) : () -> ()
    %add3A_5 = arith.constant 128 : i32
    %add3A_6 = arith.addi %mul3A_2, %add3A_5 : i32
    "tpu.region"() ({
      %run_scoped3A_38 = tpu.sem_alloc : memref<!tpu.dma_semaphore, #tpu.memory_space<semaphore_mem>>
      %dma_start3A = arith.constant 0 : i32
      %dma_start3A_39 = tpu.memref_slice %arg14[%add3A_6, %dma_start3A] : memref<10240x64xf32, #tpu.memory_space<vmem_shared>> -> memref<128x64xf32, #tpu.memory_space<vmem_shared>>
      %dma_start3A_40 = arith.constant 0 : i32
      %dma_start3A_41 = tpu.memref_slice %arg14[%add3A_6, %dma_start3A_40] : memref<10240x64xf32, #tpu.memory_space<vmem_shared>> -> memref<128x64xf32, #tpu.memory_space<vmem_shared>>
      tpu.enqueue_dma source(%arg11 : memref<128x64xf32, #tpu.memory_space<vmem>>) target(%dma_start3A_41 : memref<128x64xf32, #tpu.memory_space<vmem_shared>>) target_semaphore(%run_scoped3A_38 : memref<!tpu.dma_semaphore, #tpu.memory_space<semaphore_mem>>)
      %dma_wait3A = arith.constant 0 : i32
      %dma_wait3A_42 = tpu.memref_slice %arg14[%add3A_6, %dma_wait3A] : memref<10240x64xf32, #tpu.memory_space<vmem_shared>> -> memref<128x64xf32, #tpu.memory_space<vmem_shared>>
      %dma_wait3A_43 = arith.constant 0 : i32
      %dma_wait3A_44 = tpu.memref_slice %arg14[%add3A_6, %dma_wait3A_43] : memref<10240x64xf32, #tpu.memory_space<vmem_shared>> -> memref<128x64xf32, #tpu.memory_space<vmem_shared>>
      tpu.wait_dma2 semaphore(%run_scoped3A_38 : memref<!tpu.dma_semaphore, #tpu.memory_space<semaphore_mem>>) src(%arg11 : memref<128x64xf32, #tpu.memory_space<vmem>>) dst(%dma_wait3A_44 : memref<128x64xf32, #tpu.memory_space<vmem_shared>>)
      tpu.yield
    }) : () -> ()
    %add3A_7 = arith.constant 256 : i32
    %add3A_8 = arith.addi %mul3A_2, %add3A_7 : i32
    "tpu.region"() ({
      %run_scoped3A_38 = tpu.sem_alloc : memref<!tpu.dma_semaphore, #tpu.memory_space<semaphore_mem>>
      %dma_start3A = arith.constant 0 : i32
      %dma_start3A_39 = tpu.memref_slice %arg14[%add3A_8, %dma_start3A] : memref<10240x64xf32, #tpu.memory_space<vmem_shared>> -> memref<128x64xf32, #tpu.memory_space<vmem_shared>>
      %dma_start3A_40 = arith.constant 0 : i32
      %dma_start3A_41 = tpu.memref_slice %arg14[%add3A_8, %dma_start3A_40] : memref<10240x64xf32, #tpu.memory_space<vmem_shared>> -> memref<128x64xf32, #tpu.memory_space<vmem_shared>>
      tpu.enqueue_dma source(%arg11 : memref<128x64xf32, #tpu.memory_space<vmem>>) target(%dma_start3A_41 : memref<128x64xf32, #tpu.memory_space<vmem_shared>>) target_semaphore(%run_scoped3A_38 : memref<!tpu.dma_semaphore, #tpu.memory_space<semaphore_mem>>)
      %dma_wait3A = arith.constant 0 : i32
      %dma_wait3A_42 = tpu.memref_slice %arg14[%add3A_8, %dma_wait3A] : memref<10240x64xf32, #tpu.memory_space<vmem_shared>> -> memref<128x64xf32, #tpu.memory_space<vmem_shared>>
      %dma_wait3A_43 = arith.constant 0 : i32
      %dma_wait3A_44 = tpu.memref_slice %arg14[%add3A_8, %dma_wait3A_43] : memref<10240x64xf32, #tpu.memory_space<vmem_shared>> -> memref<128x64xf32, #tpu.memory_space<vmem_shared>>
      tpu.wait_dma2 semaphore(%run_scoped3A_38 : memref<!tpu.dma_semaphore, #tpu.memory_space<semaphore_mem>>) src(%arg11 : memref<128x64xf32, #tpu.memory_space<vmem>>) dst(%dma_wait3A_44 : memref<128x64xf32, #tpu.memory_space<vmem_shared>>)
      tpu.yield
    }) : () -> ()
    %add3A_9 = arith.constant 384 : i32
    %add3A_10 = arith.addi %mul3A_2, %add3A_9 : i32
    "tpu.region"() ({
      %run_scoped3A_38 = tpu.sem_alloc : memref<!tpu.dma_semaphore, #tpu.memory_space<semaphore_mem>>
      %dma_start3A = arith.constant 0 : i32
      %dma_start3A_39 = tpu.memref_slice %arg14[%add3A_10, %dma_start3A] : memref<10240x64xf32, #tpu.memory_space<vmem_shared>> -> memref<128x64xf32, #tpu.memory_space<vmem_shared>>
      %dma_start3A_40 = arith.constant 0 : i32
      %dma_start3A_41 = tpu.memref_slice %arg14[%add3A_10, %dma_start3A_40] : memref<10240x64xf32, #tpu.memory_space<vmem_shared>> -> memref<128x64xf32, #tpu.memory_space<vmem_shared>>
      tpu.enqueue_dma source(%arg11 : memref<128x64xf32, #tpu.memory_space<vmem>>) target(%dma_start3A_41 : memref<128x64xf32, #tpu.memory_space<vmem_shared>>) target_semaphore(%run_scoped3A_38 : memref<!tpu.dma_semaphore, #tpu.memory_space<semaphore_mem>>)
      %dma_wait3A = arith.constant 0 : i32
      %dma_wait3A_42 = tpu.memref_slice %arg14[%add3A_10, %dma_wait3A] : memref<10240x64xf32, #tpu.memory_space<vmem_shared>> -> memref<128x64xf32, #tpu.memory_space<vmem_shared>>
      %dma_wait3A_43 = arith.constant 0 : i32
      %dma_wait3A_44 = tpu.memref_slice %arg14[%add3A_10, %dma_wait3A_43] : memref<10240x64xf32, #tpu.memory_space<vmem_shared>> -> memref<128x64xf32, #tpu.memory_space<vmem_shared>>
      tpu.wait_dma2 semaphore(%run_scoped3A_38 : memref<!tpu.dma_semaphore, #tpu.memory_space<semaphore_mem>>) src(%arg11 : memref<128x64xf32, #tpu.memory_space<vmem>>) dst(%dma_wait3A_44 : memref<128x64xf32, #tpu.memory_space<vmem_shared>>)
      tpu.yield
    }) : () -> ()
    %add3A_11 = arith.constant 512 : i32
    %add3A_12 = arith.addi %mul3A_2, %add3A_11 : i32
    "tpu.region"() ({
      %run_scoped3A_38 = tpu.sem_alloc : memref<!tpu.dma_semaphore, #tpu.memory_space<semaphore_mem>>
      %dma_start3A = arith.constant 0 : i32
      %dma_start3A_39 = tpu.memref_slice %arg14[%add3A_12, %dma_start3A] : memref<10240x64xf32, #tpu.memory_space<vmem_shared>> -> memref<128x64xf32, #tpu.memory_space<vmem_shared>>
      %dma_start3A_40 = arith.constant 0 : i32
      %dma_start3A_41 = tpu.memref_slice %arg14[%add3A_12, %dma_start3A_40] : memref<10240x64xf32, #tpu.memory_space<vmem_shared>> -> memref<128x64xf32, #tpu.memory_space<vmem_shared>>
      tpu.enqueue_dma source(%arg11 : memref<128x64xf32, #tpu.memory_space<vmem>>) target(%dma_start3A_41 : memref<128x64xf32, #tpu.memory_space<vmem_shared>>) target_semaphore(%run_scoped3A_38 : memref<!tpu.dma_semaphore, #tpu.memory_space<semaphore_mem>>)
      %dma_wait3A = arith.constant 0 : i32
      %dma_wait3A_42 = tpu.memref_slice %arg14[%add3A_12, %dma_wait3A] : memref<10240x64xf32, #tpu.memory_space<vmem_shared>> -> memref<128x64xf32, #tpu.memory_space<vmem_shared>>
      %dma_wait3A_43 = arith.constant 0 : i32
      %dma_wait3A_44 = tpu.memref_slice %arg14[%add3A_12, %dma_wait3A_43] : memref<10240x64xf32, #tpu.memory_space<vmem_shared>> -> memref<128x64xf32, #tpu.memory_space<vmem_shared>>
      tpu.wait_dma2 semaphore(%run_scoped3A_38 : memref<!tpu.dma_semaphore, #tpu.memory_space<semaphore_mem>>) src(%arg11 : memref<128x64xf32, #tpu.memory_space<vmem>>) dst(%dma_wait3A_44 : memref<128x64xf32, #tpu.memory_space<vmem_shared>>)
      tpu.yield
    }) : () -> ()
    %barrier3A = arith.constant 0 : index
    tpu.barrier barrier_id(%barrier3A)
    %scan3A = arith.constant 0 : i32
    %scan3A_13 = arith.constant 0 : i32
    %scan3A_14 = arith.constant 40 : i32
    %scan3A_15 = arith.addi %scan3A_13, %scan3A_14 : i32
    %scan3A_16 = arith.constant 1 : i32
    scf.for %scan3A_38 = %scan3A_13 to %scan3A_15 step %scan3A_16  : i32 {
      %mul3A_39 = arith.constant 2 : i32
      %mul3A_40 = arith.muli %scan3A_38, %mul3A_39 : i32
      %add3A_41 = arith.constant 1 : i32
      %add3A_42 = arith.addi %mul3A_40, %add3A_41 : i32
      %dma_start3A = arith.constant 0 : i32
      %dma_start3A_43 = tpu.memref_slice %arg8[%mul3A_40, %dma_start3A] : memref<80x128xi32, #tpu.memory_space<vmem>> -> memref<1x128xi32, #tpu.memory_space<vmem>>
      %dma_start3A_44 = tpu.memref_squeeze %dma_start3A_43 : memref<1x128xi32, #tpu.memory_space<vmem>> -> memref<128xi32, #tpu.memory_space<vmem>>
      %dma_start3A_45 = arith.constant 0 : i32
      %dma_start3A_46 = arith.constant 0 : i32
      %dma_start3A_47 = tpu.memref_slice %arg2[%dma_start3A_45, %dma_start3A_46] : memref<20480x64xf32, #tpu.memory_space<hbm>> -> memref<20480x64xf32, #tpu.memory_space<hbm>>
      tpu.enqueue_indirect_dma source(%dma_start3A_47 : memref<20480x64xf32, #tpu.memory_space<hbm>>) target(%arg12 : memref<128x64xf32, #tpu.memory_space<vmem>>) offsets(%dma_start3A_44 : memref<128xi32, #tpu.memory_space<vmem>>) semaphore(%arg15 : memref<!tpu.dma_semaphore, #tpu.memory_space<semaphore_mem>>)
      %dma_start3A_48 = arith.constant 0 : i32
      %dma_start3A_49 = tpu.memref_slice %arg8[%add3A_42, %dma_start3A_48] : memref<80x128xi32, #tpu.memory_space<vmem>> -> memref<1x128xi32, #tpu.memory_space<vmem>>
      %dma_start3A_50 = tpu.memref_squeeze %dma_start3A_49 : memref<1x128xi32, #tpu.memory_space<vmem>> -> memref<128xi32, #tpu.memory_space<vmem>>
      %dma_start3A_51 = arith.constant 0 : i32
      %dma_start3A_52 = arith.constant 0 : i32
      %dma_start3A_53 = tpu.memref_slice %arg2[%dma_start3A_51, %dma_start3A_52] : memref<20480x64xf32, #tpu.memory_space<hbm>> -> memref<20480x64xf32, #tpu.memory_space<hbm>>
      tpu.enqueue_indirect_dma source(%dma_start3A_53 : memref<20480x64xf32, #tpu.memory_space<hbm>>) target(%arg13 : memref<128x64xf32, #tpu.memory_space<vmem>>) offsets(%dma_start3A_50 : memref<128xi32, #tpu.memory_space<vmem>>) semaphore(%arg16 : memref<!tpu.dma_semaphore, #tpu.memory_space<semaphore_mem>>)
      %dma_wait3A = arith.constant 0 : i32
      %dma_wait3A_54 = tpu.memref_slice %arg8[%mul3A_40, %dma_wait3A] : memref<80x128xi32, #tpu.memory_space<vmem>> -> memref<1x128xi32, #tpu.memory_space<vmem>>
      %dma_wait3A_55 = tpu.memref_squeeze %dma_wait3A_54 : memref<1x128xi32, #tpu.memory_space<vmem>> -> memref<128xi32, #tpu.memory_space<vmem>>
      %dma_wait3A_56 = arith.constant 0 : i32
      %dma_wait3A_57 = arith.constant 0 : i32
      %dma_wait3A_58 = tpu.memref_slice %arg2[%dma_wait3A_56, %dma_wait3A_57] : memref<20480x64xf32, #tpu.memory_space<hbm>> -> memref<20480x64xf32, #tpu.memory_space<hbm>>
      tpu.wait_indirect_dma semaphore(%arg15 : memref<!tpu.dma_semaphore, #tpu.memory_space<semaphore_mem>>) src(%dma_wait3A_58 : memref<20480x64xf32, #tpu.memory_space<hbm>>) dst(%arg12 : memref<128x64xf32, #tpu.memory_space<vmem>>)
      "tpu.region"() ({
        %run_scoped3A_65 = tpu.sem_alloc : memref<!tpu.dma_semaphore, #tpu.memory_space<semaphore_mem>>
        %dma_start3A_66 = arith.constant 0 : i32
        %dma_start3A_67 = tpu.memref_slice %arg10[%mul3A_40, %dma_start3A_66] : memref<80x128xi32, #tpu.memory_space<vmem>> -> memref<1x128xi32, #tpu.memory_space<vmem>>
        %dma_start3A_68 = tpu.memref_squeeze %dma_start3A_67 : memref<1x128xi32, #tpu.memory_space<vmem>> -> memref<128xi32, #tpu.memory_space<vmem>>
        %dma_start3A_69 = arith.constant 0 : i32
        %dma_start3A_70 = arith.constant 0 : i32
        %dma_start3A_71 = tpu.memref_slice %arg14[%dma_start3A_69, %dma_start3A_70] : memref<10240x64xf32, #tpu.memory_space<vmem_shared>> -> memref<10240x64xf32, #tpu.memory_space<vmem_shared>>
        tpu.enqueue_indirect_dma source(%arg12 : memref<128x64xf32, #tpu.memory_space<vmem>>) target(%dma_start3A_71 : memref<10240x64xf32, #tpu.memory_space<vmem_shared>>) offsets(%dma_start3A_68 : memref<128xi32, #tpu.memory_space<vmem>>) semaphore(%run_scoped3A_65 : memref<!tpu.dma_semaphore, #tpu.memory_space<semaphore_mem>>) {add = true}
        %dma_wait3A_72 = arith.constant 0 : i32
        %dma_wait3A_73 = tpu.memref_slice %arg10[%mul3A_40, %dma_wait3A_72] : memref<80x128xi32, #tpu.memory_space<vmem>> -> memref<1x128xi32, #tpu.memory_space<vmem>>
        %dma_wait3A_74 = tpu.memref_squeeze %dma_wait3A_73 : memref<1x128xi32, #tpu.memory_space<vmem>> -> memref<128xi32, #tpu.memory_space<vmem>>
        %dma_wait3A_75 = arith.constant 0 : i32
        %dma_wait3A_76 = arith.constant 0 : i32
        %dma_wait3A_77 = tpu.memref_slice %arg14[%dma_wait3A_75, %dma_wait3A_76] : memref<10240x64xf32, #tpu.memory_space<vmem_shared>> -> memref<10240x64xf32, #tpu.memory_space<vmem_shared>>
        tpu.wait_indirect_dma semaphore(%run_scoped3A_65 : memref<!tpu.dma_semaphore, #tpu.memory_space<semaphore_mem>>) src(%arg12 : memref<128x64xf32, #tpu.memory_space<vmem>>) dst(%dma_wait3A_77 : memref<10240x64xf32, #tpu.memory_space<vmem_shared>>)
        tpu.yield
      }) : () -> ()
      %dma_wait3A_59 = arith.constant 0 : i32
      %dma_wait3A_60 = tpu.memref_slice %arg8[%add3A_42, %dma_wait3A_59] : memref<80x128xi32, #tpu.memory_space<vmem>> -> memref<1x128xi32, #tpu.memory_space<vmem>>
      %dma_wait3A_61 = tpu.memref_squeeze %dma_wait3A_60 : memref<1x128xi32, #tpu.memory_space<vmem>> -> memref<128xi32, #tpu.memory_space<vmem>>
      %dma_wait3A_62 = arith.constant 0 : i32
      %dma_wait3A_63 = arith.constant 0 : i32
      %dma_wait3A_64 = tpu.memref_slice %arg2[%dma_wait3A_62, %dma_wait3A_63] : memref<20480x64xf32, #tpu.memory_space<hbm>> -> memref<20480x64xf32, #tpu.memory_space<hbm>>
      tpu.wait_indirect_dma semaphore(%arg16 : memref<!tpu.dma_semaphore, #tpu.memory_space<semaphore_mem>>) src(%dma_wait3A_64 : memref<20480x64xf32, #tpu.memory_space<hbm>>) dst(%arg13 : memref<128x64xf32, #tpu.memory_space<vmem>>)
      "tpu.region"() ({
        %run_scoped3A_65 = tpu.sem_alloc : memref<!tpu.dma_semaphore, #tpu.memory_space<semaphore_mem>>
        %dma_start3A_66 = arith.constant 0 : i32
        %dma_start3A_67 = tpu.memref_slice %arg10[%add3A_42, %dma_start3A_66] : memref<80x128xi32, #tpu.memory_space<vmem>> -> memref<1x128xi32, #tpu.memory_space<vmem>>
        %dma_start3A_68 = tpu.memref_squeeze %dma_start3A_67 : memref<1x128xi32, #tpu.memory_space<vmem>> -> memref<128xi32, #tpu.memory_space<vmem>>
        %dma_start3A_69 = arith.constant 0 : i32
        %dma_start3A_70 = arith.constant 0 : i32
        %dma_start3A_71 = tpu.memref_slice %arg14[%dma_start3A_69, %dma_start3A_70] : memref<10240x64xf32, #tpu.memory_space<vmem_shared>> -> memref<10240x64xf32, #tpu.memory_space<vmem_shared>>
        tpu.enqueue_indirect_dma source(%arg13 : memref<128x64xf32, #tpu.memory_space<vmem>>) target(%dma_start3A_71 : memref<10240x64xf32, #tpu.memory_space<vmem_shared>>) offsets(%dma_start3A_68 : memref<128xi32, #tpu.memory_space<vmem>>) semaphore(%run_scoped3A_65 : memref<!tpu.dma_semaphore, #tpu.memory_space<semaphore_mem>>) {add = true}
        %dma_wait3A_72 = arith.constant 0 : i32
        %dma_wait3A_73 = tpu.memref_slice %arg10[%add3A_42, %dma_wait3A_72] : memref<80x128xi32, #tpu.memory_space<vmem>> -> memref<1x128xi32, #tpu.memory_space<vmem>>
        %dma_wait3A_74 = tpu.memref_squeeze %dma_wait3A_73 : memref<1x128xi32, #tpu.memory_space<vmem>> -> memref<128xi32, #tpu.memory_space<vmem>>
        %dma_wait3A_75 = arith.constant 0 : i32
        %dma_wait3A_76 = arith.constant 0 : i32
        %dma_wait3A_77 = tpu.memref_slice %arg14[%dma_wait3A_75, %dma_wait3A_76] : memref<10240x64xf32, #tpu.memory_space<vmem_shared>> -> memref<10240x64xf32, #tpu.memory_space<vmem_shared>>
        tpu.wait_indirect_dma semaphore(%run_scoped3A_65 : memref<!tpu.dma_semaphore, #tpu.memory_space<semaphore_mem>>) src(%arg13 : memref<128x64xf32, #tpu.memory_space<vmem>>) dst(%dma_wait3A_77 : memref<10240x64xf32, #tpu.memory_space<vmem_shared>>)
        tpu.yield
      }) : () -> ()
    }
    %scan3A_17 = arith.constant 40 : i32
    %barrier3A_18 = arith.constant 0 : index
    tpu.barrier barrier_id(%barrier3A_18)
    %run_scoped3A = arith.constant 0 : i32
    "tpu.region"() ({
      %run_scoped3A_38 = tpu.sem_alloc : memref<!tpu.dma_semaphore, #tpu.memory_space<semaphore_mem>>
      %dma_start3A = arith.constant 0 : i32
      %dma_start3A_39 = tpu.memref_slice %arg7[%arg0, %run_scoped3A, %mul3A_2, %dma_start3A] : memref<2x2x10240x64xf32, #tpu.memory_space<hbm>> -> memref<1x1x640x64xf32, #tpu.memory_space<hbm>>
      %dma_start3A_40 = tpu.memref_squeeze %dma_start3A_39 : memref<1x1x640x64xf32, #tpu.memory_space<hbm>> -> memref<640x64xf32, #tpu.memory_space<hbm>>
      %dma_start3A_41 = arith.constant 0 : i32
      %dma_start3A_42 = tpu.memref_slice %arg14[%mul3A_2, %dma_start3A_41] : memref<10240x64xf32, #tpu.memory_space<vmem_shared>> -> memref<640x64xf32, #tpu.memory_space<vmem_shared>>
      tpu.enqueue_dma source(%dma_start3A_42 : memref<640x64xf32, #tpu.memory_space<vmem_shared>>) target(%dma_start3A_40 : memref<640x64xf32, #tpu.memory_space<hbm>>) target_semaphore(%run_scoped3A_38 : memref<!tpu.dma_semaphore, #tpu.memory_space<semaphore_mem>>)
      %dma_wait3A = arith.constant 0 : i32
      %dma_wait3A_43 = tpu.memref_slice %arg7[%arg0, %run_scoped3A, %mul3A_2, %dma_wait3A] : memref<2x2x10240x64xf32, #tpu.memory_space<hbm>> -> memref<1x1x640x64xf32, #tpu.memory_space<hbm>>
      %dma_wait3A_44 = tpu.memref_squeeze %dma_wait3A_43 : memref<1x1x640x64xf32, #tpu.memory_space<hbm>> -> memref<640x64xf32, #tpu.memory_space<hbm>>
      %dma_wait3A_45 = arith.constant 0 : i32
      %dma_wait3A_46 = tpu.memref_slice %arg14[%mul3A_2, %dma_wait3A_45] : memref<10240x64xf32, #tpu.memory_space<vmem_shared>> -> memref<640x64xf32, #tpu.memory_space<vmem_shared>>
      tpu.wait_dma2 semaphore(%run_scoped3A_38 : memref<!tpu.dma_semaphore, #tpu.memory_space<semaphore_mem>>) src(%dma_wait3A_46 : memref<640x64xf32, #tpu.memory_space<vmem_shared>>) dst(%dma_wait3A_44 : memref<640x64xf32, #tpu.memory_space<hbm>>)
      tpu.yield
    }) : () -> ()
    %add3A_19 = arith.constant 0 : i32
    %add3A_20 = arith.addi %mul3A_2, %add3A_19 : i32
    "tpu.region"() ({
      %run_scoped3A_38 = tpu.sem_alloc : memref<!tpu.dma_semaphore, #tpu.memory_space<semaphore_mem>>
      %dma_start3A = arith.constant 0 : i32
      %dma_start3A_39 = tpu.memref_slice %arg14[%add3A_20, %dma_start3A] : memref<10240x64xf32, #tpu.memory_space<vmem_shared>> -> memref<128x64xf32, #tpu.memory_space<vmem_shared>>
      %dma_start3A_40 = arith.constant 0 : i32
      %dma_start3A_41 = tpu.memref_slice %arg14[%add3A_20, %dma_start3A_40] : memref<10240x64xf32, #tpu.memory_space<vmem_shared>> -> memref<128x64xf32, #tpu.memory_space<vmem_shared>>
      tpu.enqueue_dma source(%arg11 : memref<128x64xf32, #tpu.memory_space<vmem>>) target(%dma_start3A_41 : memref<128x64xf32, #tpu.memory_space<vmem_shared>>) target_semaphore(%run_scoped3A_38 : memref<!tpu.dma_semaphore, #tpu.memory_space<semaphore_mem>>)
      %dma_wait3A = arith.constant 0 : i32
      %dma_wait3A_42 = tpu.memref_slice %arg14[%add3A_20, %dma_wait3A] : memref<10240x64xf32, #tpu.memory_space<vmem_shared>> -> memref<128x64xf32, #tpu.memory_space<vmem_shared>>
      %dma_wait3A_43 = arith.constant 0 : i32
      %dma_wait3A_44 = tpu.memref_slice %arg14[%add3A_20, %dma_wait3A_43] : memref<10240x64xf32, #tpu.memory_space<vmem_shared>> -> memref<128x64xf32, #tpu.memory_space<vmem_shared>>
      tpu.wait_dma2 semaphore(%run_scoped3A_38 : memref<!tpu.dma_semaphore, #tpu.memory_space<semaphore_mem>>) src(%arg11 : memref<128x64xf32, #tpu.memory_space<vmem>>) dst(%dma_wait3A_44 : memref<128x64xf32, #tpu.memory_space<vmem_shared>>)
      tpu.yield
    }) : () -> ()
    %add3A_21 = arith.constant 128 : i32
    %add3A_22 = arith.addi %mul3A_2, %add3A_21 : i32
    "tpu.region"() ({
      %run_scoped3A_38 = tpu.sem_alloc : memref<!tpu.dma_semaphore, #tpu.memory_space<semaphore_mem>>
      %dma_start3A = arith.constant 0 : i32
      %dma_start3A_39 = tpu.memref_slice %arg14[%add3A_22, %dma_start3A] : memref<10240x64xf32, #tpu.memory_space<vmem_shared>> -> memref<128x64xf32, #tpu.memory_space<vmem_shared>>
      %dma_start3A_40 = arith.constant 0 : i32
      %dma_start3A_41 = tpu.memref_slice %arg14[%add3A_22, %dma_start3A_40] : memref<10240x64xf32, #tpu.memory_space<vmem_shared>> -> memref<128x64xf32, #tpu.memory_space<vmem_shared>>
      tpu.enqueue_dma source(%arg11 : memref<128x64xf32, #tpu.memory_space<vmem>>) target(%dma_start3A_41 : memref<128x64xf32, #tpu.memory_space<vmem_shared>>) target_semaphore(%run_scoped3A_38 : memref<!tpu.dma_semaphore, #tpu.memory_space<semaphore_mem>>)
      %dma_wait3A = arith.constant 0 : i32
      %dma_wait3A_42 = tpu.memref_slice %arg14[%add3A_22, %dma_wait3A] : memref<10240x64xf32, #tpu.memory_space<vmem_shared>> -> memref<128x64xf32, #tpu.memory_space<vmem_shared>>
      %dma_wait3A_43 = arith.constant 0 : i32
      %dma_wait3A_44 = tpu.memref_slice %arg14[%add3A_22, %dma_wait3A_43] : memref<10240x64xf32, #tpu.memory_space<vmem_shared>> -> memref<128x64xf32, #tpu.memory_space<vmem_shared>>
      tpu.wait_dma2 semaphore(%run_scoped3A_38 : memref<!tpu.dma_semaphore, #tpu.memory_space<semaphore_mem>>) src(%arg11 : memref<128x64xf32, #tpu.memory_space<vmem>>) dst(%dma_wait3A_44 : memref<128x64xf32, #tpu.memory_space<vmem_shared>>)
      tpu.yield
    }) : () -> ()
    %add3A_23 = arith.constant 256 : i32
    %add3A_24 = arith.addi %mul3A_2, %add3A_23 : i32
    "tpu.region"() ({
      %run_scoped3A_38 = tpu.sem_alloc : memref<!tpu.dma_semaphore, #tpu.memory_space<semaphore_mem>>
      %dma_start3A = arith.constant 0 : i32
      %dma_start3A_39 = tpu.memref_slice %arg14[%add3A_24, %dma_start3A] : memref<10240x64xf32, #tpu.memory_space<vmem_shared>> -> memref<128x64xf32, #tpu.memory_space<vmem_shared>>
      %dma_start3A_40 = arith.constant 0 : i32
      %dma_start3A_41 = tpu.memref_slice %arg14[%add3A_24, %dma_start3A_40] : memref<10240x64xf32, #tpu.memory_space<vmem_shared>> -> memref<128x64xf32, #tpu.memory_space<vmem_shared>>
      tpu.enqueue_dma source(%arg11 : memref<128x64xf32, #tpu.memory_space<vmem>>) target(%dma_start3A_41 : memref<128x64xf32, #tpu.memory_space<vmem_shared>>) target_semaphore(%run_scoped3A_38 : memref<!tpu.dma_semaphore, #tpu.memory_space<semaphore_mem>>)
      %dma_wait3A = arith.constant 0 : i32
      %dma_wait3A_42 = tpu.memref_slice %arg14[%add3A_24, %dma_wait3A] : memref<10240x64xf32, #tpu.memory_space<vmem_shared>> -> memref<128x64xf32, #tpu.memory_space<vmem_shared>>
      %dma_wait3A_43 = arith.constant 0 : i32
      %dma_wait3A_44 = tpu.memref_slice %arg14[%add3A_24, %dma_wait3A_43] : memref<10240x64xf32, #tpu.memory_space<vmem_shared>> -> memref<128x64xf32, #tpu.memory_space<vmem_shared>>
      tpu.wait_dma2 semaphore(%run_scoped3A_38 : memref<!tpu.dma_semaphore, #tpu.memory_space<semaphore_mem>>) src(%arg11 : memref<128x64xf32, #tpu.memory_space<vmem>>) dst(%dma_wait3A_44 : memref<128x64xf32, #tpu.memory_space<vmem_shared>>)
      tpu.yield
    }) : () -> ()
    %add3A_25 = arith.constant 384 : i32
    %add3A_26 = arith.addi %mul3A_2, %add3A_25 : i32
    "tpu.region"() ({
      %run_scoped3A_38 = tpu.sem_alloc : memref<!tpu.dma_semaphore, #tpu.memory_space<semaphore_mem>>
      %dma_start3A = arith.constant 0 : i32
      %dma_start3A_39 = tpu.memref_slice %arg14[%add3A_26, %dma_start3A] : memref<10240x64xf32, #tpu.memory_space<vmem_shared>> -> memref<128x64xf32, #tpu.memory_space<vmem_shared>>
      %dma_start3A_40 = arith.constant 0 : i32
      %dma_start3A_41 = tpu.memref_slice %arg14[%add3A_26, %dma_start3A_40] : memref<10240x64xf32, #tpu.memory_space<vmem_shared>> -> memref<128x64xf32, #tpu.memory_space<vmem_shared>>
      tpu.enqueue_dma source(%arg11 : memref<128x64xf32, #tpu.memory_space<vmem>>) target(%dma_start3A_41 : memref<128x64xf32, #tpu.memory_space<vmem_shared>>) target_semaphore(%run_scoped3A_38 : memref<!tpu.dma_semaphore, #tpu.memory_space<semaphore_mem>>)
      %dma_wait3A = arith.constant 0 : i32
      %dma_wait3A_42 = tpu.memref_slice %arg14[%add3A_26, %dma_wait3A] : memref<10240x64xf32, #tpu.memory_space<vmem_shared>> -> memref<128x64xf32, #tpu.memory_space<vmem_shared>>
      %dma_wait3A_43 = arith.constant 0 : i32
      %dma_wait3A_44 = tpu.memref_slice %arg14[%add3A_26, %dma_wait3A_43] : memref<10240x64xf32, #tpu.memory_space<vmem_shared>> -> memref<128x64xf32, #tpu.memory_space<vmem_shared>>
      tpu.wait_dma2 semaphore(%run_scoped3A_38 : memref<!tpu.dma_semaphore, #tpu.memory_space<semaphore_mem>>) src(%arg11 : memref<128x64xf32, #tpu.memory_space<vmem>>) dst(%dma_wait3A_44 : memref<128x64xf32, #tpu.memory_space<vmem_shared>>)
      tpu.yield
    }) : () -> ()
    %add3A_27 = arith.constant 512 : i32
    %add3A_28 = arith.addi %mul3A_2, %add3A_27 : i32
    "tpu.region"() ({
      %run_scoped3A_38 = tpu.sem_alloc : memref<!tpu.dma_semaphore, #tpu.memory_space<semaphore_mem>>
      %dma_start3A = arith.constant 0 : i32
      %dma_start3A_39 = tpu.memref_slice %arg14[%add3A_28, %dma_start3A] : memref<10240x64xf32, #tpu.memory_space<vmem_shared>> -> memref<128x64xf32, #tpu.memory_space<vmem_shared>>
      %dma_start3A_40 = arith.constant 0 : i32
      %dma_start3A_41 = tpu.memref_slice %arg14[%add3A_28, %dma_start3A_40] : memref<10240x64xf32, #tpu.memory_space<vmem_shared>> -> memref<128x64xf32, #tpu.memory_space<vmem_shared>>
      tpu.enqueue_dma source(%arg11 : memref<128x64xf32, #tpu.memory_space<vmem>>) target(%dma_start3A_41 : memref<128x64xf32, #tpu.memory_space<vmem_shared>>) target_semaphore(%run_scoped3A_38 : memref<!tpu.dma_semaphore, #tpu.memory_space<semaphore_mem>>)
      %dma_wait3A = arith.constant 0 : i32
      %dma_wait3A_42 = tpu.memref_slice %arg14[%add3A_28, %dma_wait3A] : memref<10240x64xf32, #tpu.memory_space<vmem_shared>> -> memref<128x64xf32, #tpu.memory_space<vmem_shared>>
      %dma_wait3A_43 = arith.constant 0 : i32
      %dma_wait3A_44 = tpu.memref_slice %arg14[%add3A_28, %dma_wait3A_43] : memref<10240x64xf32, #tpu.memory_space<vmem_shared>> -> memref<128x64xf32, #tpu.memory_space<vmem_shared>>
      tpu.wait_dma2 semaphore(%run_scoped3A_38 : memref<!tpu.dma_semaphore, #tpu.memory_space<semaphore_mem>>) src(%arg11 : memref<128x64xf32, #tpu.memory_space<vmem>>) dst(%dma_wait3A_44 : memref<128x64xf32, #tpu.memory_space<vmem_shared>>)
      tpu.yield
    }) : () -> ()
    %barrier3A_29 = arith.constant 0 : index
    tpu.barrier barrier_id(%barrier3A_29)
    %scan3A_30 = arith.constant 0 : i32
    %scan3A_31 = arith.constant 0 : i32
    %scan3A_32 = arith.constant 40 : i32
    %scan3A_33 = arith.addi %scan3A_31, %scan3A_32 : i32
    %scan3A_34 = arith.constant 1 : i32
    scf.for %scan3A_38 = %scan3A_31 to %scan3A_33 step %scan3A_34  : i32 {
      %mul3A_39 = arith.constant 2 : i32
      %mul3A_40 = arith.muli %scan3A_38, %mul3A_39 : i32
      %add3A_41 = arith.constant 1 : i32
      %add3A_42 = arith.addi %mul3A_40, %add3A_41 : i32
      %dma_start3A = arith.constant 0 : i32
      %dma_start3A_43 = tpu.memref_slice %arg9[%mul3A_40, %dma_start3A] : memref<80x128xi32, #tpu.memory_space<vmem>> -> memref<1x128xi32, #tpu.memory_space<vmem>>
      %dma_start3A_44 = tpu.memref_squeeze %dma_start3A_43 : memref<1x128xi32, #tpu.memory_space<vmem>> -> memref<128xi32, #tpu.memory_space<vmem>>
      %dma_start3A_45 = arith.constant 0 : i32
      %dma_start3A_46 = arith.constant 0 : i32
      %dma_start3A_47 = tpu.memref_slice %arg2[%dma_start3A_45, %dma_start3A_46] : memref<20480x64xf32, #tpu.memory_space<hbm>> -> memref<20480x64xf32, #tpu.memory_space<hbm>>
      tpu.enqueue_indirect_dma source(%dma_start3A_47 : memref<20480x64xf32, #tpu.memory_space<hbm>>) target(%arg12 : memref<128x64xf32, #tpu.memory_space<vmem>>) offsets(%dma_start3A_44 : memref<128xi32, #tpu.memory_space<vmem>>) semaphore(%arg15 : memref<!tpu.dma_semaphore, #tpu.memory_space<semaphore_mem>>)
      %dma_start3A_48 = arith.constant 0 : i32
      %dma_start3A_49 = tpu.memref_slice %arg9[%add3A_42, %dma_start3A_48] : memref<80x128xi32, #tpu.memory_space<vmem>> -> memref<1x128xi32, #tpu.memory_space<vmem>>
      %dma_start3A_50 = tpu.memref_squeeze %dma_start3A_49 : memref<1x128xi32, #tpu.memory_space<vmem>> -> memref<128xi32, #tpu.memory_space<vmem>>
      %dma_start3A_51 = arith.constant 0 : i32
      %dma_start3A_52 = arith.constant 0 : i32
      %dma_start3A_53 = tpu.memref_slice %arg2[%dma_start3A_51, %dma_start3A_52] : memref<20480x64xf32, #tpu.memory_space<hbm>> -> memref<20480x64xf32, #tpu.memory_space<hbm>>
      tpu.enqueue_indirect_dma source(%dma_start3A_53 : memref<20480x64xf32, #tpu.memory_space<hbm>>) target(%arg13 : memref<128x64xf32, #tpu.memory_space<vmem>>) offsets(%dma_start3A_50 : memref<128xi32, #tpu.memory_space<vmem>>) semaphore(%arg16 : memref<!tpu.dma_semaphore, #tpu.memory_space<semaphore_mem>>)
      %dma_wait3A = arith.constant 0 : i32
      %dma_wait3A_54 = tpu.memref_slice %arg9[%mul3A_40, %dma_wait3A] : memref<80x128xi32, #tpu.memory_space<vmem>> -> memref<1x128xi32, #tpu.memory_space<vmem>>
      %dma_wait3A_55 = tpu.memref_squeeze %dma_wait3A_54 : memref<1x128xi32, #tpu.memory_space<vmem>> -> memref<128xi32, #tpu.memory_space<vmem>>
      %dma_wait3A_56 = arith.constant 0 : i32
      %dma_wait3A_57 = arith.constant 0 : i32
      %dma_wait3A_58 = tpu.memref_slice %arg2[%dma_wait3A_56, %dma_wait3A_57] : memref<20480x64xf32, #tpu.memory_space<hbm>> -> memref<20480x64xf32, #tpu.memory_space<hbm>>
      tpu.wait_indirect_dma semaphore(%arg15 : memref<!tpu.dma_semaphore, #tpu.memory_space<semaphore_mem>>) src(%dma_wait3A_58 : memref<20480x64xf32, #tpu.memory_space<hbm>>) dst(%arg12 : memref<128x64xf32, #tpu.memory_space<vmem>>)
      "tpu.region"() ({
        %run_scoped3A_65 = tpu.sem_alloc : memref<!tpu.dma_semaphore, #tpu.memory_space<semaphore_mem>>
        %dma_start3A_66 = arith.constant 0 : i32
        %dma_start3A_67 = tpu.memref_slice %arg10[%mul3A_40, %dma_start3A_66] : memref<80x128xi32, #tpu.memory_space<vmem>> -> memref<1x128xi32, #tpu.memory_space<vmem>>
        %dma_start3A_68 = tpu.memref_squeeze %dma_start3A_67 : memref<1x128xi32, #tpu.memory_space<vmem>> -> memref<128xi32, #tpu.memory_space<vmem>>
        %dma_start3A_69 = arith.constant 0 : i32
        %dma_start3A_70 = arith.constant 0 : i32
        %dma_start3A_71 = tpu.memref_slice %arg14[%dma_start3A_69, %dma_start3A_70] : memref<10240x64xf32, #tpu.memory_space<vmem_shared>> -> memref<10240x64xf32, #tpu.memory_space<vmem_shared>>
        tpu.enqueue_indirect_dma source(%arg12 : memref<128x64xf32, #tpu.memory_space<vmem>>) target(%dma_start3A_71 : memref<10240x64xf32, #tpu.memory_space<vmem_shared>>) offsets(%dma_start3A_68 : memref<128xi32, #tpu.memory_space<vmem>>) semaphore(%run_scoped3A_65 : memref<!tpu.dma_semaphore, #tpu.memory_space<semaphore_mem>>) {add = true}
        %dma_wait3A_72 = arith.constant 0 : i32
        %dma_wait3A_73 = tpu.memref_slice %arg10[%mul3A_40, %dma_wait3A_72] : memref<80x128xi32, #tpu.memory_space<vmem>> -> memref<1x128xi32, #tpu.memory_space<vmem>>
        %dma_wait3A_74 = tpu.memref_squeeze %dma_wait3A_73 : memref<1x128xi32, #tpu.memory_space<vmem>> -> memref<128xi32, #tpu.memory_space<vmem>>
        %dma_wait3A_75 = arith.constant 0 : i32
        %dma_wait3A_76 = arith.constant 0 : i32
        %dma_wait3A_77 = tpu.memref_slice %arg14[%dma_wait3A_75, %dma_wait3A_76] : memref<10240x64xf32, #tpu.memory_space<vmem_shared>> -> memref<10240x64xf32, #tpu.memory_space<vmem_shared>>
        tpu.wait_indirect_dma semaphore(%run_scoped3A_65 : memref<!tpu.dma_semaphore, #tpu.memory_space<semaphore_mem>>) src(%arg12 : memref<128x64xf32, #tpu.memory_space<vmem>>) dst(%dma_wait3A_77 : memref<10240x64xf32, #tpu.memory_space<vmem_shared>>)
        tpu.yield
      }) : () -> ()
      %dma_wait3A_59 = arith.constant 0 : i32
      %dma_wait3A_60 = tpu.memref_slice %arg9[%add3A_42, %dma_wait3A_59] : memref<80x128xi32, #tpu.memory_space<vmem>> -> memref<1x128xi32, #tpu.memory_space<vmem>>
      %dma_wait3A_61 = tpu.memref_squeeze %dma_wait3A_60 : memref<1x128xi32, #tpu.memory_space<vmem>> -> memref<128xi32, #tpu.memory_space<vmem>>
      %dma_wait3A_62 = arith.constant 0 : i32
      %dma_wait3A_63 = arith.constant 0 : i32
      %dma_wait3A_64 = tpu.memref_slice %arg2[%dma_wait3A_62, %dma_wait3A_63] : memref<20480x64xf32, #tpu.memory_space<hbm>> -> memref<20480x64xf32, #tpu.memory_space<hbm>>
      tpu.wait_indirect_dma semaphore(%arg16 : memref<!tpu.dma_semaphore, #tpu.memory_space<semaphore_mem>>) src(%dma_wait3A_64 : memref<20480x64xf32, #tpu.memory_space<hbm>>) dst(%arg13 : memref<128x64xf32, #tpu.memory_space<vmem>>)
      "tpu.region"() ({
        %run_scoped3A_65 = tpu.sem_alloc : memref<!tpu.dma_semaphore, #tpu.memory_space<semaphore_mem>>
        %dma_start3A_66 = arith.constant 0 : i32
        %dma_start3A_67 = tpu.memref_slice %arg10[%add3A_42, %dma_start3A_66] : memref<80x128xi32, #tpu.memory_space<vmem>> -> memref<1x128xi32, #tpu.memory_space<vmem>>
        %dma_start3A_68 = tpu.memref_squeeze %dma_start3A_67 : memref<1x128xi32, #tpu.memory_space<vmem>> -> memref<128xi32, #tpu.memory_space<vmem>>
        %dma_start3A_69 = arith.constant 0 : i32
        %dma_start3A_70 = arith.constant 0 : i32
        %dma_start3A_71 = tpu.memref_slice %arg14[%dma_start3A_69, %dma_start3A_70] : memref<10240x64xf32, #tpu.memory_space<vmem_shared>> -> memref<10240x64xf32, #tpu.memory_space<vmem_shared>>
        tpu.enqueue_indirect_dma source(%arg13 : memref<128x64xf32, #tpu.memory_space<vmem>>) target(%dma_start3A_71 : memref<10240x64xf32, #tpu.memory_space<vmem_shared>>) offsets(%dma_start3A_68 : memref<128xi32, #tpu.memory_space<vmem>>) semaphore(%run_scoped3A_65 : memref<!tpu.dma_semaphore, #tpu.memory_space<semaphore_mem>>) {add = true}
        %dma_wait3A_72 = arith.constant 0 : i32
        %dma_wait3A_73 = tpu.memref_slice %arg10[%add3A_42, %dma_wait3A_72] : memref<80x128xi32, #tpu.memory_space<vmem>> -> memref<1x128xi32, #tpu.memory_space<vmem>>
        %dma_wait3A_74 = tpu.memref_squeeze %dma_wait3A_73 : memref<1x128xi32, #tpu.memory_space<vmem>> -> memref<128xi32, #tpu.memory_space<vmem>>
        %dma_wait3A_75 = arith.constant 0 : i32
        %dma_wait3A_76 = arith.constant 0 : i32
        %dma_wait3A_77 = tpu.memref_slice %arg14[%dma_wait3A_75, %dma_wait3A_76] : memref<10240x64xf32, #tpu.memory_space<vmem_shared>> -> memref<10240x64xf32, #tpu.memory_space<vmem_shared>>
        tpu.wait_indirect_dma semaphore(%run_scoped3A_65 : memref<!tpu.dma_semaphore, #tpu.memory_space<semaphore_mem>>) src(%arg13 : memref<128x64xf32, #tpu.memory_space<vmem>>) dst(%dma_wait3A_77 : memref<10240x64xf32, #tpu.memory_space<vmem_shared>>)
        tpu.yield
      }) : () -> ()
    }
    %scan3A_35 = arith.constant 40 : i32
    %barrier3A_36 = arith.constant 0 : index
    tpu.barrier barrier_id(%barrier3A_36)
    %run_scoped3A_37 = arith.constant 1 : i32
    "tpu.region"() ({
      %run_scoped3A_38 = tpu.sem_alloc : memref<!tpu.dma_semaphore, #tpu.memory_space<semaphore_mem>>
      %dma_start3A = arith.constant 0 : i32
      %dma_start3A_39 = tpu.memref_slice %arg7[%arg0, %run_scoped3A_37, %mul3A_2, %dma_start3A] : memref<2x2x10240x64xf32, #tpu.memory_space<hbm>> -> memref<1x1x640x64xf32, #tpu.memory_space<hbm>>
      %dma_start3A_40 = tpu.memref_squeeze %dma_start3A_39 : memref<1x1x640x64xf32, #tpu.memory_space<hbm>> -> memref<640x64xf32, #tpu.memory_space<hbm>>
      %dma_start3A_41 = arith.constant 0 : i32
      %dma_start3A_42 = tpu.memref_slice %arg14[%mul3A_2, %dma_start3A_41] : memref<10240x64xf32, #tpu.memory_space<vmem_shared>> -> memref<640x64xf32, #tpu.memory_space<vmem_shared>>
      tpu.enqueue_dma source(%dma_start3A_42 : memref<640x64xf32, #tpu.memory_space<vmem_shared>>) target(%dma_start3A_40 : memref<640x64xf32, #tpu.memory_space<hbm>>) target_semaphore(%run_scoped3A_38 : memref<!tpu.dma_semaphore, #tpu.memory_space<semaphore_mem>>)
      %dma_wait3A = arith.constant 0 : i32
      %dma_wait3A_43 = tpu.memref_slice %arg7[%arg0, %run_scoped3A_37, %mul3A_2, %dma_wait3A] : memref<2x2x10240x64xf32, #tpu.memory_space<hbm>> -> memref<1x1x640x64xf32, #tpu.memory_space<hbm>>
      %dma_wait3A_44 = tpu.memref_squeeze %dma_wait3A_43 : memref<1x1x640x64xf32, #tpu.memory_space<hbm>> -> memref<640x64xf32, #tpu.memory_space<hbm>>
      %dma_wait3A_45 = arith.constant 0 : i32
      %dma_wait3A_46 = tpu.memref_slice %arg14[%mul3A_2, %dma_wait3A_45] : memref<10240x64xf32, #tpu.memory_space<vmem_shared>> -> memref<640x64xf32, #tpu.memory_space<vmem_shared>>
      tpu.wait_dma2 semaphore(%run_scoped3A_38 : memref<!tpu.dma_semaphore, #tpu.memory_space<semaphore_mem>>) src(%dma_wait3A_46 : memref<640x64xf32, #tpu.memory_space<vmem_shared>>) dst(%dma_wait3A_44 : memref<640x64xf32, #tpu.memory_space<hbm>>)
      tpu.yield
    }) : () -> ()
    return
  }
}

module attributes {stable_mosaic.version = 14 : i64} {
  func.func @_pre_body(%arg0: i32, %arg1: memref<2x512x16xf32, #tpu.memory_space<vmem>>, %arg2: memref<512x128xf32, #tpu.memory_space<vmem>>, %arg3: memref<128x128xf32, #tpu.memory_space<vmem>>, %arg4: memref<512x128xf32, #tpu.memory_space<vmem>>, %arg5: memref<512x16xf32, #tpu.memory_space<vmem>>) attributes {dimension_semantics = [#tpu.dimension_semantics<arbitrary>], iteration_bounds = array<i64: 20>, scalar_prefetch = 0 : i64, scratch_operands = 0 : i64, tpu.core_type = #tpu.core_type<tc>, window_params = [{transform_indices = @transform_0, window_bounds = array<i64: 2, 512, 16>}, {transform_indices = @transform_1, window_bounds = array<i64: 512, 128>}, {pipeline_mode = #tpu.pipeline_mode<synchronous>, transform_indices = @transform_2, window_bounds = array<i64: 128, 128>}, {transform_indices = @transform_3, window_bounds = array<i64: 512, 128>}, {transform_indices = @transform_4, window_bounds = array<i64: 512, 16>}]} {
    %get3A = arith.constant 0 : index
    %get3A_0 = arith.constant 0 : index
    %get3A_1 = arith.constant 0 : index
    %get3A_2 = vector.load %arg1[%get3A, %get3A_0, %get3A_1] : memref<2x512x16xf32, #tpu.memory_space<vmem>>, vector<1x512x16xf32>
    %get3A_3 = vector.shape_cast %get3A_2 : vector<1x512x16xf32> to vector<512x16xf32>
    %get3A_4 = arith.constant 1 : index
    %get3A_5 = arith.constant 0 : index
    %get3A_6 = arith.constant 0 : index
    %get3A_7 = vector.load %arg1[%get3A_4, %get3A_5, %get3A_6] : memref<2x512x16xf32, #tpu.memory_space<vmem>>, vector<1x512x16xf32>
    %get3A_8 = vector.shape_cast %get3A_7 : vector<1x512x16xf32> to vector<512x16xf32>
    %add3A = arith.addf %get3A_3, %get3A_8 : vector<512x16xf32>
    %add3A_9 = arith.constant 1.000000e+00 : f32
    %add3A_10 = vector.broadcast %add3A_9 : f32 to vector<512x16xf32>
    %add3A_11 = arith.addf %add3A, %add3A_10 : vector<512x16xf32>
    %rsqrt3A = math.rsqrt %add3A_11 : vector<512x16xf32>
    %slice3A = vector.extract_strided_slice %rsqrt3A {offsets = [0, 0], sizes = [512, 1], strides = [1, 1]} : vector<512x16xf32> to vector<512x1xf32>
    %get3A_12 = arith.constant 0 : index
    %get3A_13 = arith.constant 0 : index
    %get3A_14 = vector.load %arg2[%get3A_12, %get3A_13] : memref<512x128xf32, #tpu.memory_space<vmem>>, vector<512x128xf32>
    %get3A_15 = arith.constant 0 : index
    %get3A_16 = arith.constant 0 : index
    %get3A_17 = vector.load %arg3[%get3A_15, %get3A_16] : memref<128x128xf32, #tpu.memory_space<vmem>>, vector<128x128xf32>
    %dot_general3A = arith.constant dense<0.000000e+00> : vector<512x128xf32>
    %dot_general3A_18 = tpu.matmul %get3A_14, %get3A_17, %dot_general3A {dimension_numbers = #tpu.dot_dimension_numbers<[1], [0], [0], [1], [0, 0, 1, 1], [], []>, transpose_lhs_hint = false} : vector<512x128xf32>, vector<128x128xf32>, vector<512x128xf32> -> vector<512x128xf32>
    %mul3A = vector.broadcast %slice3A : vector<512x1xf32> to vector<512x128xf32>
    %mul3A_19 = arith.mulf %mul3A, %dot_general3A_18 : vector<512x128xf32>
    %swap3A = arith.constant 0 : index
    %swap3A_20 = arith.constant 0 : index
    %swap3A_21 = vector.load %arg4[%swap3A, %swap3A_20] : memref<512x128xf32, #tpu.memory_space<vmem>>, vector<512x128xf32>
    tpu.vector_store %arg4[%swap3A, %swap3A_20], %mul3A_19 {strides = array<i32>} : memref<512x128xf32, #tpu.memory_space<vmem>>, vector<512x128xf32>,
    %swap3A_22 = arith.constant 0 : index
    %swap3A_23 = arith.constant 0 : index
    %swap3A_24 = vector.load %arg5[%swap3A_22, %swap3A_23] : memref<512x16xf32, #tpu.memory_space<vmem>>, vector<512x16xf32>
    tpu.vector_store %arg5[%swap3A_22, %swap3A_23], %rsqrt3A {strides = array<i32>} : memref<512x16xf32, #tpu.memory_space<vmem>>, vector<512x16xf32>,
    return
  }
  func.func @transform_0(%arg0: i32) -> (i32, i32, i32) {
    %c0_i32 = arith.constant 0 : i32
    %c0_i32_0 = arith.constant 0 : i32
    %c0_i32_1 = arith.constant 0 : i32
    return %c0_i32, %arg0, %c0_i32_0 : i32, i32, i32
  }
  func.func @transform_1(%arg0: i32) -> (i32, i32) {
    %c0_i32 = arith.constant 0 : i32
    %c0_i32_0 = arith.constant 0 : i32
    return %arg0, %c0_i32 : i32, i32
  }
  func.func @transform_2(%arg0: i32) -> (i32, i32) {
    %c0_i32 = arith.constant 0 : i32
    %c0_i32_0 = arith.constant 0 : i32
    %c0_i32_1 = arith.constant 0 : i32
    return %c0_i32, %c0_i32_0 : i32, i32
  }
  func.func @transform_3(%arg0: i32) -> (i32, i32) {
    %c0_i32 = arith.constant 0 : i32
    %c0_i32_0 = arith.constant 0 : i32
    return %arg0, %c0_i32 : i32, i32
  }
  func.func @transform_4(%arg0: i32) -> (i32, i32) {
    %c0_i32 = arith.constant 0 : i32
    %c0_i32_0 = arith.constant 0 : i32
    return %arg0, %c0_i32 : i32, i32
  }
}

module attributes {stable_mosaic.version = 14 : i64} {
  func.func @_mid_body(%arg0: i32, %arg1: memref<2x2x512x64xf32, #tpu.memory_space<vmem>>, %arg2: memref<512x128xf32, #tpu.memory_space<vmem>>, %arg3: memref<512x16xf32, #tpu.memory_space<vmem>>, %arg4: memref<1x128xf32, #tpu.memory_space<vmem>>, %arg5: memref<1x128xf32, #tpu.memory_space<vmem>>, %arg6: memref<1x128xf32, #tpu.memory_space<vmem>>, %arg7: memref<128x128xf32, #tpu.memory_space<vmem>>, %arg8: memref<512x128xf32, #tpu.memory_space<vmem>>) attributes {dimension_semantics = [#tpu.dimension_semantics<arbitrary>], iteration_bounds = array<i64: 20>, scalar_prefetch = 0 : i64, scratch_operands = 0 : i64, tpu.core_type = #tpu.core_type<tc>, window_params = [{transform_indices = @transform_0, window_bounds = array<i64: 2, 2, 512, 64>}, {transform_indices = @transform_1, window_bounds = array<i64: 512, 128>}, {transform_indices = @transform_2, window_bounds = array<i64: 512, 16>}, {pipeline_mode = #tpu.pipeline_mode<synchronous>, transform_indices = @transform_3, window_bounds = array<i64: 1, 128>}, {pipeline_mode = #tpu.pipeline_mode<synchronous>, transform_indices = @transform_4, window_bounds = array<i64: 1, 128>}, {pipeline_mode = #tpu.pipeline_mode<synchronous>, transform_indices = @transform_5, window_bounds = array<i64: 1, 128>}, {pipeline_mode = #tpu.pipeline_mode<synchronous>, transform_indices = @transform_6, window_bounds = array<i64: 128, 128>}, {transform_indices = @transform_7, window_bounds = array<i64: 512, 128>}]} {
    %get3A = arith.constant 0 : index
    %get3A_0 = arith.constant 0 : index
    %get3A_1 = vector.load %arg3[%get3A, %get3A_0] : memref<512x16xf32, #tpu.memory_space<vmem>>, vector<512x1xf32>
    %get3A_2 = arith.constant 0 : index
    %get3A_3 = arith.constant 0 : index
    %get3A_4 = arith.constant 0 : index
    %get3A_5 = arith.constant 0 : index
    %get3A_6 = vector.load %arg1[%get3A_2, %get3A_3, %get3A_4, %get3A_5] : memref<2x2x512x64xf32, #tpu.memory_space<vmem>>, vector<1x1x512x64xf32>
    %get3A_7 = vector.shape_cast %get3A_6 : vector<1x1x512x64xf32> to vector<512x64xf32>
    %get3A_8 = arith.constant 1 : index
    %get3A_9 = arith.constant 0 : index
    %get3A_10 = arith.constant 0 : index
    %get3A_11 = arith.constant 0 : index
    %get3A_12 = vector.load %arg1[%get3A_8, %get3A_9, %get3A_10, %get3A_11] : memref<2x2x512x64xf32, #tpu.memory_space<vmem>>, vector<1x1x512x64xf32>
    %get3A_13 = vector.shape_cast %get3A_12 : vector<1x1x512x64xf32> to vector<512x64xf32>
    %add3A = arith.addf %get3A_7, %get3A_13 : vector<512x64xf32>
    %get3A_14 = arith.constant 0 : index
    %get3A_15 = arith.constant 1 : index
    %get3A_16 = arith.constant 0 : index
    %get3A_17 = arith.constant 0 : index
    %get3A_18 = vector.load %arg1[%get3A_14, %get3A_15, %get3A_16, %get3A_17] : memref<2x2x512x64xf32, #tpu.memory_space<vmem>>, vector<1x1x512x64xf32>
    %get3A_19 = vector.shape_cast %get3A_18 : vector<1x1x512x64xf32> to vector<512x64xf32>
    %get3A_20 = arith.constant 1 : index
    %get3A_21 = arith.constant 1 : index
    %get3A_22 = arith.constant 0 : index
    %get3A_23 = arith.constant 0 : index
    %get3A_24 = vector.load %arg1[%get3A_20, %get3A_21, %get3A_22, %get3A_23] : memref<2x2x512x64xf32, #tpu.memory_space<vmem>>, vector<1x1x512x64xf32>
    %get3A_25 = vector.shape_cast %get3A_24 : vector<1x1x512x64xf32> to vector<512x64xf32>
    %add3A_26 = arith.addf %get3A_19, %get3A_25 : vector<512x64xf32>
    %concatenate3A = tpu.concatenate %add3A, %add3A_26 in 1 : vector<512x64xf32>, vector<512x64xf32> -> vector<512x128xf32>
    %get3A_27 = arith.constant 0 : index
    %get3A_28 = arith.constant 0 : index
    %get3A_29 = vector.load %arg2[%get3A_27, %get3A_28] : memref<512x128xf32, #tpu.memory_space<vmem>>, vector<512x128xf32>
    %add3A_30 = arith.addf %concatenate3A, %get3A_29 : vector<512x128xf32>
    %mul3A = vector.broadcast %get3A_1 : vector<512x1xf32> to vector<512x128xf32>
    %mul3A_31 = arith.mulf %mul3A, %add3A_30 : vector<512x128xf32>
    %get3A_32 = arith.constant 0 : index
    %get3A_33 = arith.constant 0 : index
    %get3A_34 = vector.load %arg4[%get3A_32, %get3A_33] : memref<1x128xf32, #tpu.memory_space<vmem>>, vector<1x128xf32>
    %add3A_35 = vector.broadcast %get3A_34 : vector<1x128xf32> to vector<512x128xf32>
    %add3A_36 = arith.addf %mul3A_31, %add3A_35 : vector<512x128xf32>
    %reduce_sum3A = arith.constant dense<0.000000e+00> : vector<512xf32>
    %reduce_sum3A_37 = vector.multi_reduction <add>, %add3A_36, %reduce_sum3A [1] : vector<512x128xf32> to vector<512xf32>
    %broadcast_in_dim3A = vector.shape_cast %reduce_sum3A_37 : vector<512xf32> to vector<512x1xf32>
    %div3A = arith.constant 1.280000e+02 : f32
    %div3A_38 = vector.broadcast %div3A : f32 to vector<512x1xf32>
    %div3A_39 = arith.divf %broadcast_in_dim3A, %div3A_38 : vector<512x1xf32>
    %sub3A = vector.broadcast %div3A_39 : vector<512x1xf32> to vector<512x128xf32>
    %sub3A_40 = arith.subf %add3A_36, %sub3A : vector<512x128xf32>
    %mul3A_41 = arith.mulf %sub3A_40, %sub3A_40 : vector<512x128xf32>
    %reduce_sum3A_42 = arith.constant dense<0.000000e+00> : vector<512xf32>
    %reduce_sum3A_43 = vector.multi_reduction <add>, %mul3A_41, %reduce_sum3A_42 [1] : vector<512x128xf32> to vector<512xf32>
    %broadcast_in_dim3A_44 = vector.shape_cast %reduce_sum3A_43 : vector<512xf32> to vector<512x1xf32>
    %div3A_45 = arith.constant 1.280000e+02 : f32
    %div3A_46 = vector.broadcast %div3A_45 : f32 to vector<512x1xf32>
    %div3A_47 = arith.divf %broadcast_in_dim3A_44, %div3A_46 : vector<512x1xf32>
    %add3A_48 = arith.constant 9.99999974E-6 : f32
    %add3A_49 = vector.broadcast %add3A_48 : f32 to vector<512x1xf32>
    %add3A_50 = arith.addf %div3A_47, %add3A_49 : vector<512x1xf32>
    %rsqrt3A = math.rsqrt %add3A_50 : vector<512x1xf32>
    %mul3A_51 = vector.broadcast %rsqrt3A : vector<512x1xf32> to vector<512x128xf32>
    %mul3A_52 = arith.mulf %sub3A_40, %mul3A_51 : vector<512x128xf32>
    %get3A_53 = arith.constant 0 : index
    %get3A_54 = arith.constant 0 : index
    %get3A_55 = vector.load %arg5[%get3A_53, %get3A_54] : memref<1x128xf32, #tpu.memory_space<vmem>>, vector<1x128xf32>
    %mul3A_56 = vector.broadcast %get3A_55 : vector<1x128xf32> to vector<512x128xf32>
    %mul3A_57 = arith.mulf %mul3A_52, %mul3A_56 : vector<512x128xf32>
    %get3A_58 = arith.constant 0 : index
    %get3A_59 = arith.constant 0 : index
    %get3A_60 = vector.load %arg6[%get3A_58, %get3A_59] : memref<1x128xf32, #tpu.memory_space<vmem>>, vector<1x128xf32>
    %add3A_61 = vector.broadcast %get3A_60 : vector<1x128xf32> to vector<512x128xf32>
    %add3A_62 = arith.addf %mul3A_57, %add3A_61 : vector<512x128xf32>
    %mul3A_63 = arith.constant 5.000000e-01 : f32
    %mul3A_64 = vector.broadcast %mul3A_63 : f32 to vector<512x128xf32>
    %mul3A_65 = arith.mulf %mul3A_64, %add3A_62 : vector<512x128xf32>
    %div3A_66 = arith.constant 1.41421354 : f32
    %div3A_67 = vector.broadcast %div3A_66 : f32 to vector<512x128xf32>
    %div3A_68 = arith.divf %add3A_62, %div3A_67 : vector<512x128xf32>
    %erf3A = math.erf %div3A_68 : vector<512x128xf32>
    %add3A_69 = arith.constant 1.000000e+00 : f32
    %add3A_70 = vector.broadcast %add3A_69 : f32 to vector<512x128xf32>
    %add3A_71 = arith.addf %add3A_70, %erf3A : vector<512x128xf32>
    %mul3A_72 = arith.mulf %mul3A_65, %add3A_71 : vector<512x128xf32>
    %get3A_73 = arith.constant 0 : index
    %get3A_74 = arith.constant 0 : index
    %get3A_75 = vector.load %arg7[%get3A_73, %get3A_74] : memref<128x128xf32, #tpu.memory_space<vmem>>, vector<128x128xf32>
    %dot_general3A = arith.constant dense<0.000000e+00> : vector<512x128xf32>
    %dot_general3A_76 = tpu.matmul %mul3A_72, %get3A_75, %dot_general3A {dimension_numbers = #tpu.dot_dimension_numbers<[1], [0], [0], [1], [0, 0, 1, 1], [], []>, transpose_lhs_hint = false} : vector<512x128xf32>, vector<128x128xf32>, vector<512x128xf32> -> vector<512x128xf32>
    %mul3A_77 = vector.broadcast %get3A_1 : vector<512x1xf32> to vector<512x128xf32>
    %mul3A_78 = arith.mulf %mul3A_77, %dot_general3A_76 : vector<512x128xf32>
    %swap3A = arith.constant 0 : index
    %swap3A_79 = arith.constant 0 : index
    %swap3A_80 = vector.load %arg8[%swap3A, %swap3A_79] : memref<512x128xf32, #tpu.memory_space<vmem>>, vector<512x128xf32>
    tpu.vector_store %arg8[%swap3A, %swap3A_79], %mul3A_78 {strides = array<i32>} : memref<512x128xf32, #tpu.memory_space<vmem>>, vector<512x128xf32>,
    return
  }
  func.func @transform_0(%arg0: i32) -> (i32, i32, i32, i32) {
    %c0_i32 = arith.constant 0 : i32
    %c0_i32_0 = arith.constant 0 : i32
    %c0_i32_1 = arith.constant 0 : i32
    %c0_i32_2 = arith.constant 0 : i32
    return %c0_i32, %c0_i32_0, %arg0, %c0_i32_1 : i32, i32, i32, i32
  }
  func.func @transform_1(%arg0: i32) -> (i32, i32) {
    %c0_i32 = arith.constant 0 : i32
    %c0_i32_0 = arith.constant 0 : i32
    return %arg0, %c0_i32 : i32, i32
  }
  func.func @transform_2(%arg0: i32) -> (i32, i32) {
    %c0_i32 = arith.constant 0 : i32
    %c0_i32_0 = arith.constant 0 : i32
    return %arg0, %c0_i32 : i32, i32
  }
  func.func @transform_3(%arg0: i32) -> (i32, i32) {
    %c0_i32 = arith.constant 0 : i32
    %c0_i32_0 = arith.constant 0 : i32
    %c0_i32_1 = arith.constant 0 : i32
    return %c0_i32, %c0_i32_0 : i32, i32
  }
  func.func @transform_4(%arg0: i32) -> (i32, i32) {
    %c0_i32 = arith.constant 0 : i32
    %c0_i32_0 = arith.constant 0 : i32
    %c0_i32_1 = arith.constant 0 : i32
    return %c0_i32, %c0_i32_0 : i32, i32
  }
  func.func @transform_5(%arg0: i32) -> (i32, i32) {
    %c0_i32 = arith.constant 0 : i32
    %c0_i32_0 = arith.constant 0 : i32
    %c0_i32_1 = arith.constant 0 : i32
    return %c0_i32, %c0_i32_0 : i32, i32
  }
  func.func @transform_6(%arg0: i32) -> (i32, i32) {
    %c0_i32 = arith.constant 0 : i32
    %c0_i32_0 = arith.constant 0 : i32
    %c0_i32_1 = arith.constant 0 : i32
    return %c0_i32, %c0_i32_0 : i32, i32
  }
  func.func @transform_7(%arg0: i32) -> (i32, i32) {
    %c0_i32 = arith.constant 0 : i32
    %c0_i32_0 = arith.constant 0 : i32
    return %arg0, %c0_i32 : i32, i32
  }
}

module attributes {stable_mosaic.version = 14 : i64} {
  func.func @_fin_body(%arg0: i32, %arg1: memref<2x2x512x64xf32, #tpu.memory_space<vmem>>, %arg2: memref<512x128xf32, #tpu.memory_space<vmem>>, %arg3: memref<512x16xf32, #tpu.memory_space<vmem>>, %arg4: memref<1x128xf32, #tpu.memory_space<vmem>>, %arg5: memref<1x128xf32, #tpu.memory_space<vmem>>, %arg6: memref<1x128xf32, #tpu.memory_space<vmem>>, %arg7: memref<512x128xf32, #tpu.memory_space<vmem>>) attributes {dimension_semantics = [#tpu.dimension_semantics<arbitrary>], iteration_bounds = array<i64: 20>, scalar_prefetch = 0 : i64, scratch_operands = 0 : i64, tpu.core_type = #tpu.core_type<tc>, window_params = [{transform_indices = @transform_0, window_bounds = array<i64: 2, 2, 512, 64>}, {transform_indices = @transform_1, window_bounds = array<i64: 512, 128>}, {transform_indices = @transform_2, window_bounds = array<i64: 512, 16>}, {pipeline_mode = #tpu.pipeline_mode<synchronous>, transform_indices = @transform_3, window_bounds = array<i64: 1, 128>}, {pipeline_mode = #tpu.pipeline_mode<synchronous>, transform_indices = @transform_4, window_bounds = array<i64: 1, 128>}, {pipeline_mode = #tpu.pipeline_mode<synchronous>, transform_indices = @transform_5, window_bounds = array<i64: 1, 128>}, {transform_indices = @transform_6, window_bounds = array<i64: 512, 128>}]} {
    %get3A = arith.constant 0 : index
    %get3A_0 = arith.constant 0 : index
    %get3A_1 = vector.load %arg3[%get3A, %get3A_0] : memref<512x16xf32, #tpu.memory_space<vmem>>, vector<512x1xf32>
    %get3A_2 = arith.constant 0 : index
    %get3A_3 = arith.constant 0 : index
    %get3A_4 = arith.constant 0 : index
    %get3A_5 = arith.constant 0 : index
    %get3A_6 = vector.load %arg1[%get3A_2, %get3A_3, %get3A_4, %get3A_5] : memref<2x2x512x64xf32, #tpu.memory_space<vmem>>, vector<1x1x512x64xf32>
    %get3A_7 = vector.shape_cast %get3A_6 : vector<1x1x512x64xf32> to vector<512x64xf32>
    %get3A_8 = arith.constant 1 : index
    %get3A_9 = arith.constant 0 : index
    %get3A_10 = arith.constant 0 : index
    %get3A_11 = arith.constant 0 : index
    %get3A_12 = vector.load %arg1[%get3A_8, %get3A_9, %get3A_10, %get3A_11] : memref<2x2x512x64xf32, #tpu.memory_space<vmem>>, vector<1x1x512x64xf32>
    %get3A_13 = vector.shape_cast %get3A_12 : vector<1x1x512x64xf32> to vector<512x64xf32>
    %add3A = arith.addf %get3A_7, %get3A_13 : vector<512x64xf32>
    %get3A_14 = arith.constant 0 : index
    %get3A_15 = arith.constant 1 : index
    %get3A_16 = arith.constant 0 : index
    %get3A_17 = arith.constant 0 : index
    %get3A_18 = vector.load %arg1[%get3A_14, %get3A_15, %get3A_16, %get3A_17] : memref<2x2x512x64xf32, #tpu.memory_space<vmem>>, vector<1x1x512x64xf32>
    %get3A_19 = vector.shape_cast %get3A_18 : vector<1x1x512x64xf32> to vector<512x64xf32>
    %get3A_20 = arith.constant 1 : index
    %get3A_21 = arith.constant 1 : index
    %get3A_22 = arith.constant 0 : index
    %get3A_23 = arith.constant 0 : index
    %get3A_24 = vector.load %arg1[%get3A_20, %get3A_21, %get3A_22, %get3A_23] : memref<2x2x512x64xf32, #tpu.memory_space<vmem>>, vector<1x1x512x64xf32>
    %get3A_25 = vector.shape_cast %get3A_24 : vector<1x1x512x64xf32> to vector<512x64xf32>
    %add3A_26 = arith.addf %get3A_19, %get3A_25 : vector<512x64xf32>
    %concatenate3A = tpu.concatenate %add3A, %add3A_26 in 1 : vector<512x64xf32>, vector<512x64xf32> -> vector<512x128xf32>
    %get3A_27 = arith.constant 0 : index
    %get3A_28 = arith.constant 0 : index
    %get3A_29 = vector.load %arg2[%get3A_27, %get3A_28] : memref<512x128xf32, #tpu.memory_space<vmem>>, vector<512x128xf32>
    %add3A_30 = arith.addf %concatenate3A, %get3A_29 : vector<512x128xf32>
    %mul3A = vector.broadcast %get3A_1 : vector<512x1xf32> to vector<512x128xf32>
    %mul3A_31 = arith.mulf %mul3A, %add3A_30 : vector<512x128xf32>
    %get3A_32 = arith.constant 0 : index
    %get3A_33 = arith.constant 0 : index
    %get3A_34 = vector.load %arg4[%get3A_32, %get3A_33] : memref<1x128xf32, #tpu.memory_space<vmem>>, vector<1x128xf32>
    %add3A_35 = vector.broadcast %get3A_34 : vector<1x128xf32> to vector<512x128xf32>
    %add3A_36 = arith.addf %mul3A_31, %add3A_35 : vector<512x128xf32>
    %reduce_sum3A = arith.constant dense<0.000000e+00> : vector<512xf32>
    %reduce_sum3A_37 = vector.multi_reduction <add>, %add3A_36, %reduce_sum3A [1] : vector<512x128xf32> to vector<512xf32>
    %broadcast_in_dim3A = vector.shape_cast %reduce_sum3A_37 : vector<512xf32> to vector<512x1xf32>
    %div3A = arith.constant 1.280000e+02 : f32
    %div3A_38 = vector.broadcast %div3A : f32 to vector<512x1xf32>
    %div3A_39 = arith.divf %broadcast_in_dim3A, %div3A_38 : vector<512x1xf32>
    %sub3A = vector.broadcast %div3A_39 : vector<512x1xf32> to vector<512x128xf32>
    %sub3A_40 = arith.subf %add3A_36, %sub3A : vector<512x128xf32>
    %mul3A_41 = arith.mulf %sub3A_40, %sub3A_40 : vector<512x128xf32>
    %reduce_sum3A_42 = arith.constant dense<0.000000e+00> : vector<512xf32>
    %reduce_sum3A_43 = vector.multi_reduction <add>, %mul3A_41, %reduce_sum3A_42 [1] : vector<512x128xf32> to vector<512xf32>
    %broadcast_in_dim3A_44 = vector.shape_cast %reduce_sum3A_43 : vector<512xf32> to vector<512x1xf32>
    %div3A_45 = arith.constant 1.280000e+02 : f32
    %div3A_46 = vector.broadcast %div3A_45 : f32 to vector<512x1xf32>
    %div3A_47 = arith.divf %broadcast_in_dim3A_44, %div3A_46 : vector<512x1xf32>
    %add3A_48 = arith.constant 9.99999974E-6 : f32
    %add3A_49 = vector.broadcast %add3A_48 : f32 to vector<512x1xf32>
    %add3A_50 = arith.addf %div3A_47, %add3A_49 : vector<512x1xf32>
    %rsqrt3A = math.rsqrt %add3A_50 : vector<512x1xf32>
    %mul3A_51 = vector.broadcast %rsqrt3A : vector<512x1xf32> to vector<512x128xf32>
    %mul3A_52 = arith.mulf %sub3A_40, %mul3A_51 : vector<512x128xf32>
    %get3A_53 = arith.constant 0 : index
    %get3A_54 = arith.constant 0 : index
    %get3A_55 = vector.load %arg5[%get3A_53, %get3A_54] : memref<1x128xf32, #tpu.memory_space<vmem>>, vector<1x128xf32>
    %mul3A_56 = vector.broadcast %get3A_55 : vector<1x128xf32> to vector<512x128xf32>
    %mul3A_57 = arith.mulf %mul3A_52, %mul3A_56 : vector<512x128xf32>
    %get3A_58 = arith.constant 0 : index
    %get3A_59 = arith.constant 0 : index
    %get3A_60 = vector.load %arg6[%get3A_58, %get3A_59] : memref<1x128xf32, #tpu.memory_space<vmem>>, vector<1x128xf32>
    %add3A_61 = vector.broadcast %get3A_60 : vector<1x128xf32> to vector<512x128xf32>
    %add3A_62 = arith.addf %mul3A_57, %add3A_61 : vector<512x128xf32>
    %mul3A_63 = arith.constant 5.000000e-01 : f32
    %mul3A_64 = vector.broadcast %mul3A_63 : f32 to vector<512x128xf32>
    %mul3A_65 = arith.mulf %mul3A_64, %add3A_62 : vector<512x128xf32>
    %div3A_66 = arith.constant 1.41421354 : f32
    %div3A_67 = vector.broadcast %div3A_66 : f32 to vector<512x128xf32>
    %div3A_68 = arith.divf %add3A_62, %div3A_67 : vector<512x128xf32>
    %erf3A = math.erf %div3A_68 : vector<512x128xf32>
    %add3A_69 = arith.constant 1.000000e+00 : f32
    %add3A_70 = vector.broadcast %add3A_69 : f32 to vector<512x128xf32>
    %add3A_71 = arith.addf %add3A_70, %erf3A : vector<512x128xf32>
    %mul3A_72 = arith.mulf %mul3A_65, %add3A_71 : vector<512x128xf32>
    %swap3A = arith.constant 0 : index
    %swap3A_73 = arith.constant 0 : index
    %swap3A_74 = vector.load %arg7[%swap3A, %swap3A_73] : memref<512x128xf32, #tpu.memory_space<vmem>>, vector<512x128xf32>
    tpu.vector_store %arg7[%swap3A, %swap3A_73], %mul3A_72 {strides = array<i32>} : memref<512x128xf32, #tpu.memory_space<vmem>>, vector<512x128xf32>,
    return
  }
  func.func @transform_0(%arg0: i32) -> (i32, i32, i32, i32) {
    %c0_i32 = arith.constant 0 : i32
    %c0_i32_0 = arith.constant 0 : i32
    %c0_i32_1 = arith.constant 0 : i32
    %c0_i32_2 = arith.constant 0 : i32
    return %c0_i32, %c0_i32_0, %arg0, %c0_i32_1 : i32, i32, i32, i32
  }
  func.func @transform_1(%arg0: i32) -> (i32, i32) {
    %c0_i32 = arith.constant 0 : i32
    %c0_i32_0 = arith.constant 0 : i32
    return %arg0, %c0_i32 : i32, i32
  }
  func.func @transform_2(%arg0: i32) -> (i32, i32) {
    %c0_i32 = arith.constant 0 : i32
    %c0_i32_0 = arith.constant 0 : i32
    return %arg0, %c0_i32 : i32, i32
  }
  func.func @transform_3(%arg0: i32) -> (i32, i32) {
    %c0_i32 = arith.constant 0 : i32
    %c0_i32_0 = arith.constant 0 : i32
    %c0_i32_1 = arith.constant 0 : i32
    return %c0_i32, %c0_i32_0 : i32, i32
  }
  func.func @transform_4(%arg0: i32) -> (i32, i32) {
    %c0_i32 = arith.constant 0 : i32
    %c0_i32_0 = arith.constant 0 : i32
    %c0_i32_1 = arith.constant 0 : i32
    return %c0_i32, %c0_i32_0 : i32, i32
  }
  func.func @transform_5(%arg0: i32) -> (i32, i32) {
    %c0_i32 = arith.constant 0 : i32
    %c0_i32_0 = arith.constant 0 : i32
    %c0_i32_1 = arith.constant 0 : i32
    return %c0_i32, %c0_i32_0 : i32, i32
  }
  func.func @transform_6(%arg0: i32) -> (i32, i32) {
    %c0_i32 = arith.constant 0 : i32
    %c0_i32_0 = arith.constant 0 : i32
    return %arg0, %c0_i32 : i32, i32
  }
}

</mosaic_0001>

<sc_bundles>
// kernel: kernel.10.cloned.1.call-start
scs
__scs_entry_jumppad:
0x0: {  	(pc) =	sbr.rel $0x88, $3  }
0x1: {  	(tag) =	ssettag $0x0;
	lr =	simm.s32 $0x1  }
0x2: {  	[smem:$0x3F95] =	sst lr;
	_ =	strace $0xD0000000  }
0x3: {  	_ = 	snop  }
0x4: {  	_ = 	snop  }
0x5: {  	_ = 	snop  }
0x6: {  	_ = 	snop  }
0x7: {  	_ = 	snop  }
__scs_overlays_trampoline_lowered:
0x8: {  	[smem:$0x3FA4] =	sst s0  }
0x9: {  	[smem:$0x3FA5] =	sst s1  }
0xa: {  	[smem:$0x3FA6] =	sst s2  }
0xb: {  	[smem:$0x3FA7] =	sst s3  }
0xc: {  	[smem:$0x3FA8] =	sst s4  }
0xd: {  	[smem:$0x3FA9] =	sst s5  }
0xe: {  	[smem:$0x3FAA] =	sst s6  }
0xf: {  	[smem:$0x3FAB] =	sst s7  }
0x10: {  	[smem:$0x3FAC] =	sst s8  }
0x11: {  	[smem:$0x3FAD] =	sst s9;
	s0 =	simm.s32 @!p0 $0x0  }
0x12: {  	s1 =	sld [smem:$0x3F93];
	s0 =	simm.s32 @p0 $0x1  }
0x13: {  	[smem:$0x3FAE] =	sst s0;
	s0 =	simm.s32 @!p1 $0x0  }
0x14: {  	s2 =	sld [smem:$0x3F92];
	s0 =	simm.s32 @p1 $0x1  }
0x15: {  	[smem:$0x3FAF] =	sst s0;
	s0 =	simm.s32 @!p2 $0x0  }
0x16: {  	s3 =	sld [smem:$0x3FDB];
	s0 =	simm.s32 @p2 $0x1  }
0x17: {  	s4 =	simm.s32 $0x1BF5;
	[smem:$0x3FB1] =	sst s0  }
0x18: {  	s0 =	sld [smem:$0x3F94];
	_ =	swait.ge [sflag:s4], $0x0  }
0x19: {  	s7 =	sld [smem:$0x3F95]  }
0x1a: {  	s8 =	sadd.s32 $0xFFFFE003, lr  }
0x1b: {  	s9 =	sadd.s32 $0xFFFFFEF7, lr;
	s5 =	simm.s32 $0xFFFFFFFF;
	p2 =	slt.u32 s8, $0xFFFFF086  }
0x1c: {  	p1 =	slt.u32 s9, $0xF7A;
	s5 =	simm.s32 @!p2 $0x0  }
0x1d: {  	s5 =	simm.s32 @p1 $0x1;
	p0 =	seq.s32 s7, s2  }
0x1e: {  	s7 =	smul.u32 @!p0 $0xF7A, s2;
	p2 =	seq.s32 @!p0 s5, $0x0  }
0x1f: {  	s9 =	smul.u32 $0xF7A, s1;
	s8 =	simm.s32 @!p0 $0x1BF5;
	p2 =	por !p2, p0  }
0x20: {  	[sflag:s8] =	ssyncset.s32 @!p0 $0xFFFFF086;
	s6 =	sadd.s32 @!p0 s3, s7;
	s7 =	simm.s32 @!p0 $0x108  }
0x21: {  	s3 =	sadd.s32 s3, s9;
	s6 =	sadd.s32 @!p0 $0x88, s6;
	s7 =	simm.s32 @p2 $0x1082  }
0x22: {  	[simem:s7], [sflag:s8] =	dma.local @!p0 [hbm:s6], $0xF7A  }
0x23: {  	s9 =	sor.u32 $0xD0000000, s2;
	s6 =	simm.s32 $0x108;
	_ =	swait.ge @!p0 [sflag:s8], $0x0  }
0x24: {  	s3 =	sadd.s32 $0x88, s3;
	s6 =	simm.s32 @!p1 $0x1082;
	[sflag:s4] =	ssyncset.s32 $0xFFFFF086  }
0x25: {  	[simem:s6], [sflag:s4] =	dma.local [hbm:s3], $0xF7A  }
0x26: {  	[smem:$0x3F95] =	sst s1;
	(tag) =	ssettag s2;
	_ =	strace s9  }
0x27: {  	s1 =	sld [smem:$0x3FA5]  }
0x28: {  	s2 =	sld [smem:$0x3FA6]  }
0x29: {  	s4 =	sld [smem:$0x3FA8]  }
0x2a: {  	p0 =	seq.s32 s5, $0x0;
	s5 =	sld [smem:$0x3FA9]  }
0x2b: {  	s6 =	sld [smem:$0x3FAA]  }
0x2c: {  	s7 =	sld [smem:$0x3FAB]  }
0x2d: {  	s3 =	simm.s32 $0x108;
	s8 =	sld [smem:$0x3FAC]  }
0x2e: {  	s3 =	simm.s32 @!p0 $0x1082;
	s9 =	sld [smem:$0x3FAD]  }
0x2f: {  	lr =	sadd.s32 s0, s3;
	s0 =	sld [smem:$0x3FA4]  }
0x30: {  	s3 =	sld [smem:$0x3FA7]  }
0x31: {  	[smem:$0x3FB0] =	sst s10  }
0x32: {  	s10 =	sld [smem:$0x3FAE];
	_ =	sdelay $0x3  }
0x33: {  	p0 =	seq.s32 s10, $0x1;
	s10 =	sld [smem:$0x3FB0];
	_ =	sdelay $0x3  }
0x34: {  	[smem:$0x3FB0] =	sst s10  }
0x35: {  	s10 =	sld [smem:$0x3FAF];
	_ =	sdelay $0x3  }
0x36: {  	p1 =	seq.s32 s10, $0x1;
	s10 =	sld [smem:$0x3FB0];
	_ =	sdelay $0x3  }
0x37: {  	[smem:$0x3FB0] =	sst s10  }
0x38: {  	s10 =	sld [smem:$0x3FB1]  }
0x39: {  	_ = 	snop;
	(pc) =	sbr.ind lr, $3  }
0x3a: {  	_ = 	snop  }
0x3b: {  	_ = 	snop  }
0x3c: {  	p2 =	seq.s32 s10, $0x1;
	s10 =	sld [smem:$0x3FB0]  }
0x3d: {  	_ =	shalt  }
0x3e: {  	_ =	shalt  }
0x3f: {  	_ =	shalt  }
0x40: {  	_ =	shalt  }
0x41: {  	_ =	shalt  }
0x42: {  	_ =	shalt  }
0x43: {  	_ =	shalt  }
0x44: {  	_ =	shalt  }
0x45: {  	_ =	shalt  }
0x46: {  	_ =	shalt  }
0x47: {  	_ =	shalt  }
0x48: {  	_ =	shalt  }
0x49: {  	_ =	shalt  }
0x4a: {  	_ =	shalt  }
0x4b: {  	_ =	shalt  }
0x4c: {  	_ =	shalt  }
0x4d: {  	_ =	shalt  }
0x4e: {  	_ =	shalt  }
0x4f: {  	_ =	shalt  }
0x50: {  	_ =	shalt  }
0x51: {  	_ =	shalt  }
0x52: {  	_ =	shalt  }
0x53: {  	_ =	shalt  }
0x54: {  	_ =	shalt  }
0x55: {  	_ =	shalt  }
0x56: {  	_ =	shalt  }
0x57: {  	_ =	shalt  }
0x58: {  	_ =	shalt  }
0x59: {  	_ =	shalt  }
0x5a: {  	_ =	shalt  }
0x5b: {  	_ =	shalt  }
0x5c: {  	_ =	shalt  }
0x5d: {  	_ =	shalt  }
0x5e: {  	_ =	shalt  }
0x5f: {  	_ =	shalt  }
0x60: {  	_ =	shalt  }
0x61: {  	_ =	shalt  }
0x62: {  	_ =	shalt  }
0x63: {  	_ =	shalt  }
0x64: {  	_ =	shalt  }
0x65: {  	_ =	shalt  }
0x66: {  	_ =	shalt  }
0x67: {  	_ =	shalt  }
0x68: {  	_ =	shalt  }
0x69: {  	_ =	shalt  }
0x6a: {  	_ =	shalt  }
0x6b: {  	_ =	shalt  }
0x6c: {  	_ =	shalt  }
0x6d: {  	_ =	shalt  }
0x6e: {  	_ =	shalt  }
0x6f: {  	_ =	shalt  }
0x70: {  	_ =	shalt  }
0x71: {  	_ =	shalt  }
0x72: {  	_ =	shalt  }
0x73: {  	_ =	shalt  }
0x74: {  	_ =	shalt  }
0x75: {  	_ =	shalt  }
0x76: {  	_ =	shalt  }
0x77: {  	_ =	shalt  }
0x78: {  	_ =	shalt  }
0x79: {  	_ =	shalt  }
0x7a: {  	_ =	shalt  }
0x7b: {  	_ =	shalt  }
0x7c: {  	_ =	shalt  }
0x7d: {  	_ =	shalt  }
0x7e: {  	_ =	shalt  }
0x7f: {  	_ =	shalt  }
0x80: {  	_ =	shalt  }
0x81: {  	_ =	shalt  }
0x82: {  	_ =	shalt  }
0x83: {  	_ =	shalt  }
0x84: {  	_ =	shalt  }
0x85: {  	_ =	shalt  }
0x86: {  	_ =	shalt  }
0x87: {  	_ =	shalt  }
.Lfunc_end0:
.L_simem_size_0:
called_computation_lowered:
.L_overlay_start_0:
0x88: {  	s2 =	sld [smem:$0x3FD9]  }
0x89: {  	s3 =	sld [smem:$0x3FFE];
	_ =	sdelay $0x1  }
0x8a: {  	s1 =	srdreg.scid  }
0x8b: {  	s0 =	sand.u32 $0x1, s1  }
0x8c: {  	s17 =	sshll.u32 s0, $0xA;
	s2 =	sadd.s32 s3, s2  }
0x8d: {  	s2 =	sadd.s32 s2, s17  }
0x8e: {  	[smem:$0x3FBC] =	sst s2  }
0x8f: {  	_ = 	snop  }
0x90: {  	s2 =	sld [smem:$0x3FD0];
	(tm) =	ssettm $0x1  }
0x91: {  	s18 =	sld [smem:$0x3FFB];
	_ =	sdelay $0x3  }
0x92: {  	_ =	strace s18  }
0x93: {  	s3 =	sld [smem:$0x3FFC];
	_ =	sdelay $0x3  }
0x94: {  	_ =	strace s3  }
0x95: {  	s3 =	sld [smem:$0x3FFD];
	_ =	sdelay $0x3  }
0x96: {  	_ =	strace s3  }
0x97: {  	_ =	strace $0x8FFFFFFF  }
0x98: {  	s19 =	sld [smem:$0x3FDB];
	_ =	sdelay $0x1  }
0x99: {  	s4 =	simm.s32 $_scs_section_size  }
0x9a: {  	s5 =	simm.s32 $_size__tile_overlayer_lowered;
	s6 =	simm.s32 $_tile_overlayer_lowered  }
0x9b: {  	s22 =	simm.s32 $0x1BFF;
	s21 =	sshll.u32 s6, $0x1;
	s3 =	sadd.s32 s4, s19  }
0x9c: {  	s7 =	simm.s32 $0x0;
	s20 =	sshll.u32 s5, $0x1;
	s5 =	sadd.s32 s21, s3  }
0x9d: {  	[timem:s7], [sflag:s22] =	dma.local [hbm:s5], s20  }
0x9e: {  	_ =	swait.ge [sflag:s22], s20  }
0x9f: {  	s4 =	ssub.s32 $0x0, s20;
	[sflag:s22] =	ssyncset.done $0x0  }
0xa0: {  	[sflag:s22] =	ssyncadd.s32 s4;
	_ =	sdelay $0x1  }
0xa1: {  	s23 =	simm.s32 $0x1B8B  }
0xa2: {  	_ =	swait.ge [sflag:s23], $0x1  }
0xa3: {  	[sflag:s23] =	ssyncset.done $0x0  }
0xa4: {  	s25 =	simm.s32 $0x1B8E;
	s24 =	sld [smem:$0x3FFE];
	[sflag:s23] =	ssyncadd.s32 $0xFFFFFFFF  }
0xa5: {  	s26 =	simm.s32 $execute0_lowered;
	[smem:$0x3FD2] =	sst s25  }
0xa6: {  	s5 =	sshll.u32 s26, $0x1;
	_ =	strace $0x80000046;
	[dreg:$0x1] =	wrdreg $0xFFFFFFFF  }
0xa7: {  	s28 =	simm.s32 $_size_execute0_lowered;
	s3 =	sadd.s32 s3, s5;
	[dreg:$0x0] =	wrdreg $0x0  }
0xa8: {  	s5 =	sshll.u32 s28, $0x1;
	[dreg:$0x2] =	wrdreg s3  }
0xa9: {  	[dreg:$0x3] =	wrdreg s5  }
0xaa: {  	[dreg:$0x4] =	wrdreg $0xC0  }
0xab: {  	_ =	task [dreg:s7], $0x5FFFF  }
0xac: {  	[dreg:$0x1] =	wrdreg $0xFFFFFFFF  }
0xad: {  	[dreg:$0x0] =	wrdreg $0x60  }
0xae: {  	[dreg:$0x2] =	wrdreg s2  }
0xaf: {  	[dreg:$0x3] =	wrdreg s24  }
0xb0: {  	[dreg:$0x4] =	wrdreg $0xA8000  }
0xb1: {  	[dreg:$0x5] =	wrdreg $0x9  }
0xb2: {  	_ =	task.clear_ibuf [dreg:s7], $0x6FFFF;
	_ =	strace $0x90000046  }
0xb3: {  	s29 =	simm.s32 $0x9;
	_ =	strace $0x80000048  }
0xb4: {  	_ =	swait.ge [sflag:s29], $0x1  }
0xb5: {  	[sflag:s29] =	ssyncadd.s32 $0xFFFFFFFF  }
0xb6: {  	_ =	strace $0x90000048  }
0xb7: {  	_ =	sfence  }
0xb8: {  	s30 =	sld [smem:$0x0];
	_ =	sdelay $0x2  }
0xb9: {  	s31 =	sshll.u32 s1, $0xD;
	s1 =	sshrl.u32 s1, $0x2  }
0xba: {  	s3 =	sand.u32 $0x4000, s31;
	s1 =	sadd.s32 s1, s30  }
0xbb: {  	s0 =	sor.u32 s3, s0;
	s1 =	sshll.u32 s1, $0x11  }
0xbc: {  	s0 =	sor.u32 s1, s0  }
0xbd: {  	s0 =	sadd.s32 $0x8F2B, s0  }
0xbe: {  	[sflag:s0] =	ssyncadd.remote.s32 $0x1  }
0xbf: {  	_ =	sfence.sel $0xFFFF  }
0xc0: {  	[dreg:$0x0] =	wrdreg $0xFFFFFFFF;
	(pc) =	sbr.abs _section_cstart, $3  }
0xc1: {  	[dreg:$0x1] =	wrdreg $0xFFFFFFFF  }
0xc2: {  	_ =	task.clear_ibuf [dreg:s7], $0x2FFFF;
	_ =	strace $0x9FFFFFFF  }
0xc3: {  	(tm) =	ssettm $0x7FFFFFFF  }
tec
execute0_lowered:
.L_overlay_start_1:
0x0: {  	(tag) =	ssettag $0x1  }
0x1: {  	s5 =	rddreg [dreg:$0x0]  }
0x2: {  	s7 =	rddreg [dreg:$0x1]  }
0x3: {  	s1 =	rddreg [dreg:$0x2]  }
0x4: {  	s2 =	srdreg.scid;
	s0 =	rddreg [dreg:$0x3]  }
0x5: {  	s3 =	simm.s32 $0x0;
	s14 =	simm.s32 $0x1;
	s15 =	simm.s32 $0x6800  }
0x6: {  	s16 =	simm.s32 $0x2800;
	s17 =	simm.s32 $0x80;
	s6 =	sand.u32 $0x1, s2  }
0x7: {  	s20 =	simm.s32 $0x0;
	s2 =	stileid.u32;
	s8 =	smul.u32 $0x140000, s6  }
0x8: {  	[smem:$0x7FF] =	sst s3;
	s4 =	sadd.s32 $0x4200, s7;
	s9 =	smul.u32 $0x14000, s2  }
0x9: {  	_ =	strace $0x80000047;
	s10 =	sshll.u32 s6, $0x4;
	s30 =	smul.u32 $0x50000, s2  }
0xa: {  	s6 =	ssub.s32 $0x2, s6;
	s18 =	sshll.u32 s2, $0x6;
	s29 =	sor.u32 s2, s10  }
0xb: {  	s31 =	sshrl.u32 s6, $0x1;
	s18 =	sor.u32 $0x1C01, s18;
	s8 =	sadd.s32 s9, s8  }
0xc: {  	s9 =	smul.u32 $0x500, s29;
	s10 =	sshrl.u32 s30, $0x2;
	s13 =	ssub.s32 s6, s31  }
0xd: {  	s8 =	sshrl.u32 s8, $0x3;
	s6 =	sadd.s32 s10, s1;
	s13 =	smax.u32 s13, $0x1  }
0xe: {  	s12 =	sadd.s32 s8, s7;
	s5 =	sadd.s32 s5, s9;
	s7 =	sadd.s32 $0x4A00, s7  }
0xf: {  	s8 =	sadd.s32 $0x4000, s6;
	s9 =	sadd.s32 $0x8000, s6;
	s10 =	sadd.s32 $0xC000, s6  }
0x10: {  	s11 =	sadd.s32 $0x10000, s6;
	s19 =	sshrl.u32 s6, $0x3;
	s12 =	sadd.s32 $0x5200, s12  }
.LBB2_1:
0x11: {  	[tilespmem:s3], [sflag:$0x1] =	stream.linear.gather [hbm4b:s5+s3], $0x2800, $0x38;
	[tilespmem:$0xD000] =	vst v63  }
0x12: {  	_ =	swait.ge [sflag:s14], $0x2800  }
0x13: {  	[sflag:s14] =	ssyncset.done $0x0  }
0x14: {  	[sflag:s14] =	ssyncadd.s32 $0xFFFFD800  }
0x15: {  	[tilespmem:s15], [sflag:$0x1] =	stream.linear.gather [hbm4b:s4+s3], $0x4000, $0x38;
	[tilespmem:$0xD000] =	vst v63  }
0x16: {  	_ =	swait.ge [sflag:s14], $0x4000  }
0x17: {  	[sflag:s14] =	ssyncset.done $0x0  }
0x18: {  	[sflag:s14] =	ssyncadd.s32 $0xFFFFC000  }
0x19: {  	[tilespmem:s16], [sflag:$0x1] =	stream.linear.gather [hbm4b:s7+s3], $0x4000, $0x38;
	[tilespmem:$0xD000] =	vst v63  }
0x1a: {  	_ =	swait.ge [sflag:s14], $0x4000  }
0x1b: {  	[sflag:s14] =	ssyncset.done $0x0  }
0x1c: {  	[sflag:s14] =	ssyncadd.s32 $0xFFFFC000  }
0x1d: {  	[spmem:s6] =	stream.linear.scatter [tilespmem:s15], [sflag:$0x1], $0x4000, $0x38;
	[tilespmem:$0xD000] =	vst v63  }
0x1e: {  	_ =	swait.ge [sflag:s14], $0x4000  }
0x1f: {  	[sflag:s14] =	ssyncset.done $0x0  }
0x20: {  	[sflag:s14] =	ssyncadd.s32 $0xFFFFC000  }
0x21: {  	[spmem:s8] =	stream.linear.scatter [tilespmem:s15], [sflag:$0x1], $0x4000, $0x38;
	[tilespmem:$0xD000] =	vst v63  }
0x22: {  	_ =	swait.ge [sflag:s14], $0x4000  }
0x23: {  	[sflag:s14] =	ssyncset.done $0x0  }
0x24: {  	[sflag:s14] =	ssyncadd.s32 $0xFFFFC000  }
0x25: {  	[spmem:s9] =	stream.linear.scatter [tilespmem:s15], [sflag:$0x1], $0x4000, $0x38;
	[tilespmem:$0xD000] =	vst v63  }
0x26: {  	_ =	swait.ge [sflag:s14], $0x4000  }
0x27: {  	[sflag:s14] =	ssyncset.done $0x0  }
0x28: {  	[sflag:s14] =	ssyncadd.s32 $0xFFFFC000  }
0x29: {  	[spmem:s10] =	stream.linear.scatter [tilespmem:s15], [sflag:$0x1], $0x4000, $0x38;
	[tilespmem:$0xD000] =	vst v63  }
0x2a: {  	_ =	swait.ge [sflag:s14], $0x4000  }
0x2b: {  	[sflag:s14] =	ssyncset.done $0x0  }
0x2c: {  	[sflag:s14] =	ssyncadd.s32 $0xFFFFC000  }
0x2d: {  	[spmem:s11] =	stream.linear.scatter [tilespmem:s15], [sflag:$0x1], $0x4000, $0x38;
	[tilespmem:$0xD000] =	vst v63  }
0x2e: {  	_ =	swait.ge [sflag:s14], $0x4000  }
0x2f: {  	[sflag:s14] =	ssyncset.done $0x0  }
0x30: {  	[sflag:s14] =	ssyncadd.s32 $0xFFFFC000  }
0x31: {  	s21 =	simm.s32 $0x0;
	[bflag:$0x0] =	sbarrier.arrive $0xFFFF  }
0x32: {  	[spmem:s1] =	stream.indirect.scatter.add.f32 [tilespmem:s16], [sflag:$0x1], $0x10, s21, s17, $0xb8;
	[tilespmem:$0xD000] =	vst v63  }
0x33: {  	_ =	swait.ge [sflag:s14], $0x800  }
0x34: {  	s21 =	simm.s32 $0x200;
	[sflag:s14] =	ssyncset.done $0x0  }
.LBB2_2:
0x35: {  	s22 =	sshra.s32 s21, $0x2;
	[sflag:s14] =	ssyncadd.s32 $0xFFFFF800;
	p0 =	sne.s32 s21, $0x9E00  }
0x36: {  	[spmem:s1] =	stream.indirect.scatter.add.f32 [tilespmem:s16], [sflag:$0x1], $0x10, s22, s17, $0xb8;
	[tilespmem:$0xD000] =	vst v63  }
.Ltmp0:
0x37: {  	_ = 	snop;
	(pc) =	sbr.rel @p0 .LBB2_2-.Ltmp0, $4  }
0x38: {  	_ = 	snop  }
0x39: {  	s21 =	sadd.s32 $0x200, s21  }
0x3a: {  	_ =	swait.ge [sflag:s14], $0x800  }
0x3b: {  	[sflag:s14] =	ssyncset.done $0x0  }
0x3c: {  	s20 =	sadd.s32 $0x1, s20  }
0x3d: {  	[sflag:s14] =	ssyncadd.s32 $0xFFFFF800;
	p0 =	sne.s32 s20, s13  }
.Ltmp1:
0x3e: {  	[bflag:$0x0] =	sbarrier.arrive $0xFFFF;
	(pc) =	sbr.rel @p0 .LBB2_1-.Ltmp1, $4  }
0x3f: {  	[hbm:s12], [sflag:s18] =	dma.local [spmem:s19], $0x2800  }
0x40: {  	_ =	swait.ge [sflag:s14], $0x2800  }
0x41: {  	[sflag:s14] =	ssyncset.done $0x0  }
0x42: {  	[sflag:s14] =	ssyncadd.s32 $0xFFFFD800  }
0x43: {  	_ =	sfence.sel $0x180000  }
0x44: {  	[bflag:$0x0] =	sbarrier.arrive $0xFFFF  }
0x45: {  	p0 =	sne.s32 s2, $0x0;
	_ =	strace $0x90000047  }
0x46: {  	s0 =	sadd.s32 @!p0 $0x100000, s0;
	[bflag:$0x2] =	sbarrier.arrive $0xFFFF  }
0x47: {  	[sflag:s0] =	ssyncadd.tile.s32 @!p0 $0x1;
	_ =	shalt  }
.Lfunc_end2:
_tile_overlayer_lowered:
.L_overlay_start_2:
0x48: {  	(tag) =	ssettag $0x2  }
0x49: {  	s0 =	rddreg [dreg:$0x0];
	s2 =	stileid.u32  }
0x4a: {  	s1 =	rddreg [dreg:$0x1];
	p0 =	sne.s32 s2, $0x0  }
0x4b: {  	s3 =	rddreg [dreg:$0x2];
	[bflag:$0x3] =	sbarrier.arrive $0xFFFF;
	s2 =	simm.s32 @!p0 $0x1C01  }
0x4c: {  	[timem:s3], [sflag:s2] =	dma.local @!p0 [hbm:s0], s1  }
0x4d: {  	s0 =	simm.s32 @!p0 $0x1  }
0x4e: {  	_ =	swait.ge @!p0 [sflag:s0], s1  }
0x4f: {  	s1 =	ssub.s32 @!p0 $0x0, s1;
	[sflag:s0] =	ssyncset.done @!p0 $0x0  }
0x50: {  	[sflag:s0] =	ssyncadd.s32 @!p0 s1  }
0x51: {  	[bflag:$0x3] =	sbarrier.arrive $0xFFFF  }
0x52: {  	_ =	shalt  }

// kernel: kernel.13.cloned.1.call-start
scs
__scs_entry_jumppad:
0x0: {  	(pc) =	sbr.rel $0x88, $3  }
0x1: {  	(tag) =	ssettag $0x0;
	lr =	simm.s32 $0x1  }
0x2: {  	[smem:$0x3F95] =	sst lr;
	_ =	strace $0xD0000000  }
0x3: {  	_ = 	snop  }
0x4: {  	_ = 	snop  }
0x5: {  	_ = 	snop  }
0x6: {  	_ = 	snop  }
0x7: {  	_ = 	snop  }
__scs_overlays_trampoline_lowered:
0x8: {  	[smem:$0x3FA4] =	sst s0  }
0x9: {  	[smem:$0x3FA5] =	sst s1  }
0xa: {  	[smem:$0x3FA6] =	sst s2  }
0xb: {  	[smem:$0x3FA7] =	sst s3  }
0xc: {  	[smem:$0x3FA8] =	sst s4  }
0xd: {  	[smem:$0x3FA9] =	sst s5  }
0xe: {  	[smem:$0x3FAA] =	sst s6  }
0xf: {  	[smem:$0x3FAB] =	sst s7  }
0x10: {  	[smem:$0x3FAC] =	sst s8  }
0x11: {  	[smem:$0x3FAD] =	sst s9;
	s0 =	simm.s32 @!p0 $0x0  }
0x12: {  	s1 =	sld [smem:$0x3F93];
	s0 =	simm.s32 @p0 $0x1  }
0x13: {  	[smem:$0x3FAE] =	sst s0;
	s0 =	simm.s32 @!p1 $0x0  }
0x14: {  	s2 =	sld [smem:$0x3F92];
	s0 =	simm.s32 @p1 $0x1  }
0x15: {  	[smem:$0x3FAF] =	sst s0;
	s0 =	simm.s32 @!p2 $0x0  }
0x16: {  	s3 =	sld [smem:$0x3FDB];
	s0 =	simm.s32 @p2 $0x1  }
0x17: {  	s4 =	simm.s32 $0x1BF5;
	[smem:$0x3FB1] =	sst s0  }
0x18: {  	s0 =	sld [smem:$0x3F94];
	_ =	swait.ge [sflag:s4], $0x0  }
0x19: {  	s7 =	sld [smem:$0x3F95]  }
0x1a: {  	s8 =	sadd.s32 $0xFFFFE003, lr  }
0x1b: {  	s9 =	sadd.s32 $0xFFFFFEF7, lr;
	s5 =	simm.s32 $0xFFFFFFFF;
	p2 =	slt.u32 s8, $0xFFFFF086  }
0x1c: {  	p1 =	slt.u32 s9, $0xF7A;
	s5 =	simm.s32 @!p2 $0x0  }
0x1d: {  	s5 =	simm.s32 @p1 $0x1;
	p0 =	seq.s32 s7, s2  }
0x1e: {  	s7 =	smul.u32 @!p0 $0xF7A, s2;
	p2 =	seq.s32 @!p0 s5, $0x0  }
0x1f: {  	s9 =	smul.u32 $0xF7A, s1;
	s8 =	simm.s32 @!p0 $0x1BF5;
	p2 =	por !p2, p0  }
0x20: {  	[sflag:s8] =	ssyncset.s32 @!p0 $0xFFFFF086;
	s6 =	sadd.s32 @!p0 s3, s7;
	s7 =	simm.s32 @!p0 $0x108  }
0x21: {  	s3 =	sadd.s32 s3, s9;
	s6 =	sadd.s32 @!p0 $0x88, s6;
	s7 =	simm.s32 @p2 $0x1082  }
0x22: {  	[simem:s7], [sflag:s8] =	dma.local @!p0 [hbm:s6], $0xF7A  }
0x23: {  	s9 =	sor.u32 $0xD0000000, s2;
	s6 =	simm.s32 $0x108;
	_ =	swait.ge @!p0 [sflag:s8], $0x0  }
0x24: {  	s3 =	sadd.s32 $0x88, s3;
	s6 =	simm.s32 @!p1 $0x1082;
	[sflag:s4] =	ssyncset.s32 $0xFFFFF086  }
0x25: {  	[simem:s6], [sflag:s4] =	dma.local [hbm:s3], $0xF7A  }
0x26: {  	[smem:$0x3F95] =	sst s1;
	(tag) =	ssettag s2;
	_ =	strace s9  }
0x27: {  	s1 =	sld [smem:$0x3FA5]  }
0x28: {  	s2 =	sld [smem:$0x3FA6]  }
0x29: {  	s4 =	sld [smem:$0x3FA8]  }
0x2a: {  	p0 =	seq.s32 s5, $0x0;
	s5 =	sld [smem:$0x3FA9]  }
0x2b: {  	s6 =	sld [smem:$0x3FAA]  }
0x2c: {  	s7 =	sld [smem:$0x3FAB]  }
0x2d: {  	s3 =	simm.s32 $0x108;
	s8 =	sld [smem:$0x3FAC]  }
0x2e: {  	s3 =	simm.s32 @!p0 $0x1082;
	s9 =	sld [smem:$0x3FAD]  }
0x2f: {  	lr =	sadd.s32 s0, s3;
	s0 =	sld [smem:$0x3FA4]  }
0x30: {  	s3 =	sld [smem:$0x3FA7]  }
0x31: {  	[smem:$0x3FB0] =	sst s10  }
0x32: {  	s10 =	sld [smem:$0x3FAE];
	_ =	sdelay $0x3  }
0x33: {  	p0 =	seq.s32 s10, $0x1;
	s10 =	sld [smem:$0x3FB0];
	_ =	sdelay $0x3  }
0x34: {  	[smem:$0x3FB0] =	sst s10  }
0x35: {  	s10 =	sld [smem:$0x3FAF];
	_ =	sdelay $0x3  }
0x36: {  	p1 =	seq.s32 s10, $0x1;
	s10 =	sld [smem:$0x3FB0];
	_ =	sdelay $0x3  }
0x37: {  	[smem:$0x3FB0] =	sst s10  }
0x38: {  	s10 =	sld [smem:$0x3FB1]  }
0x39: {  	_ = 	snop;
	(pc) =	sbr.ind lr, $3  }
0x3a: {  	_ = 	snop  }
0x3b: {  	_ = 	snop  }
0x3c: {  	p2 =	seq.s32 s10, $0x1;
	s10 =	sld [smem:$0x3FB0]  }
0x3d: {  	_ =	shalt  }
0x3e: {  	_ =	shalt  }
0x3f: {  	_ =	shalt  }
0x40: {  	_ =	shalt  }
0x41: {  	_ =	shalt  }
0x42: {  	_ =	shalt  }
0x43: {  	_ =	shalt  }
0x44: {  	_ =	shalt  }
0x45: {  	_ =	shalt  }
0x46: {  	_ =	shalt  }
0x47: {  	_ =	shalt  }
0x48: {  	_ =	shalt  }
0x49: {  	_ =	shalt  }
0x4a: {  	_ =	shalt  }
0x4b: {  	_ =	shalt  }
0x4c: {  	_ =	shalt  }
0x4d: {  	_ =	shalt  }
0x4e: {  	_ =	shalt  }
0x4f: {  	_ =	shalt  }
0x50: {  	_ =	shalt  }
0x51: {  	_ =	shalt  }
0x52: {  	_ =	shalt  }
0x53: {  	_ =	shalt  }
0x54: {  	_ =	shalt  }
0x55: {  	_ =	shalt  }
0x56: {  	_ =	shalt  }
0x57: {  	_ =	shalt  }
0x58: {  	_ =	shalt  }
0x59: {  	_ =	shalt  }
0x5a: {  	_ =	shalt  }
0x5b: {  	_ =	shalt  }
0x5c: {  	_ =	shalt  }
0x5d: {  	_ =	shalt  }
0x5e: {  	_ =	shalt  }
0x5f: {  	_ =	shalt  }
0x60: {  	_ =	shalt  }
0x61: {  	_ =	shalt  }
0x62: {  	_ =	shalt  }
0x63: {  	_ =	shalt  }
0x64: {  	_ =	shalt  }
0x65: {  	_ =	shalt  }
0x66: {  	_ =	shalt  }
0x67: {  	_ =	shalt  }
0x68: {  	_ =	shalt  }
0x69: {  	_ =	shalt  }
0x6a: {  	_ =	shalt  }
0x6b: {  	_ =	shalt  }
0x6c: {  	_ =	shalt  }
0x6d: {  	_ =	shalt  }
0x6e: {  	_ =	shalt  }
0x6f: {  	_ =	shalt  }
0x70: {  	_ =	shalt  }
0x71: {  	_ =	shalt  }
0x72: {  	_ =	shalt  }
0x73: {  	_ =	shalt  }
0x74: {  	_ =	shalt  }
0x75: {  	_ =	shalt  }
0x76: {  	_ =	shalt  }
0x77: {  	_ =	shalt  }
0x78: {  	_ =	shalt  }
0x79: {  	_ =	shalt  }
0x7a: {  	_ =	shalt  }
0x7b: {  	_ =	shalt  }
0x7c: {  	_ =	shalt  }
0x7d: {  	_ =	shalt  }
0x7e: {  	_ =	shalt  }
0x7f: {  	_ =	shalt  }
0x80: {  	_ =	shalt  }
0x81: {  	_ =	shalt  }
0x82: {  	_ =	shalt  }
0x83: {  	_ =	shalt  }
0x84: {  	_ =	shalt  }
0x85: {  	_ =	shalt  }
0x86: {  	_ =	shalt  }
0x87: {  	_ =	shalt  }
.Lfunc_end0:
.L_simem_size_0:
called_computation.1_lowered:
.L_overlay_start_0:
0x88: {  	s2 =	sld [smem:$0x3FD9]  }
0x89: {  	s3 =	sld [smem:$0x3FFE];
	_ =	sdelay $0x1  }
0x8a: {  	s1 =	srdreg.scid  }
0x8b: {  	s0 =	sand.u32 $0x1, s1  }
0x8c: {  	s17 =	sshll.u32 s0, $0xA;
	s2 =	sadd.s32 s3, s2  }
0x8d: {  	s2 =	sadd.s32 s2, s17  }
0x8e: {  	[smem:$0x3FBC] =	sst s2  }
0x8f: {  	_ = 	snop  }
0x90: {  	s2 =	sld [smem:$0x3FD0];
	(tm) =	ssettm $0x1  }
0x91: {  	s18 =	sld [smem:$0x3FFB];
	_ =	sdelay $0x3  }
0x92: {  	_ =	strace s18  }
0x93: {  	s3 =	sld [smem:$0x3FFC];
	_ =	sdelay $0x3  }
0x94: {  	_ =	strace s3  }
0x95: {  	s3 =	sld [smem:$0x3FFD];
	_ =	sdelay $0x3  }
0x96: {  	_ =	strace s3  }
0x97: {  	_ =	strace $0x8FFFFFFF  }
0x98: {  	s19 =	sld [smem:$0x3FDB];
	_ =	sdelay $0x1  }
0x99: {  	s4 =	simm.s32 $_scs_section_size  }
0x9a: {  	s5 =	simm.s32 $_size__tile_overlayer_lowered;
	s6 =	simm.s32 $_tile_overlayer_lowered  }
0x9b: {  	s22 =	simm.s32 $0x1BFF;
	s21 =	sshll.u32 s6, $0x1;
	s3 =	sadd.s32 s4, s19  }
0x9c: {  	s7 =	simm.s32 $0x0;
	s20 =	sshll.u32 s5, $0x1;
	s5 =	sadd.s32 s21, s3  }
0x9d: {  	[timem:s7], [sflag:s22] =	dma.local [hbm:s5], s20  }
0x9e: {  	_ =	swait.ge [sflag:s22], s20  }
0x9f: {  	s4 =	ssub.s32 $0x0, s20;
	[sflag:s22] =	ssyncset.done $0x0  }
0xa0: {  	[sflag:s22] =	ssyncadd.s32 s4;
	_ =	sdelay $0x1  }
0xa1: {  	s23 =	simm.s32 $0x1B8B  }
0xa2: {  	_ =	swait.ge [sflag:s23], $0x1  }
0xa3: {  	[sflag:s23] =	ssyncset.done $0x0  }
0xa4: {  	s25 =	simm.s32 $0x1B8E;
	s24 =	sld [smem:$0x3FFE];
	[sflag:s23] =	ssyncadd.s32 $0xFFFFFFFF  }
0xa5: {  	s26 =	simm.s32 $execute0_lowered;
	[smem:$0x3FD2] =	sst s25  }
0xa6: {  	s5 =	sshll.u32 s26, $0x1;
	_ =	strace $0x80000049;
	[dreg:$0x1] =	wrdreg $0xFFFFFFFF  }
0xa7: {  	s28 =	simm.s32 $_size_execute0_lowered;
	s3 =	sadd.s32 s3, s5;
	[dreg:$0x0] =	wrdreg $0x0  }
0xa8: {  	s5 =	sshll.u32 s28, $0x1;
	[dreg:$0x2] =	wrdreg s3  }
0xa9: {  	[dreg:$0x3] =	wrdreg s5  }
0xaa: {  	[dreg:$0x4] =	wrdreg $0xC0  }
0xab: {  	_ =	task [dreg:s7], $0x5FFFF  }
0xac: {  	[dreg:$0x1] =	wrdreg $0xFFFFFFFF  }
0xad: {  	[dreg:$0x0] =	wrdreg $0x60  }
0xae: {  	[dreg:$0x2] =	wrdreg s24  }
0xaf: {  	[dreg:$0x3] =	wrdreg s2  }
0xb0: {  	[dreg:$0x4] =	wrdreg $0xD8000  }
0xb1: {  	[dreg:$0x5] =	wrdreg $0x9  }
0xb2: {  	_ =	task.clear_ibuf [dreg:s7], $0x6FFFF;
	_ =	strace $0x90000049  }
0xb3: {  	s29 =	simm.s32 $0x9;
	_ =	strace $0x8000004B  }
0xb4: {  	_ =	swait.ge [sflag:s29], $0x1  }
0xb5: {  	[sflag:s29] =	ssyncadd.s32 $0xFFFFFFFF  }
0xb6: {  	_ =	strace $0x9000004B  }
0xb7: {  	_ =	sfence  }
0xb8: {  	s30 =	sld [smem:$0x0];
	_ =	sdelay $0x2  }
0xb9: {  	s31 =	sshll.u32 s1, $0xD;
	s1 =	sshrl.u32 s1, $0x2  }
0xba: {  	s3 =	sand.u32 $0x4000, s31;
	s1 =	sadd.s32 s1, s30  }
0xbb: {  	s0 =	sor.u32 s3, s0;
	s1 =	sshll.u32 s1, $0x11  }
0xbc: {  	s0 =	sor.u32 s1, s0  }
0xbd: {  	s0 =	sadd.s32 $0x8F2B, s0  }
0xbe: {  	[sflag:s0] =	ssyncadd.remote.s32 $0x1  }
0xbf: {  	_ =	sfence.sel $0xFFFF  }
0xc0: {  	[dreg:$0x0] =	wrdreg $0xFFFFFFFF;
	(pc) =	sbr.abs _section_cstart, $3  }
0xc1: {  	[dreg:$0x1] =	wrdreg $0xFFFFFFFF  }
0xc2: {  	_ =	task.clear_ibuf [dreg:s7], $0x2FFFF;
	_ =	strace $0x9FFFFFFF  }
0xc3: {  	(tm) =	ssettm $0x7FFFFFFF  }
tec
execute0_lowered:
.L_overlay_start_1:
0x0: {  	(tag) =	ssettag $0x1  }
0x1: {  	s0 =	srdreg.scid;
	s6 =	rddreg [dreg:$0x0]  }
0x2: {  	s29 =	stileid.u32;
	s8 =	rddreg [dreg:$0x1]  }
0x3: {  	s2 =	rddreg [dreg:$0x2];
	s3 =	simm.s32 $0x0;
	s17 =	simm.s32 $0x3  }
0x4: {  	s19 =	simm.s32 $0x5000;
	s20 =	simm.s32 $0x7800;
	s21 =	simm.s32 $0x80  }
0x5: {  	s22 =	simm.s32 $0x9800;
	s23 =	simm.s32 $0xB800;
	s24 =	simm.s32 $0x1  }
0x6: {  	s25 =	simm.s32 $0x2;
	s26 =	simm.s32 $0x0;
	s10 =	smul.u32 $0xA000, s29  }
0x7: {  	s5 =	sand.u32 $0x1, s0;
	[smem:$0x7FF] =	sst s3;
	s13 =	smul.u32 $0x28000, s29  }
0x8: {  	s4 =	sadd.s32 $0x4200, s6;
	s1 =	sshll.u32 s5, $0x4;
	s7 =	smul.u32 $0x140000, s5  }
0x9: {  	_ =	strace $0x8000004A;
	s12 =	ssub.s32 $0x2, s5;
	s5 =	sadd.s32 $0x2C200, s6  }
0xa: {  	s1 =	sor.u32 s29, s1;
	s30 =	sshrl.u32 s12, $0x1;
	s31 =	sshrl.u32 s13, $0x2  }
0xb: {  	s9 =	smul.u32 $0x500, s1;
	s7 =	sadd.s32 s10, s7;
	s13 =	sadd.s32 s31, s2  }
0xc: {  	s16 =	ssub.s32 s12, s30;
	s7 =	sshrl.u32 s7, $0x3;
	s12 =	sadd.s32 $0x6000, s13  }
0xd: {  	s16 =	smax.u32 s16, $0x1;
	s11 =	sadd.s32 s9, s6;
	s15 =	sadd.s32 s7, s6  }
0xe: {  	s8 =	sadd.s32 s8, s9;
	s9 =	sadd.s32 s10, s2;
	s10 =	sadd.s32 $0x2000, s13  }
0xf: {  	s6 =	sadd.s32 $0x5F200, s11;
	s7 =	sadd.s32 $0x55200, s11;
	s11 =	sadd.s32 $0x4000, s13  }
0x10: {  	s13 =	sadd.s32 $0x8000, s13;
	s14 =	sadd.s32 $0x69200, s15;
	s15 =	sadd.s32 $0x7D200, s15  }
.LBB2_1:
0x11: {  	[tilespmem:s3], [sflag:$0x3] =	stream.linear.gather [hbm4b:s6+s3], $0x2800, $0x38;
	[tilespmem:$0x17800] =	vst v63  }
0x12: {  	_ =	swait.ge [sflag:s17], $0x2800  }
0x13: {  	[sflag:s17] =	ssyncset.done $0x0  }
0x14: {  	s0 =	simm.s32 $0x2800;
	[sflag:s17] =	ssyncadd.s32 $0xFFFFD800  }
0x15: {  	[tilespmem:s0], [sflag:$0x3] =	stream.linear.gather [hbm4b:s7+s3], $0x2800, $0x38;
	[tilespmem:$0x17800] =	vst v63  }
0x16: {  	_ =	swait.ge [sflag:s17], $0x2800  }
0x17: {  	[sflag:s17] =	ssyncset.done $0x0  }
0x18: {  	[sflag:s17] =	ssyncadd.s32 $0xFFFFD800  }
0x19: {  	[tilespmem:s19], [sflag:$0x3] =	stream.linear.gather [hbm4b:s8+s3], $0x2800, $0x38;
	[tilespmem:$0x17800] =	vst v63  }
0x1a: {  	_ =	swait.ge [sflag:s17], $0x2800  }
0x1b: {  	[sflag:s17] =	ssyncset.done $0x0  }
0x1c: {  	[sflag:s17] =	ssyncadd.s32 $0xFFFFD800  }
0x1d: {  	[tilespmem:s20], [sflag:$0x3] =	stream.linear.gather [hbm4b:s5+s3], $0x2000, $0x38;
	[tilespmem:$0x17800] =	vst v63  }
0x1e: {  	_ =	swait.ge [sflag:s17], $0x2000  }
0x1f: {  	[sflag:s17] =	ssyncset.done $0x0  }
0x20: {  	[sflag:s17] =	ssyncadd.s32 $0xFFFFE000  }
0x21: {  	[spmem:s9] =	stream.linear.scatter [tilespmem:s20], [sflag:$0x3], $0x2000, $0x38;
	[tilespmem:$0x17800] =	vst v63  }
0x22: {  	_ =	swait.ge [sflag:s17], $0x2000  }
0x23: {  	[sflag:s17] =	ssyncset.done $0x0  }
0x24: {  	[sflag:s17] =	ssyncadd.s32 $0xFFFFE000  }
0x25: {  	[spmem:s10] =	stream.linear.scatter [tilespmem:s20], [sflag:$0x3], $0x2000, $0x38;
	[tilespmem:$0x17800] =	vst v63  }
0x26: {  	_ =	swait.ge [sflag:s17], $0x2000  }
0x27: {  	[sflag:s17] =	ssyncset.done $0x0  }
0x28: {  	[sflag:s17] =	ssyncadd.s32 $0xFFFFE000  }
0x29: {  	[spmem:s11] =	stream.linear.scatter [tilespmem:s20], [sflag:$0x3], $0x2000, $0x38;
	[tilespmem:$0x17800] =	vst v63  }
0x2a: {  	_ =	swait.ge [sflag:s17], $0x2000  }
0x2b: {  	[sflag:s17] =	ssyncset.done $0x0  }
0x2c: {  	[sflag:s17] =	ssyncadd.s32 $0xFFFFE000  }
0x2d: {  	[spmem:s12] =	stream.linear.scatter [tilespmem:s20], [sflag:$0x3], $0x2000, $0x38;
	[tilespmem:$0x17800] =	vst v63  }
0x2e: {  	_ =	swait.ge [sflag:s17], $0x2000  }
0x2f: {  	[sflag:s17] =	ssyncset.done $0x0  }
0x30: {  	[sflag:s17] =	ssyncadd.s32 $0xFFFFE000  }
0x31: {  	[spmem:s13] =	stream.linear.scatter [tilespmem:s20], [sflag:$0x3], $0x2000, $0x38;
	[tilespmem:$0x17800] =	vst v63  }
0x32: {  	_ =	swait.ge [sflag:s17], $0x2000  }
0x33: {  	[sflag:s17] =	ssyncset.done $0x0  }
0x34: {  	[sflag:s17] =	ssyncadd.s32 $0xFFFFE000  }
0x35: {  	s28 =	simm.s32 $0x0;
	[bflag:$0x0] =	sbarrier.arrive $0xFFFF  }
0x36: {  	[tilespmem:s22], [sflag:$0x1] =	stream.indirect.gather [hbm4b:s4+s21], $0x40, s28, s21, $0xb8;
	[tilespmem:$0x17800] =	vst v63  }
0x37: {  	s28 =	simm.s32 $0x80  }
0x38: {  	[tilespmem:s23], [sflag:$0x2] =	stream.indirect.gather [hbm4b:s4+s21], $0x40, s28, s21, $0xb8;
	[tilespmem:$0x17800] =	vst v63  }
0x39: {  	_ =	swait.ge [sflag:s24], $0x2000  }
0x3a: {  	[sflag:s24] =	ssyncset.done $0x0  }
0x3b: {  	s28 =	simm.s32 $0x5000;
	[sflag:s24] =	ssyncadd.s32 $0xFFFFE000  }
0x3c: {  	[spmem:s2] =	stream.indirect.scatter.add.f32 [tilespmem:s22], [sflag:$0x3], $0x40, s28, s21, $0xb8;
	[tilespmem:$0x17800] =	vst v63  }
0x3d: {  	_ =	swait.ge [sflag:s17], $0x2000  }
0x3e: {  	[sflag:s17] =	ssyncset.done $0x0  }
0x3f: {  	[sflag:s17] =	ssyncadd.s32 $0xFFFFE000  }
0x40: {  	_ =	swait.ge [sflag:s25], $0x2000  }
0x41: {  	[sflag:s25] =	ssyncset.done $0x0  }
0x42: {  	s28 =	simm.s32 $0x5080;
	[sflag:s25] =	ssyncadd.s32 $0xFFFFE000  }
0x43: {  	[spmem:s2] =	stream.indirect.scatter.add.f32 [tilespmem:s23], [sflag:$0x3], $0x40, s28, s21, $0xb8;
	[tilespmem:$0x17800] =	vst v63  }
0x44: {  	_ =	swait.ge [sflag:s17], $0x2000  }
0x45: {  	s29 =	simm.s32 $0x800;
	s28 =	simm.s32 $0x400;
	[sflag:s17] =	ssyncset.done $0x0  }
.LBB2_2:
0x46: {  	s30 =	sshra.s32 s28, $0x2  }
0x47: {  	[sflag:s17] =	ssyncadd.s32 $0xFFFFE000;
	s28 =	smov.u32 s29;
	s31 =	sadd.s32 $0x400, s29  }
0x48: {  	[tilespmem:s22], [sflag:$0x1] =	stream.indirect.gather [hbm4b:s4+s21], $0x40, s30, s21, $0xb8;
	[tilespmem:$0x17800] =	vst v63  }
0x49: {  	p0 =	sne.s32 s29, $0x9C00;
	s29 =	sadd.s32 $0x80, s30  }
0x4a: {  	[tilespmem:s23], [sflag:$0x2] =	stream.indirect.gather [hbm4b:s4+s21], $0x40, s29, s21, $0xb8;
	[tilespmem:$0x17800] =	vst v63  }
0x4b: {  	_ =	swait.ge [sflag:s24], $0x2000  }
0x4c: {  	[sflag:s24] =	ssyncset.done $0x0  }
0x4d: {  	s29 =	sadd.s32 $0x5000, s30;
	[sflag:s24] =	ssyncadd.s32 $0xFFFFE000  }
0x4e: {  	[spmem:s2] =	stream.indirect.scatter.add.f32 [tilespmem:s22], [sflag:$0x3], $0x40, s29, s21, $0xb8;
	[tilespmem:$0x17800] =	vst v63  }
0x4f: {  	_ =	swait.ge [sflag:s17], $0x2000  }
0x50: {  	[sflag:s17] =	ssyncset.done $0x0  }
0x51: {  	[sflag:s17] =	ssyncadd.s32 $0xFFFFE000  }
0x52: {  	_ =	swait.ge [sflag:s25], $0x2000  }
.Ltmp0:
0x53: {  	[sflag:s25] =	ssyncset.done $0x0;
	(pc) =	sbr.rel @p0 .LBB2_2-.Ltmp0, $4  }
0x54: {  	s29 =	sadd.s32 $0x5080, s30;
	[sflag:s25] =	ssyncadd.s32 $0xFFFFE000  }
0x55: {  	[spmem:s2] =	stream.indirect.scatter.add.f32 [tilespmem:s23], [sflag:$0x3], $0x40, s29, s21, $0xb8;
	[tilespmem:$0x17800] =	vst v63  }
0x56: {  	_ =	swait.ge [sflag:s17], $0x2000  }
0x57: {  	s29 =	smov.u32 s31;
	[sflag:s17] =	ssyncset.done $0x0  }
0x58: {  	s28 =	sshra.s32 s28, $0x2;
	[sflag:s17] =	ssyncadd.s32 $0xFFFFE000  }
0x59: {  	[tilespmem:s22], [sflag:$0x1] =	stream.indirect.gather [hbm4b:s4+s21], $0x40, s28, s21, $0xb8;
	[tilespmem:$0x17800] =	vst v63  }
0x5a: {  	s29 =	sadd.s32 $0x80, s28  }
0x5b: {  	[tilespmem:s23], [sflag:$0x2] =	stream.indirect.gather [hbm4b:s4+s21], $0x40, s29, s21, $0xb8;
	[tilespmem:$0x17800] =	vst v63  }
0x5c: {  	_ =	swait.ge [sflag:s24], $0x2000  }
0x5d: {  	[sflag:s24] =	ssyncset.done $0x0  }
0x5e: {  	s29 =	sadd.s32 $0x5000, s28;
	[sflag:s24] =	ssyncadd.s32 $0xFFFFE000  }
0x5f: {  	[spmem:s2] =	stream.indirect.scatter.add.f32 [tilespmem:s22], [sflag:$0x3], $0x40, s29, s21, $0xb8;
	[tilespmem:$0x17800] =	vst v63  }
0x60: {  	_ =	swait.ge [sflag:s17], $0x2000  }
0x61: {  	[sflag:s17] =	ssyncset.done $0x0  }
0x62: {  	[sflag:s17] =	ssyncadd.s32 $0xFFFFE000  }
0x63: {  	_ =	swait.ge [sflag:s25], $0x2000  }
0x64: {  	[sflag:s25] =	ssyncset.done $0x0  }
0x65: {  	s28 =	sadd.s32 $0x5080, s28;
	[sflag:s25] =	ssyncadd.s32 $0xFFFFE000  }
0x66: {  	[spmem:s2] =	stream.indirect.scatter.add.f32 [tilespmem:s23], [sflag:$0x3], $0x40, s28, s21, $0xb8;
	[tilespmem:$0x17800] =	vst v63  }
0x67: {  	_ =	swait.ge [sflag:s17], $0x2000  }
0x68: {  	s0 =	stileid.u32;
	[sflag:s17] =	ssyncset.done $0x0  }
0x69: {  	s28 =	sshll.u32 s0, $0x6;
	[sflag:s17] =	ssyncadd.s32 $0xFFFFE000  }
0x6a: {  	s29 =	sshrl.u32 s9, $0x3;
	s28 =	sor.u32 $0x1C03, s28;
	[bflag:$0x0] =	sbarrier.arrive $0xFFFF  }
0x6b: {  	[hbm:s14], [sflag:s28] =	dma.local [spmem:s29], $0x1400  }
0x6c: {  	_ =	swait.ge [sflag:s17], $0x1400  }
0x6d: {  	[sflag:s17] =	ssyncset.done $0x0  }
0x6e: {  	[sflag:s17] =	ssyncadd.s32 $0xFFFFEC00  }
0x6f: {  	[spmem:s9] =	stream.linear.scatter [tilespmem:s20], [sflag:$0x3], $0x2000, $0x38;
	[tilespmem:$0x17800] =	vst v63  }
0x70: {  	_ =	swait.ge [sflag:s17], $0x2000  }
0x71: {  	[sflag:s17] =	ssyncset.done $0x0  }
0x72: {  	[sflag:s17] =	ssyncadd.s32 $0xFFFFE000  }
0x73: {  	[spmem:s10] =	stream.linear.scatter [tilespmem:s20], [sflag:$0x3], $0x2000, $0x38;
	[tilespmem:$0x17800] =	vst v63  }
0x74: {  	_ =	swait.ge [sflag:s17], $0x2000  }
0x75: {  	[sflag:s17] =	ssyncset.done $0x0  }
0x76: {  	[sflag:s17] =	ssyncadd.s32 $0xFFFFE000  }
0x77: {  	[spmem:s11] =	stream.linear.scatter [tilespmem:s20], [sflag:$0x3], $0x2000, $0x38;
	[tilespmem:$0x17800] =	vst v63  }
0x78: {  	_ =	swait.ge [sflag:s17], $0x2000  }
0x79: {  	[sflag:s17] =	ssyncset.done $0x0  }
0x7a: {  	[sflag:s17] =	ssyncadd.s32 $0xFFFFE000  }
0x7b: {  	[spmem:s12] =	stream.linear.scatter [tilespmem:s20], [sflag:$0x3], $0x2000, $0x38;
	[tilespmem:$0x17800] =	vst v63  }
0x7c: {  	_ =	swait.ge [sflag:s17], $0x2000  }
0x7d: {  	[sflag:s17] =	ssyncset.done $0x0  }
0x7e: {  	[sflag:s17] =	ssyncadd.s32 $0xFFFFE000  }
0x7f: {  	[spmem:s13] =	stream.linear.scatter [tilespmem:s20], [sflag:$0x3], $0x2000, $0x38;
	[tilespmem:$0x17800] =	vst v63  }
0x80: {  	_ =	swait.ge [sflag:s17], $0x2000  }
0x81: {  	[sflag:s17] =	ssyncset.done $0x0  }
0x82: {  	[sflag:s17] =	ssyncadd.s32 $0xFFFFE000  }
0x83: {  	s30 =	simm.s32 $0x2800;
	[bflag:$0x0] =	sbarrier.arrive $0xFFFF  }
0x84: {  	[tilespmem:s22], [sflag:$0x1] =	stream.indirect.gather [hbm4b:s4+s21], $0x40, s30, s21, $0xb8;
	[tilespmem:$0x17800] =	vst v63  }
0x85: {  	s30 =	simm.s32 $0x2880  }
0x86: {  	[tilespmem:s23], [sflag:$0x2] =	stream.indirect.gather [hbm4b:s4+s21], $0x40, s30, s21, $0xb8;
	[tilespmem:$0x17800] =	vst v63  }
0x87: {  	_ =	swait.ge [sflag:s24], $0x2000  }
0x88: {  	[sflag:s24] =	ssyncset.done $0x0  }
0x89: {  	s30 =	simm.s32 $0x5000;
	[sflag:s24] =	ssyncadd.s32 $0xFFFFE000  }
0x8a: {  	[spmem:s2] =	stream.indirect.scatter.add.f32 [tilespmem:s22], [sflag:$0x3], $0x40, s30, s21, $0xb8;
	[tilespmem:$0x17800] =	vst v63  }
0x8b: {  	_ =	swait.ge [sflag:s17], $0x2000  }
0x8c: {  	[sflag:s17] =	ssyncset.done $0x0  }
0x8d: {  	[sflag:s17] =	ssyncadd.s32 $0xFFFFE000  }
0x8e: {  	_ =	swait.ge [sflag:s25], $0x2000  }
0x8f: {  	[sflag:s25] =	ssyncset.done $0x0  }
0x90: {  	s30 =	simm.s32 $0x5080;
	[sflag:s25] =	ssyncadd.s32 $0xFFFFE000  }
0x91: {  	[spmem:s2] =	stream.indirect.scatter.add.f32 [tilespmem:s23], [sflag:$0x3], $0x40, s30, s21, $0xb8;
	[tilespmem:$0x17800] =	vst v63  }
0x92: {  	_ =	swait.ge [sflag:s17], $0x2000  }
0x93: {  	s31 =	simm.s32 $0x800;
	s30 =	simm.s32 $0x100;
	[sflag:s17] =	ssyncset.done $0x0  }
.LBB2_4:
0x94: {  	s1 =	sadd.s32 $0x2800, s30  }
0x95: {  	[sflag:s17] =	ssyncadd.s32 $0xFFFFE000;
	s0 =	smov.u32 s31;
	s18 =	sadd.s32 $0x400, s31  }
0x96: {  	[tilespmem:s22], [sflag:$0x1] =	stream.indirect.gather [hbm4b:s4+s21], $0x40, s1, s21, $0xb8;
	[tilespmem:$0x17800] =	vst v63  }
0x97: {  	p0 =	sne.s32 s31, $0x9C00;
	s1 =	sadd.s32 $0x2880, s30  }
0x98: {  	[tilespmem:s23], [sflag:$0x2] =	stream.indirect.gather [hbm4b:s4+s21], $0x40, s1, s21, $0xb8;
	[tilespmem:$0x17800] =	vst v63  }
0x99: {  	_ =	swait.ge [sflag:s24], $0x2000  }
0x9a: {  	[sflag:s24] =	ssyncset.done $0x0  }
0x9b: {  	s1 =	sadd.s32 $0x5000, s30;
	[sflag:s24] =	ssyncadd.s32 $0xFFFFE000  }
0x9c: {  	[spmem:s2] =	stream.indirect.scatter.add.f32 [tilespmem:s22], [sflag:$0x3], $0x40, s1, s21, $0xb8;
	[tilespmem:$0x17800] =	vst v63  }
0x9d: {  	_ =	swait.ge [sflag:s17], $0x2000  }
0x9e: {  	[sflag:s17] =	ssyncset.done $0x0  }
0x9f: {  	[sflag:s17] =	ssyncadd.s32 $0xFFFFE000  }
0xa0: {  	_ =	swait.ge [sflag:s25], $0x2000  }
.Ltmp1:
0xa1: {  	[sflag:s25] =	ssyncset.done $0x0;
	(pc) =	sbr.rel @p0 .LBB2_4-.Ltmp1, $4  }
0xa2: {  	s1 =	sadd.s32 $0x5080, s30;
	[sflag:s25] =	ssyncadd.s32 $0xFFFFE000  }
0xa3: {  	[spmem:s2] =	stream.indirect.scatter.add.f32 [tilespmem:s23], [sflag:$0x3], $0x40, s1, s21, $0xb8;
	[tilespmem:$0x17800] =	vst v63  }
0xa4: {  	_ =	swait.ge [sflag:s17], $0x2000  }
0xa5: {  	s31 =	smov.u32 s18;
	s30 =	sshra.s32 s0, $0x2;
	[sflag:s17] =	ssyncset.done $0x0  }
0xa6: {  	s0 =	sadd.s32 $0x2800, s30;
	[sflag:s17] =	ssyncadd.s32 $0xFFFFE000  }
0xa7: {  	[tilespmem:s22], [sflag:$0x1] =	stream.indirect.gather [hbm4b:s4+s21], $0x40, s0, s21, $0xb8;
	[tilespmem:$0x17800] =	vst v63  }
0xa8: {  	s1 =	sadd.s32 $0x2880, s30  }
0xa9: {  	[tilespmem:s23], [sflag:$0x2] =	stream.indirect.gather [hbm4b:s4+s21], $0x40, s1, s21, $0xb8;
	[tilespmem:$0x17800] =	vst v63  }
0xaa: {  	_ =	swait.ge [sflag:s24], $0x2000  }
0xab: {  	[sflag:s24] =	ssyncset.done $0x0  }
0xac: {  	s18 =	sadd.s32 $0x5000, s30;
	[sflag:s24] =	ssyncadd.s32 $0xFFFFE000  }
0xad: {  	[spmem:s2] =	stream.indirect.scatter.add.f32 [tilespmem:s22], [sflag:$0x3], $0x40, s18, s21, $0xb8;
	[tilespmem:$0x17800] =	vst v63  }
0xae: {  	_ =	swait.ge [sflag:s17], $0x2000  }
0xaf: {  	[sflag:s17] =	ssyncset.done $0x0  }
0xb0: {  	[sflag:s17] =	ssyncadd.s32 $0xFFFFE000  }
0xb1: {  	_ =	swait.ge [sflag:s25], $0x2000  }
0xb2: {  	[sflag:s25] =	ssyncset.done $0x0  }
0xb3: {  	s31 =	sadd.s32 $0x5080, s30;
	[sflag:s25] =	ssyncadd.s32 $0xFFFFE000  }
0xb4: {  	[spmem:s2] =	stream.indirect.scatter.add.f32 [tilespmem:s23], [sflag:$0x3], $0x40, s31, s21, $0xb8;
	[tilespmem:$0x17800] =	vst v63  }
0xb5: {  	_ =	swait.ge [sflag:s17], $0x2000  }
0xb6: {  	s26 =	sadd.s32 $0x1, s26;
	[sflag:s17] =	ssyncset.done $0x0  }
0xb7: {  	p0 =	sne.s32 s26, s16;
	[sflag:s17] =	ssyncadd.s32 $0xFFFFE000  }
.Ltmp2:
0xb8: {  	[bflag:$0x0] =	sbarrier.arrive $0xFFFF;
	(pc) =	sbr.rel @p0 .LBB2_1-.Ltmp2, $4  }
0xb9: {  	[hbm:s15], [sflag:s28] =	dma.local [spmem:s29], $0x1400  }
0xba: {  	_ =	swait.ge [sflag:s17], $0x1400  }
0xbb: {  	[sflag:s17] =	ssyncset.done $0x0  }
0xbc: {  	[sflag:s17] =	ssyncadd.s32 $0xFFFFEC00  }
0xbd: {  	_ =	sfence.sel $0x180000  }
0xbe: {  	[bflag:$0x0] =	sbarrier.arrive $0xFFFF  }
0xbf: {  	_ =	strace $0x9000004A  }
0xc0: {  	s0 =	stileid.u32;
	[bflag:$0x2] =	sbarrier.arrive $0xFFFF  }
0xc1: {  	p0 =	sne.s32 s0, $0x0;
	s0 =	rddreg [dreg:$0x3]  }
0xc2: {  	s0 =	sadd.s32 @!p0 $0x100000, s0  }
0xc3: {  	[sflag:s0] =	ssyncadd.tile.s32 @!p0 $0x1;
	_ =	shalt  }
.Lfunc_end2:
_tile_overlayer_lowered:
.L_overlay_start_2:
0xc4: {  	(tag) =	ssettag $0x2  }
0xc5: {  	s0 =	rddreg [dreg:$0x0];
	s2 =	stileid.u32  }
0xc6: {  	s1 =	rddreg [dreg:$0x1];
	p0 =	sne.s32 s2, $0x0  }
0xc7: {  	s3 =	rddreg [dreg:$0x2];
	[bflag:$0x3] =	sbarrier.arrive $0xFFFF;
	s2 =	simm.s32 @!p0 $0x1C03  }
0xc8: {  	[timem:s3], [sflag:s2] =	dma.local @!p0 [hbm:s0], s1  }
0xc9: {  	s0 =	simm.s32 @!p0 $0x3  }
0xca: {  	_ =	swait.ge @!p0 [sflag:s0], s1  }
0xcb: {  	s1 =	ssub.s32 @!p0 $0x0, s1;
	[sflag:s0] =	ssyncset.done @!p0 $0x0  }
0xcc: {  	[sflag:s0] =	ssyncadd.s32 @!p0 s1  }
0xcd: {  	[bflag:$0x3] =	sbarrier.arrive $0xFFFF  }
0xce: {  	_ =	shalt  }

// kernel: kernel.16.cloned.1.call-start
scs
__scs_entry_jumppad:
0x0: {  	(pc) =	sbr.rel $0x88, $3  }
0x1: {  	(tag) =	ssettag $0x0;
	lr =	simm.s32 $0x1  }
0x2: {  	[smem:$0x3F95] =	sst lr;
	_ =	strace $0xD0000000  }
0x3: {  	_ = 	snop  }
0x4: {  	_ = 	snop  }
0x5: {  	_ = 	snop  }
0x6: {  	_ = 	snop  }
0x7: {  	_ = 	snop  }
__scs_overlays_trampoline_lowered:
0x8: {  	[smem:$0x3FA4] =	sst s0  }
0x9: {  	[smem:$0x3FA5] =	sst s1  }
0xa: {  	[smem:$0x3FA6] =	sst s2  }
0xb: {  	[smem:$0x3FA7] =	sst s3  }
0xc: {  	[smem:$0x3FA8] =	sst s4  }
0xd: {  	[smem:$0x3FA9] =	sst s5  }
0xe: {  	[smem:$0x3FAA] =	sst s6  }
0xf: {  	[smem:$0x3FAB] =	sst s7  }
0x10: {  	[smem:$0x3FAC] =	sst s8  }
0x11: {  	[smem:$0x3FAD] =	sst s9;
	s0 =	simm.s32 @!p0 $0x0  }
0x12: {  	s1 =	sld [smem:$0x3F93];
	s0 =	simm.s32 @p0 $0x1  }
0x13: {  	[smem:$0x3FAE] =	sst s0;
	s0 =	simm.s32 @!p1 $0x0  }
0x14: {  	s2 =	sld [smem:$0x3F92];
	s0 =	simm.s32 @p1 $0x1  }
0x15: {  	[smem:$0x3FAF] =	sst s0;
	s0 =	simm.s32 @!p2 $0x0  }
0x16: {  	s3 =	sld [smem:$0x3FDB];
	s0 =	simm.s32 @p2 $0x1  }
0x17: {  	s4 =	simm.s32 $0x1BF5;
	[smem:$0x3FB1] =	sst s0  }
0x18: {  	s0 =	sld [smem:$0x3F94];
	_ =	swait.ge [sflag:s4], $0x0  }
0x19: {  	s7 =	sld [smem:$0x3F95]  }
0x1a: {  	s8 =	sadd.s32 $0xFFFFE003, lr  }
0x1b: {  	s9 =	sadd.s32 $0xFFFFFEF7, lr;
	s5 =	simm.s32 $0xFFFFFFFF;
	p2 =	slt.u32 s8, $0xFFFFF086  }
0x1c: {  	p1 =	slt.u32 s9, $0xF7A;
	s5 =	simm.s32 @!p2 $0x0  }
0x1d: {  	s5 =	simm.s32 @p1 $0x1;
	p0 =	seq.s32 s7, s2  }
0x1e: {  	s7 =	smul.u32 @!p0 $0xF7A, s2;
	p2 =	seq.s32 @!p0 s5, $0x0  }
0x1f: {  	s9 =	smul.u32 $0xF7A, s1;
	s8 =	simm.s32 @!p0 $0x1BF5;
	p2 =	por !p2, p0  }
0x20: {  	[sflag:s8] =	ssyncset.s32 @!p0 $0xFFFFF086;
	s6 =	sadd.s32 @!p0 s3, s7;
	s7 =	simm.s32 @!p0 $0x108  }
0x21: {  	s3 =	sadd.s32 s3, s9;
	s6 =	sadd.s32 @!p0 $0x88, s6;
	s7 =	simm.s32 @p2 $0x1082  }
0x22: {  	[simem:s7], [sflag:s8] =	dma.local @!p0 [hbm:s6], $0xF7A  }
0x23: {  	s9 =	sor.u32 $0xD0000000, s2;
	s6 =	simm.s32 $0x108;
	_ =	swait.ge @!p0 [sflag:s8], $0x0  }
0x24: {  	s3 =	sadd.s32 $0x88, s3;
	s6 =	simm.s32 @!p1 $0x1082;
	[sflag:s4] =	ssyncset.s32 $0xFFFFF086  }
0x25: {  	[simem:s6], [sflag:s4] =	dma.local [hbm:s3], $0xF7A  }
0x26: {  	[smem:$0x3F95] =	sst s1;
	(tag) =	ssettag s2;
	_ =	strace s9  }
0x27: {  	s1 =	sld [smem:$0x3FA5]  }
0x28: {  	s2 =	sld [smem:$0x3FA6]  }
0x29: {  	s4 =	sld [smem:$0x3FA8]  }
0x2a: {  	p0 =	seq.s32 s5, $0x0;
	s5 =	sld [smem:$0x3FA9]  }
0x2b: {  	s6 =	sld [smem:$0x3FAA]  }
0x2c: {  	s7 =	sld [smem:$0x3FAB]  }
0x2d: {  	s3 =	simm.s32 $0x108;
	s8 =	sld [smem:$0x3FAC]  }
0x2e: {  	s3 =	simm.s32 @!p0 $0x1082;
	s9 =	sld [smem:$0x3FAD]  }
0x2f: {  	lr =	sadd.s32 s0, s3;
	s0 =	sld [smem:$0x3FA4]  }
0x30: {  	s3 =	sld [smem:$0x3FA7]  }
0x31: {  	[smem:$0x3FB0] =	sst s10  }
0x32: {  	s10 =	sld [smem:$0x3FAE];
	_ =	sdelay $0x3  }
0x33: {  	p0 =	seq.s32 s10, $0x1;
	s10 =	sld [smem:$0x3FB0];
	_ =	sdelay $0x3  }
0x34: {  	[smem:$0x3FB0] =	sst s10  }
0x35: {  	s10 =	sld [smem:$0x3FAF];
	_ =	sdelay $0x3  }
0x36: {  	p1 =	seq.s32 s10, $0x1;
	s10 =	sld [smem:$0x3FB0];
	_ =	sdelay $0x3  }
0x37: {  	[smem:$0x3FB0] =	sst s10  }
0x38: {  	s10 =	sld [smem:$0x3FB1]  }
0x39: {  	_ = 	snop;
	(pc) =	sbr.ind lr, $3  }
0x3a: {  	_ = 	snop  }
0x3b: {  	_ = 	snop  }
0x3c: {  	p2 =	seq.s32 s10, $0x1;
	s10 =	sld [smem:$0x3FB0]  }
0x3d: {  	_ =	shalt  }
0x3e: {  	_ =	shalt  }
0x3f: {  	_ =	shalt  }
0x40: {  	_ =	shalt  }
0x41: {  	_ =	shalt  }
0x42: {  	_ =	shalt  }
0x43: {  	_ =	shalt  }
0x44: {  	_ =	shalt  }
0x45: {  	_ =	shalt  }
0x46: {  	_ =	shalt  }
0x47: {  	_ =	shalt  }
0x48: {  	_ =	shalt  }
0x49: {  	_ =	shalt  }
0x4a: {  	_ =	shalt  }
0x4b: {  	_ =	shalt  }
0x4c: {  	_ =	shalt  }
0x4d: {  	_ =	shalt  }
0x4e: {  	_ =	shalt  }
0x4f: {  	_ =	shalt  }
0x50: {  	_ =	shalt  }
0x51: {  	_ =	shalt  }
0x52: {  	_ =	shalt  }
0x53: {  	_ =	shalt  }
0x54: {  	_ =	shalt  }
0x55: {  	_ =	shalt  }
0x56: {  	_ =	shalt  }
0x57: {  	_ =	shalt  }
0x58: {  	_ =	shalt  }
0x59: {  	_ =	shalt  }
0x5a: {  	_ =	shalt  }
0x5b: {  	_ =	shalt  }
0x5c: {  	_ =	shalt  }
0x5d: {  	_ =	shalt  }
0x5e: {  	_ =	shalt  }
0x5f: {  	_ =	shalt  }
0x60: {  	_ =	shalt  }
0x61: {  	_ =	shalt  }
0x62: {  	_ =	shalt  }
0x63: {  	_ =	shalt  }
0x64: {  	_ =	shalt  }
0x65: {  	_ =	shalt  }
0x66: {  	_ =	shalt  }
0x67: {  	_ =	shalt  }
0x68: {  	_ =	shalt  }
0x69: {  	_ =	shalt  }
0x6a: {  	_ =	shalt  }
0x6b: {  	_ =	shalt  }
0x6c: {  	_ =	shalt  }
0x6d: {  	_ =	shalt  }
0x6e: {  	_ =	shalt  }
0x6f: {  	_ =	shalt  }
0x70: {  	_ =	shalt  }
0x71: {  	_ =	shalt  }
0x72: {  	_ =	shalt  }
0x73: {  	_ =	shalt  }
0x74: {  	_ =	shalt  }
0x75: {  	_ =	shalt  }
0x76: {  	_ =	shalt  }
0x77: {  	_ =	shalt  }
0x78: {  	_ =	shalt  }
0x79: {  	_ =	shalt  }
0x7a: {  	_ =	shalt  }
0x7b: {  	_ =	shalt  }
0x7c: {  	_ =	shalt  }
0x7d: {  	_ =	shalt  }
0x7e: {  	_ =	shalt  }
0x7f: {  	_ =	shalt  }
0x80: {  	_ =	shalt  }
0x81: {  	_ =	shalt  }
0x82: {  	_ =	shalt  }
0x83: {  	_ =	shalt  }
0x84: {  	_ =	shalt  }
0x85: {  	_ =	shalt  }
0x86: {  	_ =	shalt  }
0x87: {  	_ =	shalt  }
.Lfunc_end0:
.L_simem_size_0:
called_computation.2_lowered:
.L_overlay_start_0:
0x88: {  	s2 =	sld [smem:$0x3FD9]  }
0x89: {  	s3 =	sld [smem:$0x3FFE];
	_ =	sdelay $0x1  }
0x8a: {  	s1 =	srdreg.scid  }
0x8b: {  	s0 =	sand.u32 $0x1, s1  }
0x8c: {  	s17 =	sshll.u32 s0, $0xA;
	s2 =	sadd.s32 s3, s2  }
0x8d: {  	s2 =	sadd.s32 s2, s17  }
0x8e: {  	[smem:$0x3FBC] =	sst s2  }
0x8f: {  	_ = 	snop  }
0x90: {  	s2 =	sld [smem:$0x3FD0];
	(tm) =	ssettm $0x1  }
0x91: {  	s18 =	sld [smem:$0x3FFB];
	_ =	sdelay $0x3  }
0x92: {  	_ =	strace s18  }
0x93: {  	s3 =	sld [smem:$0x3FFC];
	_ =	sdelay $0x3  }
0x94: {  	_ =	strace s3  }
0x95: {  	s3 =	sld [smem:$0x3FFD];
	_ =	sdelay $0x3  }
0x96: {  	_ =	strace s3  }
0x97: {  	_ =	strace $0x8FFFFFFF  }
0x98: {  	s19 =	sld [smem:$0x3FDB];
	_ =	sdelay $0x1  }
0x99: {  	s4 =	simm.s32 $_scs_section_size  }
0x9a: {  	s5 =	simm.s32 $_size__tile_overlayer_lowered;
	s6 =	simm.s32 $_tile_overlayer_lowered  }
0x9b: {  	s22 =	simm.s32 $0x1BFF;
	s21 =	sshll.u32 s6, $0x1;
	s3 =	sadd.s32 s4, s19  }
0x9c: {  	s7 =	simm.s32 $0x0;
	s20 =	sshll.u32 s5, $0x1;
	s5 =	sadd.s32 s21, s3  }
0x9d: {  	[timem:s7], [sflag:s22] =	dma.local [hbm:s5], s20  }
0x9e: {  	_ =	swait.ge [sflag:s22], s20  }
0x9f: {  	s4 =	ssub.s32 $0x0, s20;
	[sflag:s22] =	ssyncset.done $0x0  }
0xa0: {  	[sflag:s22] =	ssyncadd.s32 s4;
	_ =	sdelay $0x1  }
0xa1: {  	s23 =	simm.s32 $0x1B8B  }
0xa2: {  	_ =	swait.ge [sflag:s23], $0x1  }
0xa3: {  	[sflag:s23] =	ssyncset.done $0x0  }
0xa4: {  	s25 =	simm.s32 $0x1B8E;
	s24 =	sld [smem:$0x3FFE];
	[sflag:s23] =	ssyncadd.s32 $0xFFFFFFFF  }
0xa5: {  	s26 =	simm.s32 $execute0_lowered;
	[smem:$0x3FD2] =	sst s25  }
0xa6: {  	s5 =	sshll.u32 s26, $0x1;
	_ =	strace $0x8000004C;
	[dreg:$0x1] =	wrdreg $0xFFFFFFFF  }
0xa7: {  	s28 =	simm.s32 $_size_execute0_lowered;
	s3 =	sadd.s32 s3, s5;
	[dreg:$0x0] =	wrdreg $0x0  }
0xa8: {  	s5 =	sshll.u32 s28, $0x1;
	[dreg:$0x2] =	wrdreg s3  }
0xa9: {  	[dreg:$0x3] =	wrdreg s5  }
0xaa: {  	[dreg:$0x4] =	wrdreg $0xC0  }
0xab: {  	_ =	task [dreg:s7], $0x5FFFF  }
0xac: {  	[dreg:$0x1] =	wrdreg $0xFFFFFFFF  }
0xad: {  	[dreg:$0x0] =	wrdreg $0x60  }
0xae: {  	[dreg:$0x2] =	wrdreg s24  }
0xaf: {  	[dreg:$0x3] =	wrdreg s2  }
0xb0: {  	[dreg:$0x4] =	wrdreg $0xD8000  }
0xb1: {  	[dreg:$0x5] =	wrdreg $0x9  }
0xb2: {  	_ =	task.clear_ibuf [dreg:s7], $0x6FFFF;
	_ =	strace $0x9000004C  }
0xb3: {  	s29 =	simm.s32 $0x9;
	_ =	strace $0x8000004E  }
0xb4: {  	_ =	swait.ge [sflag:s29], $0x1  }
0xb5: {  	[sflag:s29] =	ssyncadd.s32 $0xFFFFFFFF  }
0xb6: {  	_ =	strace $0x9000004E  }
0xb7: {  	_ =	sfence  }
0xb8: {  	s30 =	sld [smem:$0x0];
	_ =	sdelay $0x2  }
0xb9: {  	s31 =	sshll.u32 s1, $0xD;
	s1 =	sshrl.u32 s1, $0x2  }
0xba: {  	s3 =	sand.u32 $0x4000, s31;
	s1 =	sadd.s32 s1, s30  }
0xbb: {  	s0 =	sor.u32 s3, s0;
	s1 =	sshll.u32 s1, $0x11  }
0xbc: {  	s0 =	sor.u32 s1, s0  }
0xbd: {  	s0 =	sadd.s32 $0x8F2B, s0  }
0xbe: {  	[sflag:s0] =	ssyncadd.remote.s32 $0x1  }
0xbf: {  	_ =	sfence.sel $0xFFFF  }
0xc0: {  	[dreg:$0x0] =	wrdreg $0xFFFFFFFF;
	(pc) =	sbr.abs _section_cstart, $3  }
0xc1: {  	[dreg:$0x1] =	wrdreg $0xFFFFFFFF  }
0xc2: {  	_ =	task.clear_ibuf [dreg:s7], $0x2FFFF;
	_ =	strace $0x9FFFFFFF  }
0xc3: {  	(tm) =	ssettm $0x7FFFFFFF  }
tec
execute0_lowered:
.L_overlay_start_1:
0x0: {  	(tag) =	ssettag $0x1  }
0x1: {  	s0 =	srdreg.scid;
	s6 =	rddreg [dreg:$0x0]  }
0x2: {  	s29 =	stileid.u32;
	s8 =	rddreg [dreg:$0x1]  }
0x3: {  	s2 =	rddreg [dreg:$0x2];
	s3 =	simm.s32 $0x0;
	s17 =	simm.s32 $0x3  }
0x4: {  	s19 =	simm.s32 $0x5000;
	s20 =	simm.s32 $0x7800;
	s21 =	simm.s32 $0x80  }
0x5: {  	s22 =	simm.s32 $0x9800;
	s23 =	simm.s32 $0xB800;
	s24 =	simm.s32 $0x1  }
0x6: {  	s25 =	simm.s32 $0x2;
	s26 =	simm.s32 $0x0;
	s10 =	smul.u32 $0xA000, s29  }
0x7: {  	s5 =	sand.u32 $0x1, s0;
	[smem:$0x7FF] =	sst s3;
	s13 =	smul.u32 $0x28000, s29  }
0x8: {  	s4 =	sadd.s32 $0x4200, s6;
	s1 =	sshll.u32 s5, $0x4;
	s7 =	smul.u32 $0x140000, s5  }
0x9: {  	_ =	strace $0x8000004D;
	s12 =	ssub.s32 $0x2, s5;
	s5 =	sadd.s32 $0x2C200, s6  }
0xa: {  	s1 =	sor.u32 s29, s1;
	s30 =	sshrl.u32 s12, $0x1;
	s31 =	sshrl.u32 s13, $0x2  }
0xb: {  	s9 =	smul.u32 $0x500, s1;
	s7 =	sadd.s32 s10, s7;
	s13 =	sadd.s32 s31, s2  }
0xc: {  	s16 =	ssub.s32 s12, s30;
	s7 =	sshrl.u32 s7, $0x3;
	s12 =	sadd.s32 $0x6000, s13  }
0xd: {  	s16 =	smax.u32 s16, $0x1;
	s11 =	sadd.s32 s9, s6;
	s15 =	sadd.s32 s7, s6  }
0xe: {  	s8 =	sadd.s32 s8, s9;
	s9 =	sadd.s32 s10, s2;
	s10 =	sadd.s32 $0x2000, s13  }
0xf: {  	s6 =	sadd.s32 $0x5F200, s11;
	s7 =	sadd.s32 $0x55200, s11;
	s11 =	sadd.s32 $0x4000, s13  }
0x10: {  	s13 =	sadd.s32 $0x8000, s13;
	s14 =	sadd.s32 $0x69200, s15;
	s15 =	sadd.s32 $0x7D200, s15  }
.LBB2_1:
0x11: {  	[tilespmem:s3], [sflag:$0x3] =	stream.linear.gather [hbm4b:s6+s3], $0x2800, $0x38;
	[tilespmem:$0x17800] =	vst v63  }
0x12: {  	_ =	swait.ge [sflag:s17], $0x2800  }
0x13: {  	[sflag:s17] =	ssyncset.done $0x0  }
0x14: {  	s0 =	simm.s32 $0x2800;
	[sflag:s17] =	ssyncadd.s32 $0xFFFFD800  }
0x15: {  	[tilespmem:s0], [sflag:$0x3] =	stream.linear.gather [hbm4b:s7+s3], $0x2800, $0x38;
	[tilespmem:$0x17800] =	vst v63  }
0x16: {  	_ =	swait.ge [sflag:s17], $0x2800  }
0x17: {  	[sflag:s17] =	ssyncset.done $0x0  }
0x18: {  	[sflag:s17] =	ssyncadd.s32 $0xFFFFD800  }
0x19: {  	[tilespmem:s19], [sflag:$0x3] =	stream.linear.gather [hbm4b:s8+s3], $0x2800, $0x38;
	[tilespmem:$0x17800] =	vst v63  }
0x1a: {  	_ =	swait.ge [sflag:s17], $0x2800  }
0x1b: {  	[sflag:s17] =	ssyncset.done $0x0  }
0x1c: {  	[sflag:s17] =	ssyncadd.s32 $0xFFFFD800  }
0x1d: {  	[tilespmem:s20], [sflag:$0x3] =	stream.linear.gather [hbm4b:s5+s3], $0x2000, $0x38;
	[tilespmem:$0x17800] =	vst v63  }
0x1e: {  	_ =	swait.ge [sflag:s17], $0x2000  }
0x1f: {  	[sflag:s17] =	ssyncset.done $0x0  }
0x20: {  	[sflag:s17] =	ssyncadd.s32 $0xFFFFE000  }
0x21: {  	[spmem:s9] =	stream.linear.scatter [tilespmem:s20], [sflag:$0x3], $0x2000, $0x38;
	[tilespmem:$0x17800] =	vst v63  }
0x22: {  	_ =	swait.ge [sflag:s17], $0x2000  }
0x23: {  	[sflag:s17] =	ssyncset.done $0x0  }
0x24: {  	[sflag:s17] =	ssyncadd.s32 $0xFFFFE000  }
0x25: {  	[spmem:s10] =	stream.linear.scatter [tilespmem:s20], [sflag:$0x3], $0x2000, $0x38;
	[tilespmem:$0x17800] =	vst v63  }
0x26: {  	_ =	swait.ge [sflag:s17], $0x2000  }
0x27: {  	[sflag:s17] =	ssyncset.done $0x0  }
0x28: {  	[sflag:s17] =	ssyncadd.s32 $0xFFFFE000  }
0x29: {  	[spmem:s11] =	stream.linear.scatter [tilespmem:s20], [sflag:$0x3], $0x2000, $0x38;
	[tilespmem:$0x17800] =	vst v63  }
0x2a: {  	_ =	swait.ge [sflag:s17], $0x2000  }
0x2b: {  	[sflag:s17] =	ssyncset.done $0x0  }
0x2c: {  	[sflag:s17] =	ssyncadd.s32 $0xFFFFE000  }
0x2d: {  	[spmem:s12] =	stream.linear.scatter [tilespmem:s20], [sflag:$0x3], $0x2000, $0x38;
	[tilespmem:$0x17800] =	vst v63  }
0x2e: {  	_ =	swait.ge [sflag:s17], $0x2000  }
0x2f: {  	[sflag:s17] =	ssyncset.done $0x0  }
0x30: {  	[sflag:s17] =	ssyncadd.s32 $0xFFFFE000  }
0x31: {  	[spmem:s13] =	stream.linear.scatter [tilespmem:s20], [sflag:$0x3], $0x2000, $0x38;
	[tilespmem:$0x17800] =	vst v63  }
0x32: {  	_ =	swait.ge [sflag:s17], $0x2000  }
0x33: {  	[sflag:s17] =	ssyncset.done $0x0  }
0x34: {  	[sflag:s17] =	ssyncadd.s32 $0xFFFFE000  }
0x35: {  	s28 =	simm.s32 $0x0;
	[bflag:$0x0] =	sbarrier.arrive $0xFFFF  }
0x36: {  	[tilespmem:s22], [sflag:$0x1] =	stream.indirect.gather [hbm4b:s4+s21], $0x40, s28, s21, $0xb8;
	[tilespmem:$0x17800] =	vst v63  }
0x37: {  	s28 =	simm.s32 $0x80  }
0x38: {  	[tilespmem:s23], [sflag:$0x2] =	stream.indirect.gather [hbm4b:s4+s21], $0x40, s28, s21, $0xb8;
	[tilespmem:$0x17800] =	vst v63  }
0x39: {  	_ =	swait.ge [sflag:s24], $0x2000  }
0x3a: {  	[sflag:s24] =	ssyncset.done $0x0  }
0x3b: {  	s28 =	simm.s32 $0x5000;
	[sflag:s24] =	ssyncadd.s32 $0xFFFFE000  }
0x3c: {  	[spmem:s2] =	stream.indirect.scatter.add.f32 [tilespmem:s22], [sflag:$0x3], $0x40, s28, s21, $0xb8;
	[tilespmem:$0x17800] =	vst v63  }
0x3d: {  	_ =	swait.ge [sflag:s17], $0x2000  }
0x3e: {  	[sflag:s17] =	ssyncset.done $0x0  }
0x3f: {  	[sflag:s17] =	ssyncadd.s32 $0xFFFFE000  }
0x40: {  	_ =	swait.ge [sflag:s25], $0x2000  }
0x41: {  	[sflag:s25] =	ssyncset.done $0x0  }
0x42: {  	s28 =	simm.s32 $0x5080;
	[sflag:s25] =	ssyncadd.s32 $0xFFFFE000  }
0x43: {  	[spmem:s2] =	stream.indirect.scatter.add.f32 [tilespmem:s23], [sflag:$0x3], $0x40, s28, s21, $0xb8;
	[tilespmem:$0x17800] =	vst v63  }
0x44: {  	_ =	swait.ge [sflag:s17], $0x2000  }
0x45: {  	s29 =	simm.s32 $0x800;
	s28 =	simm.s32 $0x400;
	[sflag:s17] =	ssyncset.done $0x0  }
.LBB2_2:
0x46: {  	s30 =	sshra.s32 s28, $0x2  }
0x47: {  	[sflag:s17] =	ssyncadd.s32 $0xFFFFE000;
	s28 =	smov.u32 s29;
	s31 =	sadd.s32 $0x400, s29  }
0x48: {  	[tilespmem:s22], [sflag:$0x1] =	stream.indirect.gather [hbm4b:s4+s21], $0x40, s30, s21, $0xb8;
	[tilespmem:$0x17800] =	vst v63  }
0x49: {  	p0 =	sne.s32 s29, $0x9C00;
	s29 =	sadd.s32 $0x80, s30  }
0x4a: {  	[tilespmem:s23], [sflag:$0x2] =	stream.indirect.gather [hbm4b:s4+s21], $0x40, s29, s21, $0xb8;
	[tilespmem:$0x17800] =	vst v63  }
0x4b: {  	_ =	swait.ge [sflag:s24], $0x2000  }
0x4c: {  	[sflag:s24] =	ssyncset.done $0x0  }
0x4d: {  	s29 =	sadd.s32 $0x5000, s30;
	[sflag:s24] =	ssyncadd.s32 $0xFFFFE000  }
0x4e: {  	[spmem:s2] =	stream.indirect.scatter.add.f32 [tilespmem:s22], [sflag:$0x3], $0x40, s29, s21, $0xb8;
	[tilespmem:$0x17800] =	vst v63  }
0x4f: {  	_ =	swait.ge [sflag:s17], $0x2000  }
0x50: {  	[sflag:s17] =	ssyncset.done $0x0  }
0x51: {  	[sflag:s17] =	ssyncadd.s32 $0xFFFFE000  }
0x52: {  	_ =	swait.ge [sflag:s25], $0x2000  }
.Ltmp0:
0x53: {  	[sflag:s25] =	ssyncset.done $0x0;
	(pc) =	sbr.rel @p0 .LBB2_2-.Ltmp0, $4  }
0x54: {  	s29 =	sadd.s32 $0x5080, s30;
	[sflag:s25] =	ssyncadd.s32 $0xFFFFE000  }
0x55: {  	[spmem:s2] =	stream.indirect.scatter.add.f32 [tilespmem:s23], [sflag:$0x3], $0x40, s29, s21, $0xb8;
	[tilespmem:$0x17800] =	vst v63  }
0x56: {  	_ =	swait.ge [sflag:s17], $0x2000  }
0x57: {  	s29 =	smov.u32 s31;
	[sflag:s17] =	ssyncset.done $0x0  }
0x58: {  	s28 =	sshra.s32 s28, $0x2;
	[sflag:s17] =	ssyncadd.s32 $0xFFFFE000  }
0x59: {  	[tilespmem:s22], [sflag:$0x1] =	stream.indirect.gather [hbm4b:s4+s21], $0x40, s28, s21, $0xb8;
	[tilespmem:$0x17800] =	vst v63  }
0x5a: {  	s29 =	sadd.s32 $0x80, s28  }
0x5b: {  	[tilespmem:s23], [sflag:$0x2] =	stream.indirect.gather [hbm4b:s4+s21], $0x40, s29, s21, $0xb8;
	[tilespmem:$0x17800] =	vst v63  }
0x5c: {  	_ =	swait.ge [sflag:s24], $0x2000  }
0x5d: {  	[sflag:s24] =	ssyncset.done $0x0  }
0x5e: {  	s29 =	sadd.s32 $0x5000, s28;
	[sflag:s24] =	ssyncadd.s32 $0xFFFFE000  }
0x5f: {  	[spmem:s2] =	stream.indirect.scatter.add.f32 [tilespmem:s22], [sflag:$0x3], $0x40, s29, s21, $0xb8;
	[tilespmem:$0x17800] =	vst v63  }
0x60: {  	_ =	swait.ge [sflag:s17], $0x2000  }
0x61: {  	[sflag:s17] =	ssyncset.done $0x0  }
0x62: {  	[sflag:s17] =	ssyncadd.s32 $0xFFFFE000  }
0x63: {  	_ =	swait.ge [sflag:s25], $0x2000  }
0x64: {  	[sflag:s25] =	ssyncset.done $0x0  }
0x65: {  	s28 =	sadd.s32 $0x5080, s28;
	[sflag:s25] =	ssyncadd.s32 $0xFFFFE000  }
0x66: {  	[spmem:s2] =	stream.indirect.scatter.add.f32 [tilespmem:s23], [sflag:$0x3], $0x40, s28, s21, $0xb8;
	[tilespmem:$0x17800] =	vst v63  }
0x67: {  	_ =	swait.ge [sflag:s17], $0x2000  }
0x68: {  	s0 =	stileid.u32;
	[sflag:s17] =	ssyncset.done $0x0  }
0x69: {  	s28 =	sshll.u32 s0, $0x6;
	[sflag:s17] =	ssyncadd.s32 $0xFFFFE000  }
0x6a: {  	s29 =	sshrl.u32 s9, $0x3;
	s28 =	sor.u32 $0x1C03, s28;
	[bflag:$0x0] =	sbarrier.arrive $0xFFFF  }
0x6b: {  	[hbm:s14], [sflag:s28] =	dma.local [spmem:s29], $0x1400  }
0x6c: {  	_ =	swait.ge [sflag:s17], $0x1400  }
0x6d: {  	[sflag:s17] =	ssyncset.done $0x0  }
0x6e: {  	[sflag:s17] =	ssyncadd.s32 $0xFFFFEC00  }
0x6f: {  	[spmem:s9] =	stream.linear.scatter [tilespmem:s20], [sflag:$0x3], $0x2000, $0x38;
	[tilespmem:$0x17800] =	vst v63  }
0x70: {  	_ =	swait.ge [sflag:s17], $0x2000  }
0x71: {  	[sflag:s17] =	ssyncset.done $0x0  }
0x72: {  	[sflag:s17] =	ssyncadd.s32 $0xFFFFE000  }
0x73: {  	[spmem:s10] =	stream.linear.scatter [tilespmem:s20], [sflag:$0x3], $0x2000, $0x38;
	[tilespmem:$0x17800] =	vst v63  }
0x74: {  	_ =	swait.ge [sflag:s17], $0x2000  }
0x75: {  	[sflag:s17] =	ssyncset.done $0x0  }
0x76: {  	[sflag:s17] =	ssyncadd.s32 $0xFFFFE000  }
0x77: {  	[spmem:s11] =	stream.linear.scatter [tilespmem:s20], [sflag:$0x3], $0x2000, $0x38;
	[tilespmem:$0x17800] =	vst v63  }
0x78: {  	_ =	swait.ge [sflag:s17], $0x2000  }
0x79: {  	[sflag:s17] =	ssyncset.done $0x0  }
0x7a: {  	[sflag:s17] =	ssyncadd.s32 $0xFFFFE000  }
0x7b: {  	[spmem:s12] =	stream.linear.scatter [tilespmem:s20], [sflag:$0x3], $0x2000, $0x38;
	[tilespmem:$0x17800] =	vst v63  }
0x7c: {  	_ =	swait.ge [sflag:s17], $0x2000  }
0x7d: {  	[sflag:s17] =	ssyncset.done $0x0  }
0x7e: {  	[sflag:s17] =	ssyncadd.s32 $0xFFFFE000  }
0x7f: {  	[spmem:s13] =	stream.linear.scatter [tilespmem:s20], [sflag:$0x3], $0x2000, $0x38;
	[tilespmem:$0x17800] =	vst v63  }
0x80: {  	_ =	swait.ge [sflag:s17], $0x2000  }
0x81: {  	[sflag:s17] =	ssyncset.done $0x0  }
0x82: {  	[sflag:s17] =	ssyncadd.s32 $0xFFFFE000  }
0x83: {  	s30 =	simm.s32 $0x2800;
	[bflag:$0x0] =	sbarrier.arrive $0xFFFF  }
0x84: {  	[tilespmem:s22], [sflag:$0x1] =	stream.indirect.gather [hbm4b:s4+s21], $0x40, s30, s21, $0xb8;
	[tilespmem:$0x17800] =	vst v63  }
0x85: {  	s30 =	simm.s32 $0x2880  }
0x86: {  	[tilespmem:s23], [sflag:$0x2] =	stream.indirect.gather [hbm4b:s4+s21], $0x40, s30, s21, $0xb8;
	[tilespmem:$0x17800] =	vst v63  }
0x87: {  	_ =	swait.ge [sflag:s24], $0x2000  }
0x88: {  	[sflag:s24] =	ssyncset.done $0x0  }
0x89: {  	s30 =	simm.s32 $0x5000;
	[sflag:s24] =	ssyncadd.s32 $0xFFFFE000  }
0x8a: {  	[spmem:s2] =	stream.indirect.scatter.add.f32 [tilespmem:s22], [sflag:$0x3], $0x40, s30, s21, $0xb8;
	[tilespmem:$0x17800] =	vst v63  }
0x8b: {  	_ =	swait.ge [sflag:s17], $0x2000  }
0x8c: {  	[sflag:s17] =	ssyncset.done $0x0  }
0x8d: {  	[sflag:s17] =	ssyncadd.s32 $0xFFFFE000  }
0x8e: {  	_ =	swait.ge [sflag:s25], $0x2000  }
0x8f: {  	[sflag:s25] =	ssyncset.done $0x0  }
0x90: {  	s30 =	simm.s32 $0x5080;
	[sflag:s25] =	ssyncadd.s32 $0xFFFFE000  }
0x91: {  	[spmem:s2] =	stream.indirect.scatter.add.f32 [tilespmem:s23], [sflag:$0x3], $0x40, s30, s21, $0xb8;
	[tilespmem:$0x17800] =	vst v63  }
0x92: {  	_ =	swait.ge [sflag:s17], $0x2000  }
0x93: {  	s31 =	simm.s32 $0x800;
	s30 =	simm.s32 $0x100;
	[sflag:s17] =	ssyncset.done $0x0  }
.LBB2_4:
0x94: {  	s1 =	sadd.s32 $0x2800, s30  }
0x95: {  	[sflag:s17] =	ssyncadd.s32 $0xFFFFE000;
	s0 =	smov.u32 s31;
	s18 =	sadd.s32 $0x400, s31  }
0x96: {  	[tilespmem:s22], [sflag:$0x1] =	stream.indirect.gather [hbm4b:s4+s21], $0x40, s1, s21, $0xb8;
	[tilespmem:$0x17800] =	vst v63  }
0x97: {  	p0 =	sne.s32 s31, $0x9C00;
	s1 =	sadd.s32 $0x2880, s30  }
0x98: {  	[tilespmem:s23], [sflag:$0x2] =	stream.indirect.gather [hbm4b:s4+s21], $0x40, s1, s21, $0xb8;
	[tilespmem:$0x17800] =	vst v63  }
0x99: {  	_ =	swait.ge [sflag:s24], $0x2000  }
0x9a: {  	[sflag:s24] =	ssyncset.done $0x0  }
0x9b: {  	s1 =	sadd.s32 $0x5000, s30;
	[sflag:s24] =	ssyncadd.s32 $0xFFFFE000  }
0x9c: {  	[spmem:s2] =	stream.indirect.scatter.add.f32 [tilespmem:s22], [sflag:$0x3], $0x40, s1, s21, $0xb8;
	[tilespmem:$0x17800] =	vst v63  }
0x9d: {  	_ =	swait.ge [sflag:s17], $0x2000  }
0x9e: {  	[sflag:s17] =	ssyncset.done $0x0  }
0x9f: {  	[sflag:s17] =	ssyncadd.s32 $0xFFFFE000  }
0xa0: {  	_ =	swait.ge [sflag:s25], $0x2000  }
.Ltmp1:
0xa1: {  	[sflag:s25] =	ssyncset.done $0x0;
	(pc) =	sbr.rel @p0 .LBB2_4-.Ltmp1, $4  }
0xa2: {  	s1 =	sadd.s32 $0x5080, s30;
	[sflag:s25] =	ssyncadd.s32 $0xFFFFE000  }
0xa3: {  	[spmem:s2] =	stream.indirect.scatter.add.f32 [tilespmem:s23], [sflag:$0x3], $0x40, s1, s21, $0xb8;
	[tilespmem:$0x17800] =	vst v63  }
0xa4: {  	_ =	swait.ge [sflag:s17], $0x2000  }
0xa5: {  	s31 =	smov.u32 s18;
	s30 =	sshra.s32 s0, $0x2;
	[sflag:s17] =	ssyncset.done $0x0  }
0xa6: {  	s0 =	sadd.s32 $0x2800, s30;
	[sflag:s17] =	ssyncadd.s32 $0xFFFFE000  }
0xa7: {  	[tilespmem:s22], [sflag:$0x1] =	stream.indirect.gather [hbm4b:s4+s21], $0x40, s0, s21, $0xb8;
	[tilespmem:$0x17800] =	vst v63  }
0xa8: {  	s1 =	sadd.s32 $0x2880, s30  }
0xa9: {  	[tilespmem:s23], [sflag:$0x2] =	stream.indirect.gather [hbm4b:s4+s21], $0x40, s1, s21, $0xb8;
	[tilespmem:$0x17800] =	vst v63  }
0xaa: {  	_ =	swait.ge [sflag:s24], $0x2000  }
0xab: {  	[sflag:s24] =	ssyncset.done $0x0  }
0xac: {  	s18 =	sadd.s32 $0x5000, s30;
	[sflag:s24] =	ssyncadd.s32 $0xFFFFE000  }
0xad: {  	[spmem:s2] =	stream.indirect.scatter.add.f32 [tilespmem:s22], [sflag:$0x3], $0x40, s18, s21, $0xb8;
	[tilespmem:$0x17800] =	vst v63  }
0xae: {  	_ =	swait.ge [sflag:s17], $0x2000  }
0xaf: {  	[sflag:s17] =	ssyncset.done $0x0  }
0xb0: {  	[sflag:s17] =	ssyncadd.s32 $0xFFFFE000  }
0xb1: {  	_ =	swait.ge [sflag:s25], $0x2000  }
0xb2: {  	[sflag:s25] =	ssyncset.done $0x0  }
0xb3: {  	s31 =	sadd.s32 $0x5080, s30;
	[sflag:s25] =	ssyncadd.s32 $0xFFFFE000  }
0xb4: {  	[spmem:s2] =	stream.indirect.scatter.add.f32 [tilespmem:s23], [sflag:$0x3], $0x40, s31, s21, $0xb8;
	[tilespmem:$0x17800] =	vst v63  }
0xb5: {  	_ =	swait.ge [sflag:s17], $0x2000  }
0xb6: {  	s26 =	sadd.s32 $0x1, s26;
	[sflag:s17] =	ssyncset.done $0x0  }
0xb7: {  	p0 =	sne.s32 s26, s16;
	[sflag:s17] =	ssyncadd.s32 $0xFFFFE000  }
.Ltmp2:
0xb8: {  	[bflag:$0x0] =	sbarrier.arrive $0xFFFF;
	(pc) =	sbr.rel @p0 .LBB2_1-.Ltmp2, $4  }
0xb9: {  	[hbm:s15], [sflag:s28] =	dma.local [spmem:s29], $0x1400  }
0xba: {  	_ =	swait.ge [sflag:s17], $0x1400  }
0xbb: {  	[sflag:s17] =	ssyncset.done $0x0  }
0xbc: {  	[sflag:s17] =	ssyncadd.s32 $0xFFFFEC00  }
0xbd: {  	_ =	sfence.sel $0x180000  }
0xbe: {  	[bflag:$0x0] =	sbarrier.arrive $0xFFFF  }
0xbf: {  	_ =	strace $0x9000004D  }
0xc0: {  	s0 =	stileid.u32;
	[bflag:$0x2] =	sbarrier.arrive $0xFFFF  }
0xc1: {  	p0 =	sne.s32 s0, $0x0;
	s0 =	rddreg [dreg:$0x3]  }
0xc2: {  	s0 =	sadd.s32 @!p0 $0x100000, s0  }
0xc3: {  	[sflag:s0] =	ssyncadd.tile.s32 @!p0 $0x1;
	_ =	shalt  }
.Lfunc_end2:
_tile_overlayer_lowered:
.L_overlay_start_2:
0xc4: {  	(tag) =	ssettag $0x2  }
0xc5: {  	s0 =	rddreg [dreg:$0x0];
	s2 =	stileid.u32  }
0xc6: {  	s1 =	rddreg [dreg:$0x1];
	p0 =	sne.s32 s2, $0x0  }
0xc7: {  	s3 =	rddreg [dreg:$0x2];
	[bflag:$0x3] =	sbarrier.arrive $0xFFFF;
	s2 =	simm.s32 @!p0 $0x1C03  }
0xc8: {  	[timem:s3], [sflag:s2] =	dma.local @!p0 [hbm:s0], s1  }
0xc9: {  	s0 =	simm.s32 @!p0 $0x3  }
0xca: {  	_ =	swait.ge @!p0 [sflag:s0], s1  }
0xcb: {  	s1 =	ssub.s32 @!p0 $0x0, s1;
	[sflag:s0] =	ssyncset.done @!p0 $0x0  }
0xcc: {  	[sflag:s0] =	ssyncadd.s32 @!p0 s1  }
0xcd: {  	[bflag:$0x3] =	sbarrier.arrive $0xFFFF  }
0xce: {  	_ =	shalt  }

// kernel: kernel.19.cloned.1.call-start
scs
__scs_entry_jumppad:
0x0: {  	(pc) =	sbr.rel $0x88, $3  }
0x1: {  	(tag) =	ssettag $0x0;
	lr =	simm.s32 $0x1  }
0x2: {  	[smem:$0x3F95] =	sst lr;
	_ =	strace $0xD0000000  }
0x3: {  	_ = 	snop  }
0x4: {  	_ = 	snop  }
0x5: {  	_ = 	snop  }
0x6: {  	_ = 	snop  }
0x7: {  	_ = 	snop  }
__scs_overlays_trampoline_lowered:
0x8: {  	[smem:$0x3FA4] =	sst s0  }
0x9: {  	[smem:$0x3FA5] =	sst s1  }
0xa: {  	[smem:$0x3FA6] =	sst s2  }
0xb: {  	[smem:$0x3FA7] =	sst s3  }
0xc: {  	[smem:$0x3FA8] =	sst s4  }
0xd: {  	[smem:$0x3FA9] =	sst s5  }
0xe: {  	[smem:$0x3FAA] =	sst s6  }
0xf: {  	[smem:$0x3FAB] =	sst s7  }
0x10: {  	[smem:$0x3FAC] =	sst s8  }
0x11: {  	[smem:$0x3FAD] =	sst s9;
	s0 =	simm.s32 @!p0 $0x0  }
0x12: {  	s1 =	sld [smem:$0x3F93];
	s0 =	simm.s32 @p0 $0x1  }
0x13: {  	[smem:$0x3FAE] =	sst s0;
	s0 =	simm.s32 @!p1 $0x0  }
0x14: {  	s2 =	sld [smem:$0x3F92];
	s0 =	simm.s32 @p1 $0x1  }
0x15: {  	[smem:$0x3FAF] =	sst s0;
	s0 =	simm.s32 @!p2 $0x0  }
0x16: {  	s3 =	sld [smem:$0x3FDB];
	s0 =	simm.s32 @p2 $0x1  }
0x17: {  	s4 =	simm.s32 $0x1BF5;
	[smem:$0x3FB1] =	sst s0  }
0x18: {  	s0 =	sld [smem:$0x3F94];
	_ =	swait.ge [sflag:s4], $0x0  }
0x19: {  	s7 =	sld [smem:$0x3F95]  }
0x1a: {  	s8 =	sadd.s32 $0xFFFFE003, lr  }
0x1b: {  	s9 =	sadd.s32 $0xFFFFFEF7, lr;
	s5 =	simm.s32 $0xFFFFFFFF;
	p2 =	slt.u32 s8, $0xFFFFF086  }
0x1c: {  	p1 =	slt.u32 s9, $0xF7A;
	s5 =	simm.s32 @!p2 $0x0  }
0x1d: {  	s5 =	simm.s32 @p1 $0x1;
	p0 =	seq.s32 s7, s2  }
0x1e: {  	s7 =	smul.u32 @!p0 $0xF7A, s2;
	p2 =	seq.s32 @!p0 s5, $0x0  }
0x1f: {  	s9 =	smul.u32 $0xF7A, s1;
	s8 =	simm.s32 @!p0 $0x1BF5;
	p2 =	por !p2, p0  }
0x20: {  	[sflag:s8] =	ssyncset.s32 @!p0 $0xFFFFF086;
	s6 =	sadd.s32 @!p0 s3, s7;
	s7 =	simm.s32 @!p0 $0x108  }
0x21: {  	s3 =	sadd.s32 s3, s9;
	s6 =	sadd.s32 @!p0 $0x88, s6;
	s7 =	simm.s32 @p2 $0x1082  }
0x22: {  	[simem:s7], [sflag:s8] =	dma.local @!p0 [hbm:s6], $0xF7A  }
0x23: {  	s9 =	sor.u32 $0xD0000000, s2;
	s6 =	simm.s32 $0x108;
	_ =	swait.ge @!p0 [sflag:s8], $0x0  }
0x24: {  	s3 =	sadd.s32 $0x88, s3;
	s6 =	simm.s32 @!p1 $0x1082;
	[sflag:s4] =	ssyncset.s32 $0xFFFFF086  }
0x25: {  	[simem:s6], [sflag:s4] =	dma.local [hbm:s3], $0xF7A  }
0x26: {  	[smem:$0x3F95] =	sst s1;
	(tag) =	ssettag s2;
	_ =	strace s9  }
0x27: {  	s1 =	sld [smem:$0x3FA5]  }
0x28: {  	s2 =	sld [smem:$0x3FA6]  }
0x29: {  	s4 =	sld [smem:$0x3FA8]  }
0x2a: {  	p0 =	seq.s32 s5, $0x0;
	s5 =	sld [smem:$0x3FA9]  }
0x2b: {  	s6 =	sld [smem:$0x3FAA]  }
0x2c: {  	s7 =	sld [smem:$0x3FAB]  }
0x2d: {  	s3 =	simm.s32 $0x108;
	s8 =	sld [smem:$0x3FAC]  }
0x2e: {  	s3 =	simm.s32 @!p0 $0x1082;
	s9 =	sld [smem:$0x3FAD]  }
0x2f: {  	lr =	sadd.s32 s0, s3;
	s0 =	sld [smem:$0x3FA4]  }
0x30: {  	s3 =	sld [smem:$0x3FA7]  }
0x31: {  	[smem:$0x3FB0] =	sst s10  }
0x32: {  	s10 =	sld [smem:$0x3FAE];
	_ =	sdelay $0x3  }
0x33: {  	p0 =	seq.s32 s10, $0x1;
	s10 =	sld [smem:$0x3FB0];
	_ =	sdelay $0x3  }
0x34: {  	[smem:$0x3FB0] =	sst s10  }
0x35: {  	s10 =	sld [smem:$0x3FAF];
	_ =	sdelay $0x3  }
0x36: {  	p1 =	seq.s32 s10, $0x1;
	s10 =	sld [smem:$0x3FB0];
	_ =	sdelay $0x3  }
0x37: {  	[smem:$0x3FB0] =	sst s10  }
0x38: {  	s10 =	sld [smem:$0x3FB1]  }
0x39: {  	_ = 	snop;
	(pc) =	sbr.ind lr, $3  }
0x3a: {  	_ = 	snop  }
0x3b: {  	_ = 	snop  }
0x3c: {  	p2 =	seq.s32 s10, $0x1;
	s10 =	sld [smem:$0x3FB0]  }
0x3d: {  	_ =	shalt  }
0x3e: {  	_ =	shalt  }
0x3f: {  	_ =	shalt  }
0x40: {  	_ =	shalt  }
0x41: {  	_ =	shalt  }
0x42: {  	_ =	shalt  }
0x43: {  	_ =	shalt  }
0x44: {  	_ =	shalt  }
0x45: {  	_ =	shalt  }
0x46: {  	_ =	shalt  }
0x47: {  	_ =	shalt  }
0x48: {  	_ =	shalt  }
0x49: {  	_ =	shalt  }
0x4a: {  	_ =	shalt  }
0x4b: {  	_ =	shalt  }
0x4c: {  	_ =	shalt  }
0x4d: {  	_ =	shalt  }
0x4e: {  	_ =	shalt  }
0x4f: {  	_ =	shalt  }
0x50: {  	_ =	shalt  }
0x51: {  	_ =	shalt  }
0x52: {  	_ =	shalt  }
0x53: {  	_ =	shalt  }
0x54: {  	_ =	shalt  }
0x55: {  	_ =	shalt  }
0x56: {  	_ =	shalt  }
0x57: {  	_ =	shalt  }
0x58: {  	_ =	shalt  }
0x59: {  	_ =	shalt  }
0x5a: {  	_ =	shalt  }
0x5b: {  	_ =	shalt  }
0x5c: {  	_ =	shalt  }
0x5d: {  	_ =	shalt  }
0x5e: {  	_ =	shalt  }
0x5f: {  	_ =	shalt  }
0x60: {  	_ =	shalt  }
0x61: {  	_ =	shalt  }
0x62: {  	_ =	shalt  }
0x63: {  	_ =	shalt  }
0x64: {  	_ =	shalt  }
0x65: {  	_ =	shalt  }
0x66: {  	_ =	shalt  }
0x67: {  	_ =	shalt  }
0x68: {  	_ =	shalt  }
0x69: {  	_ =	shalt  }
0x6a: {  	_ =	shalt  }
0x6b: {  	_ =	shalt  }
0x6c: {  	_ =	shalt  }
0x6d: {  	_ =	shalt  }
0x6e: {  	_ =	shalt  }
0x6f: {  	_ =	shalt  }
0x70: {  	_ =	shalt  }
0x71: {  	_ =	shalt  }
0x72: {  	_ =	shalt  }
0x73: {  	_ =	shalt  }
0x74: {  	_ =	shalt  }
0x75: {  	_ =	shalt  }
0x76: {  	_ =	shalt  }
0x77: {  	_ =	shalt  }
0x78: {  	_ =	shalt  }
0x79: {  	_ =	shalt  }
0x7a: {  	_ =	shalt  }
0x7b: {  	_ =	shalt  }
0x7c: {  	_ =	shalt  }
0x7d: {  	_ =	shalt  }
0x7e: {  	_ =	shalt  }
0x7f: {  	_ =	shalt  }
0x80: {  	_ =	shalt  }
0x81: {  	_ =	shalt  }
0x82: {  	_ =	shalt  }
0x83: {  	_ =	shalt  }
0x84: {  	_ =	shalt  }
0x85: {  	_ =	shalt  }
0x86: {  	_ =	shalt  }
0x87: {  	_ =	shalt  }
.Lfunc_end0:
.L_simem_size_0:
called_computation.3_lowered:
.L_overlay_start_0:
0x88: {  	s2 =	sld [smem:$0x3FD9]  }
0x89: {  	s3 =	sld [smem:$0x3FFE];
	_ =	sdelay $0x1  }
0x8a: {  	s1 =	srdreg.scid  }
0x8b: {  	s0 =	sand.u32 $0x1, s1  }
0x8c: {  	s17 =	sshll.u32 s0, $0xA;
	s2 =	sadd.s32 s3, s2  }
0x8d: {  	s2 =	sadd.s32 s2, s17  }
0x8e: {  	[smem:$0x3FBC] =	sst s2  }
0x8f: {  	_ = 	snop  }
0x90: {  	s2 =	sld [smem:$0x3FD0];
	(tm) =	ssettm $0x1  }
0x91: {  	s18 =	sld [smem:$0x3FFB];
	_ =	sdelay $0x3  }
0x92: {  	_ =	strace s18  }
0x93: {  	s3 =	sld [smem:$0x3FFC];
	_ =	sdelay $0x3  }
0x94: {  	_ =	strace s3  }
0x95: {  	s3 =	sld [smem:$0x3FFD];
	_ =	sdelay $0x3  }
0x96: {  	_ =	strace s3  }
0x97: {  	_ =	strace $0x8FFFFFFF  }
0x98: {  	s19 =	sld [smem:$0x3FDB];
	_ =	sdelay $0x1  }
0x99: {  	s4 =	simm.s32 $_scs_section_size  }
0x9a: {  	s5 =	simm.s32 $_size__tile_overlayer_lowered;
	s6 =	simm.s32 $_tile_overlayer_lowered  }
0x9b: {  	s22 =	simm.s32 $0x1BFF;
	s21 =	sshll.u32 s6, $0x1;
	s3 =	sadd.s32 s4, s19  }
0x9c: {  	s7 =	simm.s32 $0x0;
	s20 =	sshll.u32 s5, $0x1;
	s5 =	sadd.s32 s21, s3  }
0x9d: {  	[timem:s7], [sflag:s22] =	dma.local [hbm:s5], s20  }
0x9e: {  	_ =	swait.ge [sflag:s22], s20  }
0x9f: {  	s4 =	ssub.s32 $0x0, s20;
	[sflag:s22] =	ssyncset.done $0x0  }
0xa0: {  	[sflag:s22] =	ssyncadd.s32 s4;
	_ =	sdelay $0x1  }
0xa1: {  	s23 =	simm.s32 $0x1B8B  }
0xa2: {  	_ =	swait.ge [sflag:s23], $0x1  }
0xa3: {  	[sflag:s23] =	ssyncset.done $0x0  }
0xa4: {  	s25 =	simm.s32 $0x1B8E;
	s24 =	sld [smem:$0x3FFE];
	[sflag:s23] =	ssyncadd.s32 $0xFFFFFFFF  }
0xa5: {  	s26 =	simm.s32 $execute0_lowered;
	[smem:$0x3FD2] =	sst s25  }
0xa6: {  	s5 =	sshll.u32 s26, $0x1;
	_ =	strace $0x8000004F;
	[dreg:$0x1] =	wrdreg $0xFFFFFFFF  }
0xa7: {  	s28 =	simm.s32 $_size_execute0_lowered;
	s3 =	sadd.s32 s3, s5;
	[dreg:$0x0] =	wrdreg $0x0  }
0xa8: {  	s5 =	sshll.u32 s28, $0x1;
	[dreg:$0x2] =	wrdreg s3  }
0xa9: {  	[dreg:$0x3] =	wrdreg s5  }
0xaa: {  	[dreg:$0x4] =	wrdreg $0xC0  }
0xab: {  	_ =	task [dreg:s7], $0x5FFFF  }
0xac: {  	[dreg:$0x1] =	wrdreg $0xFFFFFFFF  }
0xad: {  	[dreg:$0x0] =	wrdreg $0x60  }
0xae: {  	[dreg:$0x2] =	wrdreg s24  }
0xaf: {  	[dreg:$0x3] =	wrdreg s2  }
0xb0: {  	[dreg:$0x4] =	wrdreg $0xD8000  }
0xb1: {  	[dreg:$0x5] =	wrdreg $0x9  }
0xb2: {  	_ =	task.clear_ibuf [dreg:s7], $0x6FFFF;
	_ =	strace $0x9000004F  }
0xb3: {  	s29 =	simm.s32 $0x9;
	_ =	strace $0x80000051  }
0xb4: {  	_ =	swait.ge [sflag:s29], $0x1  }
0xb5: {  	[sflag:s29] =	ssyncadd.s32 $0xFFFFFFFF  }
0xb6: {  	_ =	strace $0x90000051  }
0xb7: {  	_ =	sfence  }
0xb8: {  	s30 =	sld [smem:$0x0];
	_ =	sdelay $0x2  }
0xb9: {  	s31 =	sshll.u32 s1, $0xD;
	s1 =	sshrl.u32 s1, $0x2  }
0xba: {  	s3 =	sand.u32 $0x4000, s31;
	s1 =	sadd.s32 s1, s30  }
0xbb: {  	s0 =	sor.u32 s3, s0;
	s1 =	sshll.u32 s1, $0x11  }
0xbc: {  	s0 =	sor.u32 s1, s0  }
0xbd: {  	s0 =	sadd.s32 $0x8F2B, s0  }
0xbe: {  	[sflag:s0] =	ssyncadd.remote.s32 $0x1  }
0xbf: {  	_ =	sfence.sel $0xFFFF  }
0xc0: {  	[dreg:$0x0] =	wrdreg $0xFFFFFFFF;
	(pc) =	sbr.abs _section_cstart, $3  }
0xc1: {  	[dreg:$0x1] =	wrdreg $0xFFFFFFFF  }
0xc2: {  	_ =	task.clear_ibuf [dreg:s7], $0x2FFFF;
	_ =	strace $0x9FFFFFFF  }
0xc3: {  	(tm) =	ssettm $0x7FFFFFFF  }
tec
execute0_lowered:
.L_overlay_start_1:
0x0: {  	(tag) =	ssettag $0x1  }
0x1: {  	s0 =	srdreg.scid;
	s6 =	rddreg [dreg:$0x0]  }
0x2: {  	s29 =	stileid.u32;
	s8 =	rddreg [dreg:$0x1]  }
0x3: {  	s2 =	rddreg [dreg:$0x2];
	s3 =	simm.s32 $0x0;
	s17 =	simm.s32 $0x3  }
0x4: {  	s19 =	simm.s32 $0x5000;
	s20 =	simm.s32 $0x7800;
	s21 =	simm.s32 $0x80  }
0x5: {  	s22 =	simm.s32 $0x9800;
	s23 =	simm.s32 $0xB800;
	s24 =	simm.s32 $0x1  }
0x6: {  	s25 =	simm.s32 $0x2;
	s26 =	simm.s32 $0x0;
	s10 =	smul.u32 $0xA000, s29  }
0x7: {  	s5 =	sand.u32 $0x1, s0;
	[smem:$0x7FF] =	sst s3;
	s13 =	smul.u32 $0x28000, s29  }
0x8: {  	s4 =	sadd.s32 $0x4200, s6;
	s1 =	sshll.u32 s5, $0x4;
	s7 =	smul.u32 $0x140000, s5  }
0x9: {  	_ =	strace $0x80000050;
	s12 =	ssub.s32 $0x2, s5;
	s5 =	sadd.s32 $0x2C200, s6  }
0xa: {  	s1 =	sor.u32 s29, s1;
	s30 =	sshrl.u32 s12, $0x1;
	s31 =	sshrl.u32 s13, $0x2  }
0xb: {  	s9 =	smul.u32 $0x500, s1;
	s7 =	sadd.s32 s10, s7;
	s13 =	sadd.s32 s31, s2  }
0xc: {  	s16 =	ssub.s32 s12, s30;
	s7 =	sshrl.u32 s7, $0x3;
	s12 =	sadd.s32 $0x6000, s13  }
0xd: {  	s16 =	smax.u32 s16, $0x1;
	s11 =	sadd.s32 s9, s6;
	s15 =	sadd.s32 s7, s6  }
0xe: {  	s8 =	sadd.s32 s8, s9;
	s9 =	sadd.s32 s10, s2;
	s10 =	sadd.s32 $0x2000, s13  }
0xf: {  	s6 =	sadd.s32 $0x5F200, s11;
	s7 =	sadd.s32 $0x55200, s11;
	s11 =	sadd.s32 $0x4000, s13  }
0x10: {  	s13 =	sadd.s32 $0x8000, s13;
	s14 =	sadd.s32 $0x69200, s15;
	s15 =	sadd.s32 $0x7D200, s15  }
.LBB2_1:
0x11: {  	[tilespmem:s3], [sflag:$0x3] =	stream.linear.gather [hbm4b:s6+s3], $0x2800, $0x38;
	[tilespmem:$0x17800] =	vst v63  }
0x12: {  	_ =	swait.ge [sflag:s17], $0x2800  }
0x13: {  	[sflag:s17] =	ssyncset.done $0x0  }
0x14: {  	s0 =	simm.s32 $0x2800;
	[sflag:s17] =	ssyncadd.s32 $0xFFFFD800  }
0x15: {  	[tilespmem:s0], [sflag:$0x3] =	stream.linear.gather [hbm4b:s7+s3], $0x2800, $0x38;
	[tilespmem:$0x17800] =	vst v63  }
0x16: {  	_ =	swait.ge [sflag:s17], $0x2800  }
0x17: {  	[sflag:s17] =	ssyncset.done $0x0  }
0x18: {  	[sflag:s17] =	ssyncadd.s32 $0xFFFFD800  }
0x19: {  	[tilespmem:s19], [sflag:$0x3] =	stream.linear.gather [hbm4b:s8+s3], $0x2800, $0x38;
	[tilespmem:$0x17800] =	vst v63  }
0x1a: {  	_ =	swait.ge [sflag:s17], $0x2800  }
0x1b: {  	[sflag:s17] =	ssyncset.done $0x0  }
0x1c: {  	[sflag:s17] =	ssyncadd.s32 $0xFFFFD800  }
0x1d: {  	[tilespmem:s20], [sflag:$0x3] =	stream.linear.gather [hbm4b:s5+s3], $0x2000, $0x38;
	[tilespmem:$0x17800] =	vst v63  }
0x1e: {  	_ =	swait.ge [sflag:s17], $0x2000  }
0x1f: {  	[sflag:s17] =	ssyncset.done $0x0  }
0x20: {  	[sflag:s17] =	ssyncadd.s32 $0xFFFFE000  }
0x21: {  	[spmem:s9] =	stream.linear.scatter [tilespmem:s20], [sflag:$0x3], $0x2000, $0x38;
	[tilespmem:$0x17800] =	vst v63  }
0x22: {  	_ =	swait.ge [sflag:s17], $0x2000  }
0x23: {  	[sflag:s17] =	ssyncset.done $0x0  }
0x24: {  	[sflag:s17] =	ssyncadd.s32 $0xFFFFE000  }
0x25: {  	[spmem:s10] =	stream.linear.scatter [tilespmem:s20], [sflag:$0x3], $0x2000, $0x38;
	[tilespmem:$0x17800] =	vst v63  }
0x26: {  	_ =	swait.ge [sflag:s17], $0x2000  }
0x27: {  	[sflag:s17] =	ssyncset.done $0x0  }
0x28: {  	[sflag:s17] =	ssyncadd.s32 $0xFFFFE000  }
0x29: {  	[spmem:s11] =	stream.linear.scatter [tilespmem:s20], [sflag:$0x3], $0x2000, $0x38;
	[tilespmem:$0x17800] =	vst v63  }
0x2a: {  	_ =	swait.ge [sflag:s17], $0x2000  }
0x2b: {  	[sflag:s17] =	ssyncset.done $0x0  }
0x2c: {  	[sflag:s17] =	ssyncadd.s32 $0xFFFFE000  }
0x2d: {  	[spmem:s12] =	stream.linear.scatter [tilespmem:s20], [sflag:$0x3], $0x2000, $0x38;
	[tilespmem:$0x17800] =	vst v63  }
0x2e: {  	_ =	swait.ge [sflag:s17], $0x2000  }
0x2f: {  	[sflag:s17] =	ssyncset.done $0x0  }
0x30: {  	[sflag:s17] =	ssyncadd.s32 $0xFFFFE000  }
0x31: {  	[spmem:s13] =	stream.linear.scatter [tilespmem:s20], [sflag:$0x3], $0x2000, $0x38;
	[tilespmem:$0x17800] =	vst v63  }
0x32: {  	_ =	swait.ge [sflag:s17], $0x2000  }
0x33: {  	[sflag:s17] =	ssyncset.done $0x0  }
0x34: {  	[sflag:s17] =	ssyncadd.s32 $0xFFFFE000  }
0x35: {  	s28 =	simm.s32 $0x0;
	[bflag:$0x0] =	sbarrier.arrive $0xFFFF  }
0x36: {  	[tilespmem:s22], [sflag:$0x1] =	stream.indirect.gather [hbm4b:s4+s21], $0x40, s28, s21, $0xb8;
	[tilespmem:$0x17800] =	vst v63  }
0x37: {  	s28 =	simm.s32 $0x80  }
0x38: {  	[tilespmem:s23], [sflag:$0x2] =	stream.indirect.gather [hbm4b:s4+s21], $0x40, s28, s21, $0xb8;
	[tilespmem:$0x17800] =	vst v63  }
0x39: {  	_ =	swait.ge [sflag:s24], $0x2000  }
0x3a: {  	[sflag:s24] =	ssyncset.done $0x0  }
0x3b: {  	s28 =	simm.s32 $0x5000;
	[sflag:s24] =	ssyncadd.s32 $0xFFFFE000  }
0x3c: {  	[spmem:s2] =	stream.indirect.scatter.add.f32 [tilespmem:s22], [sflag:$0x3], $0x40, s28, s21, $0xb8;
	[tilespmem:$0x17800] =	vst v63  }
0x3d: {  	_ =	swait.ge [sflag:s17], $0x2000  }
0x3e: {  	[sflag:s17] =	ssyncset.done $0x0  }
0x3f: {  	[sflag:s17] =	ssyncadd.s32 $0xFFFFE000  }
0x40: {  	_ =	swait.ge [sflag:s25], $0x2000  }
0x41: {  	[sflag:s25] =	ssyncset.done $0x0  }
0x42: {  	s28 =	simm.s32 $0x5080;
	[sflag:s25] =	ssyncadd.s32 $0xFFFFE000  }
0x43: {  	[spmem:s2] =	stream.indirect.scatter.add.f32 [tilespmem:s23], [sflag:$0x3], $0x40, s28, s21, $0xb8;
	[tilespmem:$0x17800] =	vst v63  }
0x44: {  	_ =	swait.ge [sflag:s17], $0x2000  }
0x45: {  	s29 =	simm.s32 $0x800;
	s28 =	simm.s32 $0x400;
	[sflag:s17] =	ssyncset.done $0x0  }
.LBB2_2:
0x46: {  	s30 =	sshra.s32 s28, $0x2  }
0x47: {  	[sflag:s17] =	ssyncadd.s32 $0xFFFFE000;
	s28 =	smov.u32 s29;
	s31 =	sadd.s32 $0x400, s29  }
0x48: {  	[tilespmem:s22], [sflag:$0x1] =	stream.indirect.gather [hbm4b:s4+s21], $0x40, s30, s21, $0xb8;
	[tilespmem:$0x17800] =	vst v63  }
0x49: {  	p0 =	sne.s32 s29, $0x9C00;
	s29 =	sadd.s32 $0x80, s30  }
0x4a: {  	[tilespmem:s23], [sflag:$0x2] =	stream.indirect.gather [hbm4b:s4+s21], $0x40, s29, s21, $0xb8;
	[tilespmem:$0x17800] =	vst v63  }
0x4b: {  	_ =	swait.ge [sflag:s24], $0x2000  }
0x4c: {  	[sflag:s24] =	ssyncset.done $0x0  }
0x4d: {  	s29 =	sadd.s32 $0x5000, s30;
	[sflag:s24] =	ssyncadd.s32 $0xFFFFE000  }
0x4e: {  	[spmem:s2] =	stream.indirect.scatter.add.f32 [tilespmem:s22], [sflag:$0x3], $0x40, s29, s21, $0xb8;
	[tilespmem:$0x17800] =	vst v63  }
0x4f: {  	_ =	swait.ge [sflag:s17], $0x2000  }
0x50: {  	[sflag:s17] =	ssyncset.done $0x0  }
0x51: {  	[sflag:s17] =	ssyncadd.s32 $0xFFFFE000  }
0x52: {  	_ =	swait.ge [sflag:s25], $0x2000  }
.Ltmp0:
0x53: {  	[sflag:s25] =	ssyncset.done $0x0;
	(pc) =	sbr.rel @p0 .LBB2_2-.Ltmp0, $4  }
0x54: {  	s29 =	sadd.s32 $0x5080, s30;
	[sflag:s25] =	ssyncadd.s32 $0xFFFFE000  }
0x55: {  	[spmem:s2] =	stream.indirect.scatter.add.f32 [tilespmem:s23], [sflag:$0x3], $0x40, s29, s21, $0xb8;
	[tilespmem:$0x17800] =	vst v63  }
0x56: {  	_ =	swait.ge [sflag:s17], $0x2000  }
0x57: {  	s29 =	smov.u32 s31;
	[sflag:s17] =	ssyncset.done $0x0  }
0x58: {  	s28 =	sshra.s32 s28, $0x2;
	[sflag:s17] =	ssyncadd.s32 $0xFFFFE000  }
0x59: {  	[tilespmem:s22], [sflag:$0x1] =	stream.indirect.gather [hbm4b:s4+s21], $0x40, s28, s21, $0xb8;
	[tilespmem:$0x17800] =	vst v63  }
0x5a: {  	s29 =	sadd.s32 $0x80, s28  }
0x5b: {  	[tilespmem:s23], [sflag:$0x2] =	stream.indirect.gather [hbm4b:s4+s21], $0x40, s29, s21, $0xb8;
	[tilespmem:$0x17800] =	vst v63  }
0x5c: {  	_ =	swait.ge [sflag:s24], $0x2000  }
0x5d: {  	[sflag:s24] =	ssyncset.done $0x0  }
0x5e: {  	s29 =	sadd.s32 $0x5000, s28;
	[sflag:s24] =	ssyncadd.s32 $0xFFFFE000  }
0x5f: {  	[spmem:s2] =	stream.indirect.scatter.add.f32 [tilespmem:s22], [sflag:$0x3], $0x40, s29, s21, $0xb8;
	[tilespmem:$0x17800] =	vst v63  }
0x60: {  	_ =	swait.ge [sflag:s17], $0x2000  }
0x61: {  	[sflag:s17] =	ssyncset.done $0x0  }
0x62: {  	[sflag:s17] =	ssyncadd.s32 $0xFFFFE000  }
0x63: {  	_ =	swait.ge [sflag:s25], $0x2000  }
0x64: {  	[sflag:s25] =	ssyncset.done $0x0  }
0x65: {  	s28 =	sadd.s32 $0x5080, s28;
	[sflag:s25] =	ssyncadd.s32 $0xFFFFE000  }
0x66: {  	[spmem:s2] =	stream.indirect.scatter.add.f32 [tilespmem:s23], [sflag:$0x3], $0x40, s28, s21, $0xb8;
	[tilespmem:$0x17800] =	vst v63  }
0x67: {  	_ =	swait.ge [sflag:s17], $0x2000  }
0x68: {  	s0 =	stileid.u32;
	[sflag:s17] =	ssyncset.done $0x0  }
0x69: {  	s28 =	sshll.u32 s0, $0x6;
	[sflag:s17] =	ssyncadd.s32 $0xFFFFE000  }
0x6a: {  	s29 =	sshrl.u32 s9, $0x3;
	s28 =	sor.u32 $0x1C03, s28;
	[bflag:$0x0] =	sbarrier.arrive $0xFFFF  }
0x6b: {  	[hbm:s14], [sflag:s28] =	dma.local [spmem:s29], $0x1400  }
0x6c: {  	_ =	swait.ge [sflag:s17], $0x1400  }
0x6d: {  	[sflag:s17] =	ssyncset.done $0x0  }
0x6e: {  	[sflag:s17] =	ssyncadd.s32 $0xFFFFEC00  }
0x6f: {  	[spmem:s9] =	stream.linear.scatter [tilespmem:s20], [sflag:$0x3], $0x2000, $0x38;
	[tilespmem:$0x17800] =	vst v63  }
0x70: {  	_ =	swait.ge [sflag:s17], $0x2000  }
0x71: {  	[sflag:s17] =	ssyncset.done $0x0  }
0x72: {  	[sflag:s17] =	ssyncadd.s32 $0xFFFFE000  }
0x73: {  	[spmem:s10] =	stream.linear.scatter [tilespmem:s20], [sflag:$0x3], $0x2000, $0x38;
	[tilespmem:$0x17800] =	vst v63  }
0x74: {  	_ =	swait.ge [sflag:s17], $0x2000  }
0x75: {  	[sflag:s17] =	ssyncset.done $0x0  }
0x76: {  	[sflag:s17] =	ssyncadd.s32 $0xFFFFE000  }
0x77: {  	[spmem:s11] =	stream.linear.scatter [tilespmem:s20], [sflag:$0x3], $0x2000, $0x38;
	[tilespmem:$0x17800] =	vst v63  }
0x78: {  	_ =	swait.ge [sflag:s17], $0x2000  }
0x79: {  	[sflag:s17] =	ssyncset.done $0x0  }
0x7a: {  	[sflag:s17] =	ssyncadd.s32 $0xFFFFE000  }
0x7b: {  	[spmem:s12] =	stream.linear.scatter [tilespmem:s20], [sflag:$0x3], $0x2000, $0x38;
	[tilespmem:$0x17800] =	vst v63  }
0x7c: {  	_ =	swait.ge [sflag:s17], $0x2000  }
0x7d: {  	[sflag:s17] =	ssyncset.done $0x0  }
0x7e: {  	[sflag:s17] =	ssyncadd.s32 $0xFFFFE000  }
0x7f: {  	[spmem:s13] =	stream.linear.scatter [tilespmem:s20], [sflag:$0x3], $0x2000, $0x38;
	[tilespmem:$0x17800] =	vst v63  }
0x80: {  	_ =	swait.ge [sflag:s17], $0x2000  }
0x81: {  	[sflag:s17] =	ssyncset.done $0x0  }
0x82: {  	[sflag:s17] =	ssyncadd.s32 $0xFFFFE000  }
0x83: {  	s30 =	simm.s32 $0x2800;
	[bflag:$0x0] =	sbarrier.arrive $0xFFFF  }
0x84: {  	[tilespmem:s22], [sflag:$0x1] =	stream.indirect.gather [hbm4b:s4+s21], $0x40, s30, s21, $0xb8;
	[tilespmem:$0x17800] =	vst v63  }
0x85: {  	s30 =	simm.s32 $0x2880  }
0x86: {  	[tilespmem:s23], [sflag:$0x2] =	stream.indirect.gather [hbm4b:s4+s21], $0x40, s30, s21, $0xb8;
	[tilespmem:$0x17800] =	vst v63  }
0x87: {  	_ =	swait.ge [sflag:s24], $0x2000  }
0x88: {  	[sflag:s24] =	ssyncset.done $0x0  }
0x89: {  	s30 =	simm.s32 $0x5000;
	[sflag:s24] =	ssyncadd.s32 $0xFFFFE000  }
0x8a: {  	[spmem:s2] =	stream.indirect.scatter.add.f32 [tilespmem:s22], [sflag:$0x3], $0x40, s30, s21, $0xb8;
	[tilespmem:$0x17800] =	vst v63  }
0x8b: {  	_ =	swait.ge [sflag:s17], $0x2000  }
0x8c: {  	[sflag:s17] =	ssyncset.done $0x0  }
0x8d: {  	[sflag:s17] =	ssyncadd.s32 $0xFFFFE000  }
0x8e: {  	_ =	swait.ge [sflag:s25], $0x2000  }
0x8f: {  	[sflag:s25] =	ssyncset.done $0x0  }
0x90: {  	s30 =	simm.s32 $0x5080;
	[sflag:s25] =	ssyncadd.s32 $0xFFFFE000  }
0x91: {  	[spmem:s2] =	stream.indirect.scatter.add.f32 [tilespmem:s23], [sflag:$0x3], $0x40, s30, s21, $0xb8;
	[tilespmem:$0x17800] =	vst v63  }
0x92: {  	_ =	swait.ge [sflag:s17], $0x2000  }
0x93: {  	s31 =	simm.s32 $0x800;
	s30 =	simm.s32 $0x100;
	[sflag:s17] =	ssyncset.done $0x0  }
.LBB2_4:
0x94: {  	s1 =	sadd.s32 $0x2800, s30  }
0x95: {  	[sflag:s17] =	ssyncadd.s32 $0xFFFFE000;
	s0 =	smov.u32 s31;
	s18 =	sadd.s32 $0x400, s31  }
0x96: {  	[tilespmem:s22], [sflag:$0x1] =	stream.indirect.gather [hbm4b:s4+s21], $0x40, s1, s21, $0xb8;
	[tilespmem:$0x17800] =	vst v63  }
0x97: {  	p0 =	sne.s32 s31, $0x9C00;
	s1 =	sadd.s32 $0x2880, s30  }
0x98: {  	[tilespmem:s23], [sflag:$0x2] =	stream.indirect.gather [hbm4b:s4+s21], $0x40, s1, s21, $0xb8;
	[tilespmem:$0x17800] =	vst v63  }
0x99: {  	_ =	swait.ge [sflag:s24], $0x2000  }
0x9a: {  	[sflag:s24] =	ssyncset.done $0x0  }
0x9b: {  	s1 =	sadd.s32 $0x5000, s30;
	[sflag:s24] =	ssyncadd.s32 $0xFFFFE000  }
0x9c: {  	[spmem:s2] =	stream.indirect.scatter.add.f32 [tilespmem:s22], [sflag:$0x3], $0x40, s1, s21, $0xb8;
	[tilespmem:$0x17800] =	vst v63  }
0x9d: {  	_ =	swait.ge [sflag:s17], $0x2000  }
0x9e: {  	[sflag:s17] =	ssyncset.done $0x0  }
0x9f: {  	[sflag:s17] =	ssyncadd.s32 $0xFFFFE000  }
0xa0: {  	_ =	swait.ge [sflag:s25], $0x2000  }
.Ltmp1:
0xa1: {  	[sflag:s25] =	ssyncset.done $0x0;
	(pc) =	sbr.rel @p0 .LBB2_4-.Ltmp1, $4  }
0xa2: {  	s1 =	sadd.s32 $0x5080, s30;
	[sflag:s25] =	ssyncadd.s32 $0xFFFFE000  }
0xa3: {  	[spmem:s2] =	stream.indirect.scatter.add.f32 [tilespmem:s23], [sflag:$0x3], $0x40, s1, s21, $0xb8;
	[tilespmem:$0x17800] =	vst v63  }
0xa4: {  	_ =	swait.ge [sflag:s17], $0x2000  }
0xa5: {  	s31 =	smov.u32 s18;
	s30 =	sshra.s32 s0, $0x2;
	[sflag:s17] =	ssyncset.done $0x0  }
0xa6: {  	s0 =	sadd.s32 $0x2800, s30;
	[sflag:s17] =	ssyncadd.s32 $0xFFFFE000  }
0xa7: {  	[tilespmem:s22], [sflag:$0x1] =	stream.indirect.gather [hbm4b:s4+s21], $0x40, s0, s21, $0xb8;
	[tilespmem:$0x17800] =	vst v63  }
0xa8: {  	s1 =	sadd.s32 $0x2880, s30  }
0xa9: {  	[tilespmem:s23], [sflag:$0x2] =	stream.indirect.gather [hbm4b:s4+s21], $0x40, s1, s21, $0xb8;
	[tilespmem:$0x17800] =	vst v63  }
0xaa: {  	_ =	swait.ge [sflag:s24], $0x2000  }
0xab: {  	[sflag:s24] =	ssyncset.done $0x0  }
0xac: {  	s18 =	sadd.s32 $0x5000, s30;
	[sflag:s24] =	ssyncadd.s32 $0xFFFFE000  }
0xad: {  	[spmem:s2] =	stream.indirect.scatter.add.f32 [tilespmem:s22], [sflag:$0x3], $0x40, s18, s21, $0xb8;
	[tilespmem:$0x17800] =	vst v63  }
0xae: {  	_ =	swait.ge [sflag:s17], $0x2000  }
0xaf: {  	[sflag:s17] =	ssyncset.done $0x0  }
0xb0: {  	[sflag:s17] =	ssyncadd.s32 $0xFFFFE000  }
0xb1: {  	_ =	swait.ge [sflag:s25], $0x2000  }
0xb2: {  	[sflag:s25] =	ssyncset.done $0x0  }
0xb3: {  	s31 =	sadd.s32 $0x5080, s30;
	[sflag:s25] =	ssyncadd.s32 $0xFFFFE000  }
0xb4: {  	[spmem:s2] =	stream.indirect.scatter.add.f32 [tilespmem:s23], [sflag:$0x3], $0x40, s31, s21, $0xb8;
	[tilespmem:$0x17800] =	vst v63  }
0xb5: {  	_ =	swait.ge [sflag:s17], $0x2000  }
0xb6: {  	s26 =	sadd.s32 $0x1, s26;
	[sflag:s17] =	ssyncset.done $0x0  }
0xb7: {  	p0 =	sne.s32 s26, s16;
	[sflag:s17] =	ssyncadd.s32 $0xFFFFE000  }
.Ltmp2:
0xb8: {  	[bflag:$0x0] =	sbarrier.arrive $0xFFFF;
	(pc) =	sbr.rel @p0 .LBB2_1-.Ltmp2, $4  }
0xb9: {  	[hbm:s15], [sflag:s28] =	dma.local [spmem:s29], $0x1400  }
0xba: {  	_ =	swait.ge [sflag:s17], $0x1400  }
0xbb: {  	[sflag:s17] =	ssyncset.done $0x0  }
0xbc: {  	[sflag:s17] =	ssyncadd.s32 $0xFFFFEC00  }
0xbd: {  	_ =	sfence.sel $0x180000  }
0xbe: {  	[bflag:$0x0] =	sbarrier.arrive $0xFFFF  }
0xbf: {  	_ =	strace $0x90000050  }
0xc0: {  	s0 =	stileid.u32;
	[bflag:$0x2] =	sbarrier.arrive $0xFFFF  }
0xc1: {  	p0 =	sne.s32 s0, $0x0;
	s0 =	rddreg [dreg:$0x3]  }
0xc2: {  	s0 =	sadd.s32 @!p0 $0x100000, s0  }
0xc3: {  	[sflag:s0] =	ssyncadd.tile.s32 @!p0 $0x1;
	_ =	shalt  }
.Lfunc_end2:
_tile_overlayer_lowered:
.L_overlay_start_2:
0xc4: {  	(tag) =	ssettag $0x2  }
0xc5: {  	s0 =	rddreg [dreg:$0x0];
	s2 =	stileid.u32  }
0xc6: {  	s1 =	rddreg [dreg:$0x1];
	p0 =	sne.s32 s2, $0x0  }
0xc7: {  	s3 =	rddreg [dreg:$0x2];
	[bflag:$0x3] =	sbarrier.arrive $0xFFFF;
	s2 =	simm.s32 @!p0 $0x1C03  }
0xc8: {  	[timem:s3], [sflag:s2] =	dma.local @!p0 [hbm:s0], s1  }
0xc9: {  	s0 =	simm.s32 @!p0 $0x3  }
0xca: {  	_ =	swait.ge @!p0 [sflag:s0], s1  }
0xcb: {  	s1 =	ssub.s32 @!p0 $0x0, s1;
	[sflag:s0] =	ssyncset.done @!p0 $0x0  }
0xcc: {  	[sflag:s0] =	ssyncadd.s32 @!p0 s1  }
0xcd: {  	[bflag:$0x3] =	sbarrier.arrive $0xFFFF  }
0xce: {  	_ =	shalt  }

</sc_bundles>
